<compile_context>
chip_gen: v7x
topology: tpu7x:2x2x1
jax: 0.10.2.dev20260603
libtpu: 0.0.44.dev20260713+nightly
codegen_flags: <defaults>
</compile_context>

<pallas_src>
import functools

import jax
import jax.numpy as jnp
import numpy as np
from jax import lax
from jax.experimental import pallas as pl
from jax.experimental.pallas import tpu as pltpu
from jax.experimental.pallas import tpu_sc as plsc

_B, _M = 4, 50
_STRIDES = (8, 16, 32, 64, 128)
_LIMIT = ((-1.0, 64.0), (64.0, 128.0), (128.0, 256.0), (256.0, 512.0),
          (512.0, 999999.0))
_SIZES = (128, 64, 32, 16, 8)
_N = sum(s * s for s in _SIZES)
_NW = 32
_S = 688
_NPAD = _NW * _S
_NV = _S // 16
_BM = _B * _M
_BIG = np.float32(99999999.0)
_NLVL = 6
_LVL_CHUNK_STARTS = (1024, 1280, 1344, 1360, 1364)


def _build_loc_tables():
    xs, ys, los, his, rads = [], [], [], [], []
    for i, s in enumerate(_SIZES):
        stride = _STRIDES[i]
        sx = np.arange(0, s * stride, stride, dtype=np.float32) + stride / 2.0
        X, Y = np.meshgrid(sx, sx, indexing='xy')
        xs.append(X.reshape(-1))
        ys.append(Y.reshape(-1))
        n = s * s
        los.append(np.full(n, _LIMIT[i][0], np.float32))
        his.append(np.full(n, _LIMIT[i][1], np.float32))
        rads.append(np.full(n, stride * 1.5, np.float32))
    pad = _NPAD - _N
    x = np.concatenate(xs + [np.zeros(pad, np.float32)])
    y = np.concatenate(ys + [np.zeros(pad, np.float32)])
    lo = np.concatenate(los + [np.full(pad, 1.0, np.float32)])
    hi = np.concatenate(his + [np.zeros(pad, np.float32)])
    rad = np.concatenate(rads + [np.zeros(pad, np.float32)])
    return x, y, lo, hi, rad


_LOC_X, _LOC_Y, _LOC_LO, _LOC_HI, _LOC_RAD = _build_loc_tables()
_COORDS = np.stack([_LOC_X[:_N], _LOC_Y[:_N]], axis=-1)

_NCHUNK = _NPAD // 16
_t = np.arange(_NCHUNK)
_oldchunk = (_t % _NV) * _NW + _t // _NV
_PERM = (_oldchunk.reshape(-1, 1) * 16 + np.arange(16)).reshape(-1)

_LOC_X = _LOC_X[_PERM]
_LOC_Y = _LOC_Y[_PERM]
_LOC_LO = _LOC_LO[_PERM]
_LOC_HI = _LOC_HI[_PERM]
_LOC_RAD = _LOC_RAD[_PERM]


def _sqrt16(x):
    i = lax.bitcast_convert_type(x, jnp.int32)
    i = jnp.int32(0x5F3759DF) - (i >> 1)
    r = lax.bitcast_convert_type(i, jnp.float32)
    half, th = jnp.float32(0.5), jnp.float32(1.5)
    for _ in range(3):
        r = r * (th - half * x * r * r)
    return x * r


_MESH = plsc.VectorSubcoreMesh(core_axis_name="c", subcore_axis_name="s")


@functools.partial(
    pl.kernel,
    mesh=_MESH,
    out_type=[
        jax.ShapeDtypeStruct((_B * _NPAD,), jnp.int32),
        jax.ShapeDtypeStruct((_B * _NPAD,), jnp.float32),
        jax.ShapeDtypeStruct((_B * _NPAD,), jnp.float32),
        jax.ShapeDtypeStruct((_B * _NPAD,), jnp.float32),
        jax.ShapeDtypeStruct((_B * _NPAD,), jnp.float32),
        jax.ShapeDtypeStruct((_B * _NPAD,), jnp.float32),
    ],
    scratch_types=[
        pltpu.VMEM((_BM * 4 + 16,), jnp.float32),
        pltpu.VMEM((_BM + 16,), jnp.int32),
        pltpu.VMEM((_BM * 16,), jnp.float32),
        pltpu.VMEM((_BM * 16,), jnp.float32),
        pltpu.VMEM((_BM * 16,), jnp.float32),
        pltpu.VMEM((_BM * 16,), jnp.float32),
        pltpu.VMEM((_BM * 16,), jnp.float32),
        pltpu.VMEM((_BM * 16,), jnp.float32),
        pltpu.VMEM((_BM * 16,), jnp.int32),
        pltpu.VMEM((_BM * 16,), jnp.float32),
        pltpu.VMEM((_S,), jnp.float32),
        pltpu.VMEM((_S,), jnp.float32),
        pltpu.VMEM((_S,), jnp.float32),
        pltpu.VMEM((_S,), jnp.float32),
        pltpu.VMEM((_S,), jnp.float32),
        pltpu.VMEM((_B * _S,), jnp.int32),
        pltpu.VMEM((_B * _S,), jnp.float32),
        pltpu.VMEM((_B * _S,), jnp.float32),
        pltpu.VMEM((_B * _S,), jnp.float32),
        pltpu.VMEM((_B * _S,), jnp.float32),
        pltpu.VMEM((_B * _S,), jnp.float32),
        pltpu.SMEM((_B * _NLVL * _M + 8,), jnp.int32),
        pltpu.SMEM((_B * _NLVL,), jnp.int32),
        pltpu.SemaphoreType.DMA,
        pltpu.SemaphoreType.DMA,
    ],
)
def _sc_gen_targets(g4, cls_in,
                    lx, ly, llo, lhi, lrad,
                    ocls, ocnt, ol, ot, orr, ob,
                    g4v, clsv,
                    gx1, gy1, gx2, gy2, gcx, gcy, gcls, gmw,
                    vx, vy, vlo, vhi, vrad,
                    bcls, bcnt, bl, bt, br, bb,
                    lsts, lcnts, isem, osem):
    wid = lax.axis_index("s") * 2 + lax.axis_index("c")
    base = wid * _S

    stage = [
        (g4, g4v.at[pl.ds(0, _BM * 4)]),
        (cls_in, clsv.at[pl.ds(0, _BM)]),
        (lx.at[pl.ds(base, _S)], vx),
        (ly.at[pl.ds(base, _S)], vy),
        (llo.at[pl.ds(base, _S)], vlo),
        (lhi.at[pl.ds(base, _S)], vhi),
        (lrad.at[pl.ds(base, _S)], vrad),
    ]
    for s_, d_ in stage:
        pltpu.async_copy(s_, d_, isem)
    for s_, d_ in stage:
        pltpu.make_async_copy(s_, d_, isem).wait()

    half = jnp.float32(0.5)

    def pre(r_, c):
        o = r_ * 16
        vals = g4v[pl.ds(r_ * 4, 16)]
        x1 = vals[0]
        y1 = vals[1]
        x2 = vals[2]
        y2 = vals[3]
        cv = clsv[pl.ds(r_, 16)][0]
        gx1[pl.ds(o, 16)] = jnp.broadcast_to(x1, (16,))
        gy1[pl.ds(o, 16)] = jnp.broadcast_to(y1, (16,))
        gx2[pl.ds(o, 16)] = jnp.broadcast_to(x2, (16,))
        gy2[pl.ds(o, 16)] = jnp.broadcast_to(y2, (16,))
        gcls[pl.ds(o, 16)] = jnp.broadcast_to(cv, (16,))
        gcx[pl.ds(o, 16)] = jnp.broadcast_to((x1 + x2) * half, (16,))
        gcy[pl.ds(o, 16)] = jnp.broadcast_to((y1 + y2) * half, (16,))
        gmw[pl.ds(o, 16)] = jnp.broadcast_to(
            jnp.maximum(x2 - x1, y2 - y1) * half, (16,))
        return c

    lax.fori_loop(0, _BM, pre, 0)

    def _lvl_of(ch):
        lv = jnp.int32(0)
        for s_ in _LVL_CHUNK_STARTS:
            lv = lv + (ch >= s_).astype(jnp.int32)
        return lv

    lvl_first = jnp.int32(0)
    lvl_last = _lvl_of((_NV - 1) * _NW + wid)

    for sl in range(_B * _NLVL):
        lcnts[sl] = jnp.int32(0)

    for lv in range(5):
        lo_t = jnp.float32(_LIMIT[lv][0])
        hi_t = jnp.float32(_LIMIT[lv][1])
        slack = jnp.float32(_STRIDES[lv] * 1.5 + 1.0)
        margin = jnp.float32(1.0)
        needed = ((jnp.int32(lv) >= lvl_first) & (jnp.int32(lv) <= lvl_last))

        @pl.when(needed)
        def _build_lv(lv=lv, lo_t=lo_t, hi_t=hi_t, slack=slack,
                      margin=margin):
            for b in range(_B):
                loff = (b * _NLVL + lv) * _M

                def app(m, cnt, b=b, loff=loff):
                    mw = gmw[pl.ds((b * _M + m) * 16, 16)][0]
                    cond = ((mw - margin <= hi_t) & (mw + slack > lo_t))

                    @pl.when(cond)
                    def _():
                        lsts[loff + cnt] = m

                    return cnt + cond.astype(jnp.int32)

                cnt = lax.fori_loop(0, _M, app, jnp.int32(0))
                lcnts[b * _NLVL + lv] = cnt

    big = jnp.full((16,), _BIG, jnp.float32)

    def body(t, c):
        b = t // _NV
        v = t - b * _NV
        off = v * 16
        x = vx[pl.ds(off, 16)]
        y = vy[pl.ds(off, 16)]
        lo = vlo[pl.ds(off, 16)]
        hi = vhi[pl.ds(off, 16)]
        rad = vrad[pl.ds(off, 16)]
        lvl = _lvl_of(v * _NW + wid)
        slot = b * _NLVL + lvl
        loff = slot * _M
        ncand = lcnts[slot]
        rowb16 = b * _M * 16

        def inner(j, carry):
            best_area, best_l, best_t, best_r, best_b, best_c = carry
            ro = rowb16 + lsts[loff + j] * 16
            l_ = x - gx1[pl.ds(ro, 16)]
            t_ = y - gy1[pl.ds(ro, 16)]
            r_ = gx2[pl.ds(ro, 16)] - x
            b_ = gy2[pl.ds(ro, 16)] - y
            area = (l_ + r_) * (t_ + b_)
            omin = jnp.minimum(jnp.minimum(l_, t_), jnp.minimum(r_, b_))
            omax = jnp.maximum(jnp.maximum(l_, t_), jnp.maximum(r_, b_))
            cl = x - gcx[pl.ds(ro, 16)]
            ct = y - gcy[pl.ds(ro, 16)]
            cmax = jnp.maximum(jnp.abs(cl), jnp.abs(ct))
            pos = ((omin > 0.0) & (omax > lo) & (omax <= hi) & (cmax < rad))
            area_m = jnp.where(pos, area, big)
            upd = area_m < best_area
            best_area = jnp.where(upd, area_m, best_area)
            best_l = jnp.where(upd, l_, best_l)
            best_t = jnp.where(upd, t_, best_t)
            best_r = jnp.where(upd, r_, best_r)
            best_b = jnp.where(upd, b_, best_b)
            best_c = jnp.where(upd, gcls[pl.ds(ro, 16)], best_c)
            return best_area, best_l, best_t, best_r, best_b, best_c

        zero = jnp.zeros((16,), jnp.float32)
        best_area, best_l, best_t, best_r, best_b, best_c = lax.fori_loop(
            0, ncand, inner,
            (big, zero, zero, zero, zero, jnp.zeros((16,), jnp.int32)))
        anyp = best_area < big
        neg1 = jnp.float32(-1.0)
        bo = b * _S + off
        bl[pl.ds(bo, 16)] = jnp.where(anyp, best_l, neg1)
        bt[pl.ds(bo, 16)] = jnp.where(anyp, best_t, neg1)
        br[pl.ds(bo, 16)] = jnp.where(anyp, best_r, neg1)
        bb[pl.ds(bo, 16)] = jnp.where(anyp, best_b, neg1)
        bcls[pl.ds(bo, 16)] = jnp.where(anyp, best_c, 0)
        lc = jnp.maximum(best_l, 0.0)
        tc = jnp.maximum(best_t, 0.0)
        rc = jnp.maximum(best_r, 0.0)
        bc = jnp.maximum(best_b, 0.0)
        ratio = (jnp.minimum(lc, rc) * jnp.minimum(tc, bc)
                 / (jnp.maximum(lc, rc) * jnp.maximum(tc, bc) + jnp.float32(1e-10)))
        safe = jnp.where(anyp, ratio, jnp.float32(1.0))
        bcnt[pl.ds(bo, 16)] = jnp.where(anyp, _sqrt16(safe), neg1)
        oo = b * _NPAD + (v * _NW + wid) * 16
        pltpu.async_copy(bcls.at[pl.ds(bo, 16)], ocls.at[pl.ds(oo, 16)], osem)
        pltpu.async_copy(bcnt.at[pl.ds(bo, 16)], ocnt.at[pl.ds(oo, 16)], osem)
        pltpu.async_copy(bl.at[pl.ds(bo, 16)], ol.at[pl.ds(oo, 16)], osem)
        pltpu.async_copy(bt.at[pl.ds(bo, 16)], ot.at[pl.ds(oo, 16)], osem)
        pltpu.async_copy(br.at[pl.ds(bo, 16)], orr.at[pl.ds(oo, 16)], osem)
        pltpu.async_copy(bb.at[pl.ds(bo, 16)], ob.at[pl.ds(oo, 16)], osem)
        return c

    lax.fori_loop(0, _B * _NV, body, 0)

    def drain(t, c):
        b = t // _NV
        v = t - b * _NV
        bo = b * _S + v * 16
        oo = b * _NPAD + (v * _NW + wid) * 16
        pltpu.make_async_copy(bcls.at[pl.ds(bo, 16)],
                              ocls.at[pl.ds(oo, 16)], osem).wait()
        pltpu.make_async_copy(bcnt.at[pl.ds(bo, 16)],
                              ocnt.at[pl.ds(oo, 16)], osem).wait()
        pltpu.make_async_copy(bl.at[pl.ds(bo, 16)],
                              ol.at[pl.ds(oo, 16)], osem).wait()
        pltpu.make_async_copy(bt.at[pl.ds(bo, 16)],
                              ot.at[pl.ds(oo, 16)], osem).wait()
        pltpu.make_async_copy(br.at[pl.ds(bo, 16)],
                              orr.at[pl.ds(oo, 16)], osem).wait()
        pltpu.make_async_copy(bb.at[pl.ds(bo, 16)],
                              ob.at[pl.ds(oo, 16)], osem).wait()
        return c

    lax.fori_loop(0, _B * _NV, drain, 0)


def kernel(cls_logits_0, cnt_logits_0, reg_preds_0,
           cls_logits_1, cnt_logits_1, reg_preds_1,
           cls_logits_2, cnt_logits_2, reg_preds_2,
           cls_logits_3, cnt_logits_3, reg_preds_3,
           cls_logits_4, cnt_logits_4, reg_preds_4,
           gt_boxes, classes):
    ocls, ocnt, ol, ot, orr, ob = _sc_gen_targets(
        gt_boxes.reshape(_BM * 4), classes.reshape(_BM),
        jnp.asarray(_LOC_X), jnp.asarray(_LOC_Y), jnp.asarray(_LOC_LO),
        jnp.asarray(_LOC_HI), jnp.asarray(_LOC_RAD))

    cls_t = ocls.reshape(_B, _NPAD)[:, :_N, None]
    cnt_t = ocnt.reshape(_B, _NPAD)[:, :_N, None]
    reg_t = jnp.stack([ol.reshape(_B, _NPAD)[:, :_N],
                       ot.reshape(_B, _NPAD)[:, :_N],
                       orr.reshape(_B, _NPAD)[:, :_N],
                       ob.reshape(_B, _NPAD)[:, :_N]], axis=-1)
    coords = jnp.asarray(_COORDS)
    return cls_t, cnt_t, reg_t, coords

# --- scband reference (transcript-rebuilt; emitter-appended) ---
"""Pipeline reference for scband-gen-targets-85014582657516 (READ-ONLY COPY).

The authoritative reference and input builder live on the scoring server;
editing this copy changes nothing except your own understanding.
"""

import jax, jax.numpy as jnp
import numpy as np

STRIDES = [8, 16, 32, 64, 128]
LIMIT = [(-1.0, 64.0), (64.0, 128.0), (128.0, 256.0), (256.0, 512.0), (512.0, 999999.0)]
SIZES = [128, 64, 32, 16, 8]
B, C, M = 4, 80, 50


def setup_inputs(seed: int = 0):
    key = jax.random.key(seed)
    ks = jax.random.split(key, 20)
    inp = {}
    for i, s in enumerate(SIZES):
        inp['cls_logits_%d' % i] = jax.random.normal(ks[3 * i], (B, C, s, s), dtype=jnp.float32)
        inp['cnt_logits_%d' % i] = jax.random.normal(ks[3 * i + 1], (B, 1, s, s), dtype=jnp.float32)
        inp['reg_preds_%d' % i] = jax.random.normal(ks[3 * i + 2], (B, 4, s, s), dtype=jnp.float32)
    x1 = jax.random.uniform(ks[15], (B, M, 1), minval=0.0, maxval=800.0)
    y1 = jax.random.uniform(ks[16], (B, M, 1), minval=0.0, maxval=800.0)
    wh = jax.random.uniform(ks[17], (B, M, 2), minval=24.0, maxval=320.0)
    x2 = jnp.clip(x1 + wh[..., 0:1], None, 1024.0)
    y2 = jnp.clip(y1 + wh[..., 1:2], None, 1024.0)
    inp['gt_boxes'] = jnp.concatenate([x1, y1, x2, y2], axis=-1)
    inp['classes'] = jax.random.randint(ks[18], (B, M), 1, 81, dtype=jnp.int32)
    return inp


def _level_targets(hw, stride, lr, gt_boxes, classes):
    h, w = hw
    b, m = gt_boxes.shape[0], gt_boxes.shape[1]
    sx = jnp.arange(0, w * stride, stride, dtype=jnp.float32) + stride / 2.0
    sy = jnp.arange(0, h * stride, stride, dtype=jnp.float32) + stride / 2.0
    X, Y = jnp.meshgrid(sx, sy, indexing='xy')
    coords = jnp.stack([X.reshape(-1), Y.reshape(-1)], axis=-1)
    hw_n = h * w
    x = coords[:, 0]
    y = coords[:, 1]
    l_off = x[None, :, None] - gt_boxes[..., 0][:, None, :]
    t_off = y[None, :, None] - gt_boxes[..., 1][:, None, :]
    r_off = gt_boxes[..., 2][:, None, :] - x[None, :, None]
    b_off = gt_boxes[..., 3][:, None, :] - y[None, :, None]
    ltrb = jnp.stack([l_off, t_off, r_off, b_off], axis=-1)
    areas = (ltrb[..., 0] + ltrb[..., 2]) * (ltrb[..., 1] + ltrb[..., 3])
    off_min = jnp.min(ltrb, axis=-1)
    off_max = jnp.max(ltrb, axis=-1)
    mask_in = off_min > 0
    mask_lv = (off_max > lr[0]) & (off_max <= lr[1])
    radiu = stride * 1.5
    cx = (gt_boxes[..., 0] + gt_boxes[..., 2]) / 2.0
    cy = (gt_boxes[..., 1] + gt_boxes[..., 3]) / 2.0
    c_l = x[None, :, None] - cx[:, None, :]
    c_t = y[None, :, None] - cy[:, None, :]
    c_r = cx[:, None, :] - x[None, :, None]
    c_b = cy[:, None, :] - y[None, :, None]
    c_max = jnp.max(jnp.stack([c_l, c_t, c_r, c_b], axis=-1), axis=-1)
    mask_c = c_max < radiu
    mask_pos = mask_in & mask_lv & mask_c
    areas_m = jnp.where(mask_pos, areas, 99999999.0)
    ind = jnp.argmin(areas_m, axis=-1)
    idx4 = jnp.broadcast_to(ind[:, :, None, None], (b, hw_n, 1, 4))
    pos_reg = jnp.take_along_axis(ltrb, idx4, axis=2)[:, :, 0, :]
    mask2 = jnp.sum(mask_pos.astype(jnp.int32), axis=-1) >= 1
    reg_t = jnp.where(mask2[..., None], pos_reg, -1.0)
    cls_b = jnp.broadcast_to(classes[:, None, :], (b, hw_n, m))
    pos_cls = jnp.take_along_axis(cls_b, ind[:, :, None], axis=2)
    cls_t = jnp.where(mask2[..., None], pos_cls, 0)
    l_ = jnp.clip(pos_reg[..., 0], 0.0, None)
    t_ = jnp.clip(pos_reg[..., 1], 0.0, None)
    r_ = jnp.clip(pos_reg[..., 2], 0.0, None)
    b_ = jnp.clip(pos_reg[..., 3], 0.0, None)
    lr_min = jnp.minimum(l_, r_)
    lr_max = jnp.maximum(l_, r_)
    tb_min = jnp.minimum(t_, b_)
    tb_max = jnp.maximum(t_, b_)
    ratio = lr_min * tb_min / (lr_max * tb_max + 1e-10)
    safe = jnp.where(mask2, ratio, 1.0)
    cnt = jnp.sqrt(safe)[..., None]
    cnt_t = jnp.where(mask2[..., None], cnt, -1.0)
    return cls_t, cnt_t, reg_t, coords


def reference(cls_logits_0, cnt_logits_0, reg_preds_0,
              cls_logits_1, cnt_logits_1, reg_preds_1,
              cls_logits_2, cnt_logits_2, reg_preds_2,
              cls_logits_3, cnt_logits_3, reg_preds_3,
              cls_logits_4, cnt_logits_4, reg_preds_4,
              gt_boxes, classes):
    cls_list = [cls_logits_0, cls_logits_1, cls_logits_2, cls_logits_3, cls_logits_4]
    cls_all, cnt_all, reg_all, coord_all = [], [], [], []
    for i in range(5):
        h, w = cls_list[i].shape[2], cls_list[i].shape[3]
        ct, cn, rg, co = _level_targets((h, w), STRIDES[i], LIMIT[i], gt_boxes, classes)
        cls_all.append(ct)
        cnt_all.append(cn)
        reg_all.append(rg)
        coord_all.append(co)
    return (jnp.concatenate(cls_all, axis=1),
            jnp.concatenate(cnt_all, axis=1),
            jnp.concatenate(reg_all, axis=1),
            jnp.concatenate(coord_all, axis=0))

if __name__ == "__main__":
    import jax
    _d = setup_inputs()
    print(jax.jit(kernel)(*tuple(_d.values())))

</pallas_src>

<mosaic_0001>
#map = affine_map<(d0, d1) -> (0)>
module attributes {stable_mosaic.version = 14 : i64} {
  func.func @_sc_gen_targets(%arg0: i32, %arg1: i32, %arg2: memref<800xf32, #tpu.memory_space<hbm>>, %arg3: memref<200xi32, #tpu.memory_space<hbm>>, %arg4: memref<22016xf32, #tpu.memory_space<hbm>>, %arg5: memref<22016xf32, #tpu.memory_space<hbm>>, %arg6: memref<22016xf32, #tpu.memory_space<hbm>>, %arg7: memref<22016xf32, #tpu.memory_space<hbm>>, %arg8: memref<22016xf32, #tpu.memory_space<hbm>>, %arg9: memref<88064xi32, #tpu.memory_space<hbm>>, %arg10: memref<88064xf32, #tpu.memory_space<hbm>>, %arg11: memref<88064xf32, #tpu.memory_space<hbm>>, %arg12: memref<88064xf32, #tpu.memory_space<hbm>>, %arg13: memref<88064xf32, #tpu.memory_space<hbm>>, %arg14: memref<88064xf32, #tpu.memory_space<hbm>>, %arg15: memref<816xf32, #tpu.memory_space<vmem>>, %arg16: memref<216xi32, #tpu.memory_space<vmem>>, %arg17: memref<3200xf32, #tpu.memory_space<vmem>>, %arg18: memref<3200xf32, #tpu.memory_space<vmem>>, %arg19: memref<3200xf32, #tpu.memory_space<vmem>>, %arg20: memref<3200xf32, #tpu.memory_space<vmem>>, %arg21: memref<3200xf32, #tpu.memory_space<vmem>>, %arg22: memref<3200xf32, #tpu.memory_space<vmem>>, %arg23: memref<3200xi32, #tpu.memory_space<vmem>>, %arg24: memref<3200xf32, #tpu.memory_space<vmem>>, %arg25: memref<688xf32, #tpu.memory_space<vmem>>, %arg26: memref<688xf32, #tpu.memory_space<vmem>>, %arg27: memref<688xf32, #tpu.memory_space<vmem>>, %arg28: memref<688xf32, #tpu.memory_space<vmem>>, %arg29: memref<688xf32, #tpu.memory_space<vmem>>, %arg30: memref<2752xi32, #tpu.memory_space<vmem>>, %arg31: memref<2752xf32, #tpu.memory_space<vmem>>, %arg32: memref<2752xf32, #tpu.memory_space<vmem>>, %arg33: memref<2752xf32, #tpu.memory_space<vmem>>, %arg34: memref<2752xf32, #tpu.memory_space<vmem>>, %arg35: memref<2752xf32, #tpu.memory_space<vmem>>, %arg36: memref<1208xi32, #tpu.memory_space<smem>>, %arg37: memref<24xi32, #tpu.memory_space<smem>>, %arg38: memref<!tpu.dma_semaphore, #tpu.memory_space<semaphore_mem>>, %arg39: memref<!tpu.dma_semaphore, #tpu.memory_space<semaphore_mem>>) attributes {dimension_semantics = [#tpu.dimension_semantics<core_parallel>, #tpu.dimension_semantics<subcore_parallel>], iteration_bounds = array<i64: 2, 16>, scalar_prefetch = 0 : i64, scratch_operands = 25 : i64, tpu.core_type = #tpu.core_type<sc_vector_subcore>, window_params = [{transform_indices = #map}, {transform_indices = #map}, {transform_indices = #map}, {transform_indices = #map}, {transform_indices = #map}, {transform_indices = #map}, {transform_indices = #map}, {transform_indices = #map}, {transform_indices = #map}, {transform_indices = #map}, {transform_indices = #map}, {transform_indices = #map}, {transform_indices = #map}]} {
    %mul3A = arith.constant 2 : i32
    %mul3A_0 = arith.muli %arg1, %mul3A : i32
    %add3A = arith.addi %mul3A_0, %arg0 : i32
    %mul3A_1 = arith.constant 688 : i32
    %mul3A_2 = arith.muli %add3A, %mul3A_1 : i32
    %dma_start3A = arith.constant 0 : i32
    %dma_start3A_3 = tpu.memref_slice %arg15[%dma_start3A] : memref<816xf32, #tpu.memory_space<vmem>> -> memref<800xf32, #tpu.memory_space<vmem>>
    %dma_start3A_4 = arith.constant 0 : i32
    %dma_start3A_5 = tpu.memref_slice %arg15[%dma_start3A_4] : memref<816xf32, #tpu.memory_space<vmem>> -> memref<800xf32, #tpu.memory_space<vmem>>
    tpu.enqueue_dma source(%arg2 : memref<800xf32, #tpu.memory_space<hbm>>) target(%dma_start3A_5 : memref<800xf32, #tpu.memory_space<vmem>>) target_semaphore(%arg38 : memref<!tpu.dma_semaphore, #tpu.memory_space<semaphore_mem>>)
    %dma_start3A_6 = arith.constant 0 : i32
    %dma_start3A_7 = tpu.memref_slice %arg16[%dma_start3A_6] : memref<216xi32, #tpu.memory_space<vmem>> -> memref<200xi32, #tpu.memory_space<vmem>>
    %dma_start3A_8 = arith.constant 0 : i32
    %dma_start3A_9 = tpu.memref_slice %arg16[%dma_start3A_8] : memref<216xi32, #tpu.memory_space<vmem>> -> memref<200xi32, #tpu.memory_space<vmem>>
    tpu.enqueue_dma source(%arg3 : memref<200xi32, #tpu.memory_space<hbm>>) target(%dma_start3A_9 : memref<200xi32, #tpu.memory_space<vmem>>) target_semaphore(%arg38 : memref<!tpu.dma_semaphore, #tpu.memory_space<semaphore_mem>>)
    %dma_start3A_10 = tpu.memref_slice %arg4[%mul3A_2] : memref<22016xf32, #tpu.memory_space<hbm>> -> memref<688xf32, #tpu.memory_space<hbm>>
    %dma_start3A_11 = tpu.memref_slice %arg4[%mul3A_2] : memref<22016xf32, #tpu.memory_space<hbm>> -> memref<688xf32, #tpu.memory_space<hbm>>
    tpu.enqueue_dma source(%dma_start3A_11 : memref<688xf32, #tpu.memory_space<hbm>>) target(%arg25 : memref<688xf32, #tpu.memory_space<vmem>>) target_semaphore(%arg38 : memref<!tpu.dma_semaphore, #tpu.memory_space<semaphore_mem>>)
    %dma_start3A_12 = tpu.memref_slice %arg5[%mul3A_2] : memref<22016xf32, #tpu.memory_space<hbm>> -> memref<688xf32, #tpu.memory_space<hbm>>
    %dma_start3A_13 = tpu.memref_slice %arg5[%mul3A_2] : memref<22016xf32, #tpu.memory_space<hbm>> -> memref<688xf32, #tpu.memory_space<hbm>>
    tpu.enqueue_dma source(%dma_start3A_13 : memref<688xf32, #tpu.memory_space<hbm>>) target(%arg26 : memref<688xf32, #tpu.memory_space<vmem>>) target_semaphore(%arg38 : memref<!tpu.dma_semaphore, #tpu.memory_space<semaphore_mem>>)
    %dma_start3A_14 = tpu.memref_slice %arg6[%mul3A_2] : memref<22016xf32, #tpu.memory_space<hbm>> -> memref<688xf32, #tpu.memory_space<hbm>>
    %dma_start3A_15 = tpu.memref_slice %arg6[%mul3A_2] : memref<22016xf32, #tpu.memory_space<hbm>> -> memref<688xf32, #tpu.memory_space<hbm>>
    tpu.enqueue_dma source(%dma_start3A_15 : memref<688xf32, #tpu.memory_space<hbm>>) target(%arg27 : memref<688xf32, #tpu.memory_space<vmem>>) target_semaphore(%arg38 : memref<!tpu.dma_semaphore, #tpu.memory_space<semaphore_mem>>)
    %dma_start3A_16 = tpu.memref_slice %arg7[%mul3A_2] : memref<22016xf32, #tpu.memory_space<hbm>> -> memref<688xf32, #tpu.memory_space<hbm>>
    %dma_start3A_17 = tpu.memref_slice %arg7[%mul3A_2] : memref<22016xf32, #tpu.memory_space<hbm>> -> memref<688xf32, #tpu.memory_space<hbm>>
    tpu.enqueue_dma source(%dma_start3A_17 : memref<688xf32, #tpu.memory_space<hbm>>) target(%arg28 : memref<688xf32, #tpu.memory_space<vmem>>) target_semaphore(%arg38 : memref<!tpu.dma_semaphore, #tpu.memory_space<semaphore_mem>>)
    %dma_start3A_18 = tpu.memref_slice %arg8[%mul3A_2] : memref<22016xf32, #tpu.memory_space<hbm>> -> memref<688xf32, #tpu.memory_space<hbm>>
    %dma_start3A_19 = tpu.memref_slice %arg8[%mul3A_2] : memref<22016xf32, #tpu.memory_space<hbm>> -> memref<688xf32, #tpu.memory_space<hbm>>
    tpu.enqueue_dma source(%dma_start3A_19 : memref<688xf32, #tpu.memory_space<hbm>>) target(%arg29 : memref<688xf32, #tpu.memory_space<vmem>>) target_semaphore(%arg38 : memref<!tpu.dma_semaphore, #tpu.memory_space<semaphore_mem>>)
    %dma_wait3A = arith.constant 0 : i32
    %dma_wait3A_20 = tpu.memref_slice %arg15[%dma_wait3A] : memref<816xf32, #tpu.memory_space<vmem>> -> memref<800xf32, #tpu.memory_space<vmem>>
    %dma_wait3A_21 = arith.constant 0 : i32
    %dma_wait3A_22 = tpu.memref_slice %arg15[%dma_wait3A_21] : memref<816xf32, #tpu.memory_space<vmem>> -> memref<800xf32, #tpu.memory_space<vmem>>
    tpu.wait_dma2 semaphore(%arg38 : memref<!tpu.dma_semaphore, #tpu.memory_space<semaphore_mem>>) src(%arg2 : memref<800xf32, #tpu.memory_space<hbm>>) dst(%dma_wait3A_22 : memref<800xf32, #tpu.memory_space<vmem>>)
    %dma_wait3A_23 = arith.constant 0 : i32
    %dma_wait3A_24 = tpu.memref_slice %arg16[%dma_wait3A_23] : memref<216xi32, #tpu.memory_space<vmem>> -> memref<200xi32, #tpu.memory_space<vmem>>
    %dma_wait3A_25 = arith.constant 0 : i32
    %dma_wait3A_26 = tpu.memref_slice %arg16[%dma_wait3A_25] : memref<216xi32, #tpu.memory_space<vmem>> -> memref<200xi32, #tpu.memory_space<vmem>>
    tpu.wait_dma2 semaphore(%arg38 : memref<!tpu.dma_semaphore, #tpu.memory_space<semaphore_mem>>) src(%arg3 : memref<200xi32, #tpu.memory_space<hbm>>) dst(%dma_wait3A_26 : memref<200xi32, #tpu.memory_space<vmem>>)
    %dma_wait3A_27 = tpu.memref_slice %arg4[%mul3A_2] : memref<22016xf32, #tpu.memory_space<hbm>> -> memref<688xf32, #tpu.memory_space<hbm>>
    %dma_wait3A_28 = tpu.memref_slice %arg4[%mul3A_2] : memref<22016xf32, #tpu.memory_space<hbm>> -> memref<688xf32, #tpu.memory_space<hbm>>
    tpu.wait_dma2 semaphore(%arg38 : memref<!tpu.dma_semaphore, #tpu.memory_space<semaphore_mem>>) src(%dma_wait3A_28 : memref<688xf32, #tpu.memory_space<hbm>>) dst(%arg25 : memref<688xf32, #tpu.memory_space<vmem>>)
    %dma_wait3A_29 = tpu.memref_slice %arg5[%mul3A_2] : memref<22016xf32, #tpu.memory_space<hbm>> -> memref<688xf32, #tpu.memory_space<hbm>>
    %dma_wait3A_30 = tpu.memref_slice %arg5[%mul3A_2] : memref<22016xf32, #tpu.memory_space<hbm>> -> memref<688xf32, #tpu.memory_space<hbm>>
    tpu.wait_dma2 semaphore(%arg38 : memref<!tpu.dma_semaphore, #tpu.memory_space<semaphore_mem>>) src(%dma_wait3A_30 : memref<688xf32, #tpu.memory_space<hbm>>) dst(%arg26 : memref<688xf32, #tpu.memory_space<vmem>>)
    %dma_wait3A_31 = tpu.memref_slice %arg6[%mul3A_2] : memref<22016xf32, #tpu.memory_space<hbm>> -> memref<688xf32, #tpu.memory_space<hbm>>
    %dma_wait3A_32 = tpu.memref_slice %arg6[%mul3A_2] : memref<22016xf32, #tpu.memory_space<hbm>> -> memref<688xf32, #tpu.memory_space<hbm>>
    tpu.wait_dma2 semaphore(%arg38 : memref<!tpu.dma_semaphore, #tpu.memory_space<semaphore_mem>>) src(%dma_wait3A_32 : memref<688xf32, #tpu.memory_space<hbm>>) dst(%arg27 : memref<688xf32, #tpu.memory_space<vmem>>)
    %dma_wait3A_33 = tpu.memref_slice %arg7[%mul3A_2] : memref<22016xf32, #tpu.memory_space<hbm>> -> memref<688xf32, #tpu.memory_space<hbm>>
    %dma_wait3A_34 = tpu.memref_slice %arg7[%mul3A_2] : memref<22016xf32, #tpu.memory_space<hbm>> -> memref<688xf32, #tpu.memory_space<hbm>>
    tpu.wait_dma2 semaphore(%arg38 : memref<!tpu.dma_semaphore, #tpu.memory_space<semaphore_mem>>) src(%dma_wait3A_34 : memref<688xf32, #tpu.memory_space<hbm>>) dst(%arg28 : memref<688xf32, #tpu.memory_space<vmem>>)
    %dma_wait3A_35 = tpu.memref_slice %arg8[%mul3A_2] : memref<22016xf32, #tpu.memory_space<hbm>> -> memref<688xf32, #tpu.memory_space<hbm>>
    %dma_wait3A_36 = tpu.memref_slice %arg8[%mul3A_2] : memref<22016xf32, #tpu.memory_space<hbm>> -> memref<688xf32, #tpu.memory_space<hbm>>
    tpu.wait_dma2 semaphore(%arg38 : memref<!tpu.dma_semaphore, #tpu.memory_space<semaphore_mem>>) src(%dma_wait3A_36 : memref<688xf32, #tpu.memory_space<hbm>>) dst(%arg29 : memref<688xf32, #tpu.memory_space<vmem>>)
    %scan3A = arith.constant 0 : i32
    %scan3A_37 = arith.constant 5.000000e-01 : f32
    %scan3A_38 = arith.constant 0 : i32
    %scan3A_39 = arith.constant 200 : i32
    %scan3A_40 = arith.addi %scan3A_38, %scan3A_39 : i32
    %scan3A_41 = arith.constant 1 : i32
    scf.for %scan3A_234 = %scan3A_38 to %scan3A_40 step %scan3A_41  : i32 {
      %mul3A_235 = arith.constant 16 : i32
      %mul3A_236 = arith.muli %scan3A_234, %mul3A_235 : i32
      %mul3A_237 = arith.constant 4 : i32
      %mul3A_238 = arith.muli %scan3A_234, %mul3A_237 : i32
      %get3A = arith.index_cast %mul3A_238 : i32 to index
      %get3A_239 = tpu.vector_load %arg15[%get3A] {strides = array<i32>} : memref<816xf32, #tpu.memory_space<vmem>>, vector<16xf32>,
      %get3A_240 = vector.shape_cast %get3A_239 : vector<16xf32> to vector<16xf32>
      %slice3A = vector.extract_strided_slice %get3A_240 {offsets = [0], sizes = [1], strides = [1]} : vector<16xf32> to vector<1xf32>
      %squeeze3A = vector.extract %slice3A[0] : f32 from vector<1xf32>
      %slice3A_241 = vector.extract_strided_slice %get3A_240 {offsets = [1], sizes = [1], strides = [1]} : vector<16xf32> to vector<1xf32>
      %squeeze3A_242 = vector.extract %slice3A_241[0] : f32 from vector<1xf32>
      %slice3A_243 = vector.extract_strided_slice %get3A_240 {offsets = [2], sizes = [1], strides = [1]} : vector<16xf32> to vector<1xf32>
      %squeeze3A_244 = vector.extract %slice3A_243[0] : f32 from vector<1xf32>
      %slice3A_245 = vector.extract_strided_slice %get3A_240 {offsets = [3], sizes = [1], strides = [1]} : vector<16xf32> to vector<1xf32>
      %squeeze3A_246 = vector.extract %slice3A_245[0] : f32 from vector<1xf32>
      %get3A_247 = arith.index_cast %scan3A_234 : i32 to index
      %get3A_248 = tpu.vector_load %arg16[%get3A_247] {strides = array<i32>} : memref<216xi32, #tpu.memory_space<vmem>>, vector<16xi32>,
      %get3A_249 = vector.shape_cast %get3A_248 : vector<16xi32> to vector<16xi32>
      %slice3A_250 = vector.extract_strided_slice %get3A_249 {offsets = [0], sizes = [1], strides = [1]} : vector<16xi32> to vector<1xi32>
      %squeeze3A_251 = vector.extract %slice3A_250[0] : i32 from vector<1xi32>
      %broadcast_in_dim3A_252 = vector.broadcast %squeeze3A : f32 to vector<16xf32>
      %swap3A_253 = arith.index_cast %mul3A_236 : i32 to index
      %swap3A_254 = tpu.vector_load %arg17[%swap3A_253] {strides = array<i32>} : memref<3200xf32, #tpu.memory_space<vmem>>, vector<16xf32>,
      %swap3A_255 = vector.shape_cast %swap3A_254 : vector<16xf32> to vector<16xf32>
      %swap3A_256 = vector.shape_cast %broadcast_in_dim3A_252 : vector<16xf32> to vector<16xf32>
      tpu.vector_store %arg17[%swap3A_253], %swap3A_256 {strides = array<i32>} : memref<3200xf32, #tpu.memory_space<vmem>>, vector<16xf32>,
      %broadcast_in_dim3A_257 = vector.broadcast %squeeze3A_242 : f32 to vector<16xf32>
      %swap3A_258 = arith.index_cast %mul3A_236 : i32 to index
      %swap3A_259 = tpu.vector_load %arg18[%swap3A_258] {strides = array<i32>} : memref<3200xf32, #tpu.memory_space<vmem>>, vector<16xf32>,
      %swap3A_260 = vector.shape_cast %swap3A_259 : vector<16xf32> to vector<16xf32>
      %swap3A_261 = vector.shape_cast %broadcast_in_dim3A_257 : vector<16xf32> to vector<16xf32>
      tpu.vector_store %arg18[%swap3A_258], %swap3A_261 {strides = array<i32>} : memref<3200xf32, #tpu.memory_space<vmem>>, vector<16xf32>,
      %broadcast_in_dim3A_262 = vector.broadcast %squeeze3A_244 : f32 to vector<16xf32>
      %swap3A_263 = arith.index_cast %mul3A_236 : i32 to index
      %swap3A_264 = tpu.vector_load %arg19[%swap3A_263] {strides = array<i32>} : memref<3200xf32, #tpu.memory_space<vmem>>, vector<16xf32>,
      %swap3A_265 = vector.shape_cast %swap3A_264 : vector<16xf32> to vector<16xf32>
      %swap3A_266 = vector.shape_cast %broadcast_in_dim3A_262 : vector<16xf32> to vector<16xf32>
      tpu.vector_store %arg19[%swap3A_263], %swap3A_266 {strides = array<i32>} : memref<3200xf32, #tpu.memory_space<vmem>>, vector<16xf32>,
      %broadcast_in_dim3A_267 = vector.broadcast %squeeze3A_246 : f32 to vector<16xf32>
      %swap3A_268 = arith.index_cast %mul3A_236 : i32 to index
      %swap3A_269 = tpu.vector_load %arg20[%swap3A_268] {strides = array<i32>} : memref<3200xf32, #tpu.memory_space<vmem>>, vector<16xf32>,
      %swap3A_270 = vector.shape_cast %swap3A_269 : vector<16xf32> to vector<16xf32>
      %swap3A_271 = vector.shape_cast %broadcast_in_dim3A_267 : vector<16xf32> to vector<16xf32>
      tpu.vector_store %arg20[%swap3A_268], %swap3A_271 {strides = array<i32>} : memref<3200xf32, #tpu.memory_space<vmem>>, vector<16xf32>,
      %broadcast_in_dim3A_272 = vector.broadcast %squeeze3A_251 : i32 to vector<16xi32>
      %swap3A_273 = arith.index_cast %mul3A_236 : i32 to index
      %swap3A_274 = tpu.vector_load %arg23[%swap3A_273] {strides = array<i32>} : memref<3200xi32, #tpu.memory_space<vmem>>, vector<16xi32>,
      %swap3A_275 = vector.shape_cast %swap3A_274 : vector<16xi32> to vector<16xi32>
      %swap3A_276 = vector.shape_cast %broadcast_in_dim3A_272 : vector<16xi32> to vector<16xi32>
      tpu.vector_store %arg23[%swap3A_273], %swap3A_276 {strides = array<i32>} : memref<3200xi32, #tpu.memory_space<vmem>>, vector<16xi32>,
      %add3A_277 = arith.addf %squeeze3A, %squeeze3A_244 : f32
      %mul3A_278 = arith.mulf %add3A_277, %scan3A_37 : f32
      %broadcast_in_dim3A_279 = vector.broadcast %mul3A_278 : f32 to vector<16xf32>
      %swap3A_280 = arith.index_cast %mul3A_236 : i32 to index
      %swap3A_281 = tpu.vector_load %arg21[%swap3A_280] {strides = array<i32>} : memref<3200xf32, #tpu.memory_space<vmem>>, vector<16xf32>,
      %swap3A_282 = vector.shape_cast %swap3A_281 : vector<16xf32> to vector<16xf32>
      %swap3A_283 = vector.shape_cast %broadcast_in_dim3A_279 : vector<16xf32> to vector<16xf32>
      tpu.vector_store %arg21[%swap3A_280], %swap3A_283 {strides = array<i32>} : memref<3200xf32, #tpu.memory_space<vmem>>, vector<16xf32>,
      %add3A_284 = arith.addf %squeeze3A_242, %squeeze3A_246 : f32
      %mul3A_285 = arith.mulf %add3A_284, %scan3A_37 : f32
      %broadcast_in_dim3A_286 = vector.broadcast %mul3A_285 : f32 to vector<16xf32>
      %swap3A_287 = arith.index_cast %mul3A_236 : i32 to index
      %swap3A_288 = tpu.vector_load %arg22[%swap3A_287] {strides = array<i32>} : memref<3200xf32, #tpu.memory_space<vmem>>, vector<16xf32>,
      %swap3A_289 = vector.shape_cast %swap3A_288 : vector<16xf32> to vector<16xf32>
      %swap3A_290 = vector.shape_cast %broadcast_in_dim3A_286 : vector<16xf32> to vector<16xf32>
      tpu.vector_store %arg22[%swap3A_287], %swap3A_290 {strides = array<i32>} : memref<3200xf32, #tpu.memory_space<vmem>>, vector<16xf32>,
      %sub3A = arith.subf %squeeze3A_244, %squeeze3A : f32
      %sub3A_291 = arith.subf %squeeze3A_246, %squeeze3A_242 : f32
      %max3A = arith.maximumf %sub3A, %sub3A_291 : f32
      %mul3A_292 = arith.mulf %max3A, %scan3A_37 : f32
      %broadcast_in_dim3A_293 = vector.broadcast %mul3A_292 : f32 to vector<16xf32>
      %swap3A_294 = arith.index_cast %mul3A_236 : i32 to index
      %swap3A_295 = tpu.vector_load %arg24[%swap3A_294] {strides = array<i32>} : memref<3200xf32, #tpu.memory_space<vmem>>, vector<16xf32>,
      %swap3A_296 = vector.shape_cast %swap3A_295 : vector<16xf32> to vector<16xf32>
      %swap3A_297 = vector.shape_cast %broadcast_in_dim3A_293 : vector<16xf32> to vector<16xf32>
      tpu.vector_store %arg24[%swap3A_294], %swap3A_297 {strides = array<i32>} : memref<3200xf32, #tpu.memory_space<vmem>>, vector<16xf32>,
    }
    %scan3A_42 = arith.constant 200 : i32
    %add3A_43 = arith.constant 1344 : i32
    %add3A_44 = arith.addi %add3A_43, %add3A : i32
    %ge3A = arith.constant 1024 : i32
    %ge3A_45 = arith.cmpi sge, %add3A_44, %ge3A : i32
    %convert_element_type3A = arith.extui %ge3A_45 : i1 to i32
    %add3A_46 = arith.constant 0 : i32
    %add3A_47 = arith.addi %add3A_46, %convert_element_type3A : i32
    %ge3A_48 = arith.constant 1280 : i32
    %ge3A_49 = arith.cmpi sge, %add3A_44, %ge3A_48 : i32
    %convert_element_type3A_50 = arith.extui %ge3A_49 : i1 to i32
    %add3A_51 = arith.addi %add3A_47, %convert_element_type3A_50 : i32
    %ge3A_52 = arith.constant 1344 : i32
    %ge3A_53 = arith.cmpi sge, %add3A_44, %ge3A_52 : i32
    %convert_element_type3A_54 = arith.extui %ge3A_53 : i1 to i32
    %add3A_55 = arith.addi %add3A_51, %convert_element_type3A_54 : i32
    %ge3A_56 = arith.constant 1360 : i32
    %ge3A_57 = arith.cmpi sge, %add3A_44, %ge3A_56 : i32
    %convert_element_type3A_58 = arith.extui %ge3A_57 : i1 to i32
    %add3A_59 = arith.addi %add3A_55, %convert_element_type3A_58 : i32
    %ge3A_60 = arith.constant 1364 : i32
    %ge3A_61 = arith.cmpi sge, %add3A_44, %ge3A_60 : i32
    %convert_element_type3A_62 = arith.extui %ge3A_61 : i1 to i32
    %add3A_63 = arith.addi %add3A_59, %convert_element_type3A_62 : i32
    %swap3A = arith.constant 0 : i32
    %swap3A_64 = arith.constant 0 : i32
    %swap3A_65 = arith.index_cast %swap3A_64 : i32 to index
    %swap3A_66 = memref.load %arg37[%swap3A_65] : memref<24xi32, #tpu.memory_space<smem>>
    memref.store %swap3A, %arg37[%swap3A_65] : memref<24xi32, #tpu.memory_space<smem>>
    %swap3A_67 = arith.constant 0 : i32
    %swap3A_68 = arith.constant 1 : i32
    %swap3A_69 = arith.index_cast %swap3A_68 : i32 to index
    %swap3A_70 = memref.load %arg37[%swap3A_69] : memref<24xi32, #tpu.memory_space<smem>>
    memref.store %swap3A_67, %arg37[%swap3A_69] : memref<24xi32, #tpu.memory_space<smem>>
    %swap3A_71 = arith.constant 0 : i32
    %swap3A_72 = arith.constant 2 : i32
    %swap3A_73 = arith.index_cast %swap3A_72 : i32 to index
    %swap3A_74 = memref.load %arg37[%swap3A_73] : memref<24xi32, #tpu.memory_space<smem>>
    memref.store %swap3A_71, %arg37[%swap3A_73] : memref<24xi32, #tpu.memory_space<smem>>
    %swap3A_75 = arith.constant 0 : i32
    %swap3A_76 = arith.constant 3 : i32
    %swap3A_77 = arith.index_cast %swap3A_76 : i32 to index
    %swap3A_78 = memref.load %arg37[%swap3A_77] : memref<24xi32, #tpu.memory_space<smem>>
    memref.store %swap3A_75, %arg37[%swap3A_77] : memref<24xi32, #tpu.memory_space<smem>>
    %swap3A_79 = arith.constant 0 : i32
    %swap3A_80 = arith.constant 4 : i32
    %swap3A_81 = arith.index_cast %swap3A_80 : i32 to index
    %swap3A_82 = memref.load %arg37[%swap3A_81] : memref<24xi32, #tpu.memory_space<smem>>
    memref.store %swap3A_79, %arg37[%swap3A_81] : memref<24xi32, #tpu.memory_space<smem>>
    %swap3A_83 = arith.constant 0 : i32
    %swap3A_84 = arith.constant 5 : i32
    %swap3A_85 = arith.index_cast %swap3A_84 : i32 to index
    %swap3A_86 = memref.load %arg37[%swap3A_85] : memref<24xi32, #tpu.memory_space<smem>>
    memref.store %swap3A_83, %arg37[%swap3A_85] : memref<24xi32, #tpu.memory_space<smem>>
    %swap3A_87 = arith.constant 0 : i32
    %swap3A_88 = arith.constant 6 : i32
    %swap3A_89 = arith.index_cast %swap3A_88 : i32 to index
    %swap3A_90 = memref.load %arg37[%swap3A_89] : memref<24xi32, #tpu.memory_space<smem>>
    memref.store %swap3A_87, %arg37[%swap3A_89] : memref<24xi32, #tpu.memory_space<smem>>
    %swap3A_91 = arith.constant 0 : i32
    %swap3A_92 = arith.constant 7 : i32
    %swap3A_93 = arith.index_cast %swap3A_92 : i32 to index
    %swap3A_94 = memref.load %arg37[%swap3A_93] : memref<24xi32, #tpu.memory_space<smem>>
    memref.store %swap3A_91, %arg37[%swap3A_93] : memref<24xi32, #tpu.memory_space<smem>>
    %swap3A_95 = arith.constant 0 : i32
    %swap3A_96 = arith.constant 8 : i32
    %swap3A_97 = arith.index_cast %swap3A_96 : i32 to index
    %swap3A_98 = memref.load %arg37[%swap3A_97] : memref<24xi32, #tpu.memory_space<smem>>
    memref.store %swap3A_95, %arg37[%swap3A_97] : memref<24xi32, #tpu.memory_space<smem>>
    %swap3A_99 = arith.constant 0 : i32
    %swap3A_100 = arith.constant 9 : i32
    %swap3A_101 = arith.index_cast %swap3A_100 : i32 to index
    %swap3A_102 = memref.load %arg37[%swap3A_101] : memref<24xi32, #tpu.memory_space<smem>>
    memref.store %swap3A_99, %arg37[%swap3A_101] : memref<24xi32, #tpu.memory_space<smem>>
    %swap3A_103 = arith.constant 0 : i32
    %swap3A_104 = arith.constant 10 : i32
    %swap3A_105 = arith.index_cast %swap3A_104 : i32 to index
    %swap3A_106 = memref.load %arg37[%swap3A_105] : memref<24xi32, #tpu.memory_space<smem>>
    memref.store %swap3A_103, %arg37[%swap3A_105] : memref<24xi32, #tpu.memory_space<smem>>
    %swap3A_107 = arith.constant 0 : i32
    %swap3A_108 = arith.constant 11 : i32
    %swap3A_109 = arith.index_cast %swap3A_108 : i32 to index
    %swap3A_110 = memref.load %arg37[%swap3A_109] : memref<24xi32, #tpu.memory_space<smem>>
    memref.store %swap3A_107, %arg37[%swap3A_109] : memref<24xi32, #tpu.memory_space<smem>>
    %swap3A_111 = arith.constant 0 : i32
    %swap3A_112 = arith.constant 12 : i32
    %swap3A_113 = arith.index_cast %swap3A_112 : i32 to index
    %swap3A_114 = memref.load %arg37[%swap3A_113] : memref<24xi32, #tpu.memory_space<smem>>
    memref.store %swap3A_111, %arg37[%swap3A_113] : memref<24xi32, #tpu.memory_space<smem>>
    %swap3A_115 = arith.constant 0 : i32
    %swap3A_116 = arith.constant 13 : i32
    %swap3A_117 = arith.index_cast %swap3A_116 : i32 to index
    %swap3A_118 = memref.load %arg37[%swap3A_117] : memref<24xi32, #tpu.memory_space<smem>>
    memref.store %swap3A_115, %arg37[%swap3A_117] : memref<24xi32, #tpu.memory_space<smem>>
    %swap3A_119 = arith.constant 0 : i32
    %swap3A_120 = arith.constant 14 : i32
    %swap3A_121 = arith.index_cast %swap3A_120 : i32 to index
    %swap3A_122 = memref.load %arg37[%swap3A_121] : memref<24xi32, #tpu.memory_space<smem>>
    memref.store %swap3A_119, %arg37[%swap3A_121] : memref<24xi32, #tpu.memory_space<smem>>
    %swap3A_123 = arith.constant 0 : i32
    %swap3A_124 = arith.constant 15 : i32
    %swap3A_125 = arith.index_cast %swap3A_124 : i32 to index
    %swap3A_126 = memref.load %arg37[%swap3A_125] : memref<24xi32, #tpu.memory_space<smem>>
    memref.store %swap3A_123, %arg37[%swap3A_125] : memref<24xi32, #tpu.memory_space<smem>>
    %swap3A_127 = arith.constant 0 : i32
    %swap3A_128 = arith.constant 16 : i32
    %swap3A_129 = arith.index_cast %swap3A_128 : i32 to index
    %swap3A_130 = memref.load %arg37[%swap3A_129] : memref<24xi32, #tpu.memory_space<smem>>
    memref.store %swap3A_127, %arg37[%swap3A_129] : memref<24xi32, #tpu.memory_space<smem>>
    %swap3A_131 = arith.constant 0 : i32
    %swap3A_132 = arith.constant 17 : i32
    %swap3A_133 = arith.index_cast %swap3A_132 : i32 to index
    %swap3A_134 = memref.load %arg37[%swap3A_133] : memref<24xi32, #tpu.memory_space<smem>>
    memref.store %swap3A_131, %arg37[%swap3A_133] : memref<24xi32, #tpu.memory_space<smem>>
    %swap3A_135 = arith.constant 0 : i32
    %swap3A_136 = arith.constant 18 : i32
    %swap3A_137 = arith.index_cast %swap3A_136 : i32 to index
    %swap3A_138 = memref.load %arg37[%swap3A_137] : memref<24xi32, #tpu.memory_space<smem>>
    memref.store %swap3A_135, %arg37[%swap3A_137] : memref<24xi32, #tpu.memory_space<smem>>
    %swap3A_139 = arith.constant 0 : i32
    %swap3A_140 = arith.constant 19 : i32
    %swap3A_141 = arith.index_cast %swap3A_140 : i32 to index
    %swap3A_142 = memref.load %arg37[%swap3A_141] : memref<24xi32, #tpu.memory_space<smem>>
    memref.store %swap3A_139, %arg37[%swap3A_141] : memref<24xi32, #tpu.memory_space<smem>>
    %swap3A_143 = arith.constant 0 : i32
    %swap3A_144 = arith.constant 20 : i32
    %swap3A_145 = arith.index_cast %swap3A_144 : i32 to index
    %swap3A_146 = memref.load %arg37[%swap3A_145] : memref<24xi32, #tpu.memory_space<smem>>
    memref.store %swap3A_143, %arg37[%swap3A_145] : memref<24xi32, #tpu.memory_space<smem>>
    %swap3A_147 = arith.constant 0 : i32
    %swap3A_148 = arith.constant 21 : i32
    %swap3A_149 = arith.index_cast %swap3A_148 : i32 to index
    %swap3A_150 = memref.load %arg37[%swap3A_149] : memref<24xi32, #tpu.memory_space<smem>>
    memref.store %swap3A_147, %arg37[%swap3A_149] : memref<24xi32, #tpu.memory_space<smem>>
    %swap3A_151 = arith.constant 0 : i32
    %swap3A_152 = arith.constant 22 : i32
    %swap3A_153 = arith.index_cast %swap3A_152 : i32 to index
    %swap3A_154 = memref.load %arg37[%swap3A_153] : memref<24xi32, #tpu.memory_space<smem>>
    memref.store %swap3A_151, %arg37[%swap3A_153] : memref<24xi32, #tpu.memory_space<smem>>
    %swap3A_155 = arith.constant 0 : i32
    %swap3A_156 = arith.constant 23 : i32
    %swap3A_157 = arith.index_cast %swap3A_156 : i32 to index
    %swap3A_158 = memref.load %arg37[%swap3A_157] : memref<24xi32, #tpu.memory_space<smem>>
    memref.store %swap3A_155, %arg37[%swap3A_157] : memref<24xi32, #tpu.memory_space<smem>>
    %ge3A_159 = arith.constant 0 : i32
    %ge3A_160 = arith.constant 0 : i32
    %ge3A_161 = arith.cmpi sge, %ge3A_159, %ge3A_160 : i32
    %le3A = arith.constant 0 : i32
    %le3A_162 = arith.cmpi sle, %le3A, %add3A_63 : i32
    %and3A = arith.andi %ge3A_161, %le3A_162 : i1
    %convert_element_type3A_163 = arith.extui %and3A : i1 to i32
    %cond3A = arith.constant 1.000000e+00 : f32
    %cond3A_164 = arith.constant 6.400000e+01 : f32
    %cond3A_165 = arith.constant 1.300000e+01 : f32
    %cond3A_166 = arith.constant -1.000000e+00 : f32
    %cond3A_167 = arith.constant 0 : i32
    %cond3A_168 = arith.cmpi ne, %convert_element_type3A_163, %cond3A_167 : i32
    scf.if %cond3A_168 {
      %scan3A_234 = arith.constant 0 : i32
      %scan3A_235 = arith.constant 0 : i32
      %scan3A_236 = arith.constant 50 : i32
      %scan3A_237 = arith.addi %scan3A_235, %scan3A_236 : i32
      %scan3A_238 = arith.constant 1 : i32
      %scan3A_239 = scf.for %scan3A_274 = %scan3A_235 to %scan3A_237 step %scan3A_238 iter_args(%scan3A_275 = %scan3A_234) -> (i32)  : i32 {
        %add3A_276 = arith.constant 0 : i32
        %add3A_277 = arith.addi %add3A_276, %scan3A_274 : i32
        %mul3A_278 = arith.constant 16 : i32
        %mul3A_279 = arith.muli %add3A_277, %mul3A_278 : i32
        %get3A = arith.index_cast %mul3A_279 : i32 to index
        %get3A_280 = tpu.vector_load %arg24[%get3A] {strides = array<i32>} : memref<3200xf32, #tpu.memory_space<vmem>>, vector<16xf32>,
        %get3A_281 = vector.shape_cast %get3A_280 : vector<16xf32> to vector<16xf32>
        %slice3A = vector.extract_strided_slice %get3A_281 {offsets = [0], sizes = [1], strides = [1]} : vector<16xf32> to vector<1xf32>
        %squeeze3A = vector.extract %slice3A[0] : f32 from vector<1xf32>
        %sub3A = arith.subf %squeeze3A, %cond3A : f32
        %le3A_282 = arith.cmpf ole, %sub3A, %cond3A_164 : f32
        %add3A_283 = arith.addf %squeeze3A, %cond3A_165 : f32
        %gt3A = arith.cmpf ogt, %add3A_283, %cond3A_166 : f32
        %and3A_284 = arith.andi %le3A_282, %gt3A : i1
        %convert_element_type3A_285 = arith.extui %and3A_284 : i1 to i32
        %cond3A_286 = arith.constant 0 : i32
        %cond3A_287 = arith.cmpi ne, %convert_element_type3A_285, %cond3A_286 : i32
        scf.if %cond3A_287 {
          %add3A_290 = arith.constant 0 : i32
          %add3A_291 = arith.addi %add3A_290, %scan3A_275 : i32
          %swap3A_292 = arith.index_cast %add3A_291 : i32 to index
          %swap3A_293 = memref.load %arg36[%swap3A_292] : memref<1208xi32, #tpu.memory_space<smem>>
          memref.store %scan3A_274, %arg36[%swap3A_292] : memref<1208xi32, #tpu.memory_space<smem>>
        } else {
        }
        %convert_element_type3A_288 = arith.extui %and3A_284 : i1 to i32
        %add3A_289 = arith.addi %scan3A_275, %convert_element_type3A_288 : i32
        scf.yield %add3A_289 : i32
      }
      %scan3A_240 = arith.constant 50 : i32
      %swap3A_241 = arith.constant 0 : i32
      %swap3A_242 = arith.index_cast %swap3A_241 : i32 to index
      %swap3A_243 = memref.load %arg37[%swap3A_242] : memref<24xi32, #tpu.memory_space<smem>>
      memref.store %scan3A_239, %arg37[%swap3A_242] : memref<24xi32, #tpu.memory_space<smem>>
      %scan3A_244 = arith.constant 0 : i32
      %scan3A_245 = arith.constant 0 : i32
      %scan3A_246 = arith.constant 50 : i32
      %scan3A_247 = arith.addi %scan3A_245, %scan3A_246 : i32
      %scan3A_248 = arith.constant 1 : i32
      %scan3A_249 = scf.for %scan3A_274 = %scan3A_245 to %scan3A_247 step %scan3A_248 iter_args(%scan3A_275 = %scan3A_244) -> (i32)  : i32 {
        %add3A_276 = arith.constant 50 : i32
        %add3A_277 = arith.addi %add3A_276, %scan3A_274 : i32
        %mul3A_278 = arith.constant 16 : i32
        %mul3A_279 = arith.muli %add3A_277, %mul3A_278 : i32
        %get3A = arith.index_cast %mul3A_279 : i32 to index
        %get3A_280 = tpu.vector_load %arg24[%get3A] {strides = array<i32>} : memref<3200xf32, #tpu.memory_space<vmem>>, vector<16xf32>,
        %get3A_281 = vector.shape_cast %get3A_280 : vector<16xf32> to vector<16xf32>
        %slice3A = vector.extract_strided_slice %get3A_281 {offsets = [0], sizes = [1], strides = [1]} : vector<16xf32> to vector<1xf32>
        %squeeze3A = vector.extract %slice3A[0] : f32 from vector<1xf32>
        %sub3A = arith.subf %squeeze3A, %cond3A : f32
        %le3A_282 = arith.cmpf ole, %sub3A, %cond3A_164 : f32
        %add3A_283 = arith.addf %squeeze3A, %cond3A_165 : f32
        %gt3A = arith.cmpf ogt, %add3A_283, %cond3A_166 : f32
        %and3A_284 = arith.andi %le3A_282, %gt3A : i1
        %convert_element_type3A_285 = arith.extui %and3A_284 : i1 to i32
        %cond3A_286 = arith.constant 0 : i32
        %cond3A_287 = arith.cmpi ne, %convert_element_type3A_285, %cond3A_286 : i32
        scf.if %cond3A_287 {
          %add3A_290 = arith.constant 300 : i32
          %add3A_291 = arith.addi %add3A_290, %scan3A_275 : i32
          %swap3A_292 = arith.index_cast %add3A_291 : i32 to index
          %swap3A_293 = memref.load %arg36[%swap3A_292] : memref<1208xi32, #tpu.memory_space<smem>>
          memref.store %scan3A_274, %arg36[%swap3A_292] : memref<1208xi32, #tpu.memory_space<smem>>
        } else {
        }
        %convert_element_type3A_288 = arith.extui %and3A_284 : i1 to i32
        %add3A_289 = arith.addi %scan3A_275, %convert_element_type3A_288 : i32
        scf.yield %add3A_289 : i32
      }
      %scan3A_250 = arith.constant 50 : i32
      %swap3A_251 = arith.constant 6 : i32
      %swap3A_252 = arith.index_cast %swap3A_251 : i32 to index
      %swap3A_253 = memref.load %arg37[%swap3A_252] : memref<24xi32, #tpu.memory_space<smem>>
      memref.store %scan3A_249, %arg37[%swap3A_252] : memref<24xi32, #tpu.memory_space<smem>>
      %scan3A_254 = arith.constant 0 : i32
      %scan3A_255 = arith.constant 0 : i32
      %scan3A_256 = arith.constant 50 : i32
      %scan3A_257 = arith.addi %scan3A_255, %scan3A_256 : i32
      %scan3A_258 = arith.constant 1 : i32
      %scan3A_259 = scf.for %scan3A_274 = %scan3A_255 to %scan3A_257 step %scan3A_258 iter_args(%scan3A_275 = %scan3A_254) -> (i32)  : i32 {
        %add3A_276 = arith.constant 100 : i32
        %add3A_277 = arith.addi %add3A_276, %scan3A_274 : i32
        %mul3A_278 = arith.constant 16 : i32
        %mul3A_279 = arith.muli %add3A_277, %mul3A_278 : i32
        %get3A = arith.index_cast %mul3A_279 : i32 to index
        %get3A_280 = tpu.vector_load %arg24[%get3A] {strides = array<i32>} : memref<3200xf32, #tpu.memory_space<vmem>>, vector<16xf32>,
        %get3A_281 = vector.shape_cast %get3A_280 : vector<16xf32> to vector<16xf32>
        %slice3A = vector.extract_strided_slice %get3A_281 {offsets = [0], sizes = [1], strides = [1]} : vector<16xf32> to vector<1xf32>
        %squeeze3A = vector.extract %slice3A[0] : f32 from vector<1xf32>
        %sub3A = arith.subf %squeeze3A, %cond3A : f32
        %le3A_282 = arith.cmpf ole, %sub3A, %cond3A_164 : f32
        %add3A_283 = arith.addf %squeeze3A, %cond3A_165 : f32
        %gt3A = arith.cmpf ogt, %add3A_283, %cond3A_166 : f32
        %and3A_284 = arith.andi %le3A_282, %gt3A : i1
        %convert_element_type3A_285 = arith.extui %and3A_284 : i1 to i32
        %cond3A_286 = arith.constant 0 : i32
        %cond3A_287 = arith.cmpi ne, %convert_element_type3A_285, %cond3A_286 : i32
        scf.if %cond3A_287 {
          %add3A_290 = arith.constant 600 : i32
          %add3A_291 = arith.addi %add3A_290, %scan3A_275 : i32
          %swap3A_292 = arith.index_cast %add3A_291 : i32 to index
          %swap3A_293 = memref.load %arg36[%swap3A_292] : memref<1208xi32, #tpu.memory_space<smem>>
          memref.store %scan3A_274, %arg36[%swap3A_292] : memref<1208xi32, #tpu.memory_space<smem>>
        } else {
        }
        %convert_element_type3A_288 = arith.extui %and3A_284 : i1 to i32
        %add3A_289 = arith.addi %scan3A_275, %convert_element_type3A_288 : i32
        scf.yield %add3A_289 : i32
      }
      %scan3A_260 = arith.constant 50 : i32
      %swap3A_261 = arith.constant 12 : i32
      %swap3A_262 = arith.index_cast %swap3A_261 : i32 to index
      %swap3A_263 = memref.load %arg37[%swap3A_262] : memref<24xi32, #tpu.memory_space<smem>>
      memref.store %scan3A_259, %arg37[%swap3A_262] : memref<24xi32, #tpu.memory_space<smem>>
      %scan3A_264 = arith.constant 0 : i32
      %scan3A_265 = arith.constant 0 : i32
      %scan3A_266 = arith.constant 50 : i32
      %scan3A_267 = arith.addi %scan3A_265, %scan3A_266 : i32
      %scan3A_268 = arith.constant 1 : i32
      %scan3A_269 = scf.for %scan3A_274 = %scan3A_265 to %scan3A_267 step %scan3A_268 iter_args(%scan3A_275 = %scan3A_264) -> (i32)  : i32 {
        %add3A_276 = arith.constant 150 : i32
        %add3A_277 = arith.addi %add3A_276, %scan3A_274 : i32
        %mul3A_278 = arith.constant 16 : i32
        %mul3A_279 = arith.muli %add3A_277, %mul3A_278 : i32
        %get3A = arith.index_cast %mul3A_279 : i32 to index
        %get3A_280 = tpu.vector_load %arg24[%get3A] {strides = array<i32>} : memref<3200xf32, #tpu.memory_space<vmem>>, vector<16xf32>,
        %get3A_281 = vector.shape_cast %get3A_280 : vector<16xf32> to vector<16xf32>
        %slice3A = vector.extract_strided_slice %get3A_281 {offsets = [0], sizes = [1], strides = [1]} : vector<16xf32> to vector<1xf32>
        %squeeze3A = vector.extract %slice3A[0] : f32 from vector<1xf32>
        %sub3A = arith.subf %squeeze3A, %cond3A : f32
        %le3A_282 = arith.cmpf ole, %sub3A, %cond3A_164 : f32
        %add3A_283 = arith.addf %squeeze3A, %cond3A_165 : f32
        %gt3A = arith.cmpf ogt, %add3A_283, %cond3A_166 : f32
        %and3A_284 = arith.andi %le3A_282, %gt3A : i1
        %convert_element_type3A_285 = arith.extui %and3A_284 : i1 to i32
        %cond3A_286 = arith.constant 0 : i32
        %cond3A_287 = arith.cmpi ne, %convert_element_type3A_285, %cond3A_286 : i32
        scf.if %cond3A_287 {
          %add3A_290 = arith.constant 900 : i32
          %add3A_291 = arith.addi %add3A_290, %scan3A_275 : i32
          %swap3A_292 = arith.index_cast %add3A_291 : i32 to index
          %swap3A_293 = memref.load %arg36[%swap3A_292] : memref<1208xi32, #tpu.memory_space<smem>>
          memref.store %scan3A_274, %arg36[%swap3A_292] : memref<1208xi32, #tpu.memory_space<smem>>
        } else {
        }
        %convert_element_type3A_288 = arith.extui %and3A_284 : i1 to i32
        %add3A_289 = arith.addi %scan3A_275, %convert_element_type3A_288 : i32
        scf.yield %add3A_289 : i32
      }
      %scan3A_270 = arith.constant 50 : i32
      %swap3A_271 = arith.constant 18 : i32
      %swap3A_272 = arith.index_cast %swap3A_271 : i32 to index
      %swap3A_273 = memref.load %arg37[%swap3A_272] : memref<24xi32, #tpu.memory_space<smem>>
      memref.store %scan3A_269, %arg37[%swap3A_272] : memref<24xi32, #tpu.memory_space<smem>>
    } else {
    }
    %ge3A_169 = arith.constant 1 : i32
    %ge3A_170 = arith.constant 0 : i32
    %ge3A_171 = arith.cmpi sge, %ge3A_169, %ge3A_170 : i32
    %le3A_172 = arith.constant 1 : i32
    %le3A_173 = arith.cmpi sle, %le3A_172, %add3A_63 : i32
    %and3A_174 = arith.andi %ge3A_171, %le3A_173 : i1
    %convert_element_type3A_175 = arith.extui %and3A_174 : i1 to i32
    %cond3A_176 = arith.constant 1.000000e+00 : f32
    %cond3A_177 = arith.constant 1.280000e+02 : f32
    %cond3A_178 = arith.constant 2.500000e+01 : f32
    %cond3A_179 = arith.constant 6.400000e+01 : f32
    %cond3A_180 = arith.constant 0 : i32
    %cond3A_181 = arith.cmpi ne, %convert_element_type3A_175, %cond3A_180 : i32
    scf.if %cond3A_181 {
      %scan3A_234 = arith.constant 0 : i32
      %scan3A_235 = arith.constant 0 : i32
      %scan3A_236 = arith.constant 50 : i32
      %scan3A_237 = arith.addi %scan3A_235, %scan3A_236 : i32
      %scan3A_238 = arith.constant 1 : i32
      %scan3A_239 = scf.for %scan3A_274 = %scan3A_235 to %scan3A_237 step %scan3A_238 iter_args(%scan3A_275 = %scan3A_234) -> (i32)  : i32 {
        %add3A_276 = arith.constant 0 : i32
        %add3A_277 = arith.addi %add3A_276, %scan3A_274 : i32
        %mul3A_278 = arith.constant 16 : i32
        %mul3A_279 = arith.muli %add3A_277, %mul3A_278 : i32
        %get3A = arith.index_cast %mul3A_279 : i32 to index
        %get3A_280 = tpu.vector_load %arg24[%get3A] {strides = array<i32>} : memref<3200xf32, #tpu.memory_space<vmem>>, vector<16xf32>,
        %get3A_281 = vector.shape_cast %get3A_280 : vector<16xf32> to vector<16xf32>
        %slice3A = vector.extract_strided_slice %get3A_281 {offsets = [0], sizes = [1], strides = [1]} : vector<16xf32> to vector<1xf32>
        %squeeze3A = vector.extract %slice3A[0] : f32 from vector<1xf32>
        %sub3A = arith.subf %squeeze3A, %cond3A_176 : f32
        %le3A_282 = arith.cmpf ole, %sub3A, %cond3A_177 : f32
        %add3A_283 = arith.addf %squeeze3A, %cond3A_178 : f32
        %gt3A = arith.cmpf ogt, %add3A_283, %cond3A_179 : f32
        %and3A_284 = arith.andi %le3A_282, %gt3A : i1
        %convert_element_type3A_285 = arith.extui %and3A_284 : i1 to i32
        %cond3A_286 = arith.constant 0 : i32
        %cond3A_287 = arith.cmpi ne, %convert_element_type3A_285, %cond3A_286 : i32
        scf.if %cond3A_287 {
          %add3A_290 = arith.constant 50 : i32
          %add3A_291 = arith.addi %add3A_290, %scan3A_275 : i32
          %swap3A_292 = arith.index_cast %add3A_291 : i32 to index
          %swap3A_293 = memref.load %arg36[%swap3A_292] : memref<1208xi32, #tpu.memory_space<smem>>
          memref.store %scan3A_274, %arg36[%swap3A_292] : memref<1208xi32, #tpu.memory_space<smem>>
        } else {
        }
        %convert_element_type3A_288 = arith.extui %and3A_284 : i1 to i32
        %add3A_289 = arith.addi %scan3A_275, %convert_element_type3A_288 : i32
        scf.yield %add3A_289 : i32
      }
      %scan3A_240 = arith.constant 50 : i32
      %swap3A_241 = arith.constant 1 : i32
      %swap3A_242 = arith.index_cast %swap3A_241 : i32 to index
      %swap3A_243 = memref.load %arg37[%swap3A_242] : memref<24xi32, #tpu.memory_space<smem>>
      memref.store %scan3A_239, %arg37[%swap3A_242] : memref<24xi32, #tpu.memory_space<smem>>
      %scan3A_244 = arith.constant 0 : i32
      %scan3A_245 = arith.constant 0 : i32
      %scan3A_246 = arith.constant 50 : i32
      %scan3A_247 = arith.addi %scan3A_245, %scan3A_246 : i32
      %scan3A_248 = arith.constant 1 : i32
      %scan3A_249 = scf.for %scan3A_274 = %scan3A_245 to %scan3A_247 step %scan3A_248 iter_args(%scan3A_275 = %scan3A_244) -> (i32)  : i32 {
        %add3A_276 = arith.constant 50 : i32
        %add3A_277 = arith.addi %add3A_276, %scan3A_274 : i32
        %mul3A_278 = arith.constant 16 : i32
        %mul3A_279 = arith.muli %add3A_277, %mul3A_278 : i32
        %get3A = arith.index_cast %mul3A_279 : i32 to index
        %get3A_280 = tpu.vector_load %arg24[%get3A] {strides = array<i32>} : memref<3200xf32, #tpu.memory_space<vmem>>, vector<16xf32>,
        %get3A_281 = vector.shape_cast %get3A_280 : vector<16xf32> to vector<16xf32>
        %slice3A = vector.extract_strided_slice %get3A_281 {offsets = [0], sizes = [1], strides = [1]} : vector<16xf32> to vector<1xf32>
        %squeeze3A = vector.extract %slice3A[0] : f32 from vector<1xf32>
        %sub3A = arith.subf %squeeze3A, %cond3A_176 : f32
        %le3A_282 = arith.cmpf ole, %sub3A, %cond3A_177 : f32
        %add3A_283 = arith.addf %squeeze3A, %cond3A_178 : f32
        %gt3A = arith.cmpf ogt, %add3A_283, %cond3A_179 : f32
        %and3A_284 = arith.andi %le3A_282, %gt3A : i1
        %convert_element_type3A_285 = arith.extui %and3A_284 : i1 to i32
        %cond3A_286 = arith.constant 0 : i32
        %cond3A_287 = arith.cmpi ne, %convert_element_type3A_285, %cond3A_286 : i32
        scf.if %cond3A_287 {
          %add3A_290 = arith.constant 350 : i32
          %add3A_291 = arith.addi %add3A_290, %scan3A_275 : i32
          %swap3A_292 = arith.index_cast %add3A_291 : i32 to index
          %swap3A_293 = memref.load %arg36[%swap3A_292] : memref<1208xi32, #tpu.memory_space<smem>>
          memref.store %scan3A_274, %arg36[%swap3A_292] : memref<1208xi32, #tpu.memory_space<smem>>
        } else {
        }
        %convert_element_type3A_288 = arith.extui %and3A_284 : i1 to i32
        %add3A_289 = arith.addi %scan3A_275, %convert_element_type3A_288 : i32
        scf.yield %add3A_289 : i32
      }
      %scan3A_250 = arith.constant 50 : i32
      %swap3A_251 = arith.constant 7 : i32
      %swap3A_252 = arith.index_cast %swap3A_251 : i32 to index
      %swap3A_253 = memref.load %arg37[%swap3A_252] : memref<24xi32, #tpu.memory_space<smem>>
      memref.store %scan3A_249, %arg37[%swap3A_252] : memref<24xi32, #tpu.memory_space<smem>>
      %scan3A_254 = arith.constant 0 : i32
      %scan3A_255 = arith.constant 0 : i32
      %scan3A_256 = arith.constant 50 : i32
      %scan3A_257 = arith.addi %scan3A_255, %scan3A_256 : i32
      %scan3A_258 = arith.constant 1 : i32
      %scan3A_259 = scf.for %scan3A_274 = %scan3A_255 to %scan3A_257 step %scan3A_258 iter_args(%scan3A_275 = %scan3A_254) -> (i32)  : i32 {
        %add3A_276 = arith.constant 100 : i32
        %add3A_277 = arith.addi %add3A_276, %scan3A_274 : i32
        %mul3A_278 = arith.constant 16 : i32
        %mul3A_279 = arith.muli %add3A_277, %mul3A_278 : i32
        %get3A = arith.index_cast %mul3A_279 : i32 to index
        %get3A_280 = tpu.vector_load %arg24[%get3A] {strides = array<i32>} : memref<3200xf32, #tpu.memory_space<vmem>>, vector<16xf32>,
        %get3A_281 = vector.shape_cast %get3A_280 : vector<16xf32> to vector<16xf32>
        %slice3A = vector.extract_strided_slice %get3A_281 {offsets = [0], sizes = [1], strides = [1]} : vector<16xf32> to vector<1xf32>
        %squeeze3A = vector.extract %slice3A[0] : f32 from vector<1xf32>
        %sub3A = arith.subf %squeeze3A, %cond3A_176 : f32
        %le3A_282 = arith.cmpf ole, %sub3A, %cond3A_177 : f32
        %add3A_283 = arith.addf %squeeze3A, %cond3A_178 : f32
        %gt3A = arith.cmpf ogt, %add3A_283, %cond3A_179 : f32
        %and3A_284 = arith.andi %le3A_282, %gt3A : i1
        %convert_element_type3A_285 = arith.extui %and3A_284 : i1 to i32
        %cond3A_286 = arith.constant 0 : i32
        %cond3A_287 = arith.cmpi ne, %convert_element_type3A_285, %cond3A_286 : i32
        scf.if %cond3A_287 {
          %add3A_290 = arith.constant 650 : i32
          %add3A_291 = arith.addi %add3A_290, %scan3A_275 : i32
          %swap3A_292 = arith.index_cast %add3A_291 : i32 to index
          %swap3A_293 = memref.load %arg36[%swap3A_292] : memref<1208xi32, #tpu.memory_space<smem>>
          memref.store %scan3A_274, %arg36[%swap3A_292] : memref<1208xi32, #tpu.memory_space<smem>>
        } else {
        }
        %convert_element_type3A_288 = arith.extui %and3A_284 : i1 to i32
        %add3A_289 = arith.addi %scan3A_275, %convert_element_type3A_288 : i32
        scf.yield %add3A_289 : i32
      }
      %scan3A_260 = arith.constant 50 : i32
      %swap3A_261 = arith.constant 13 : i32
      %swap3A_262 = arith.index_cast %swap3A_261 : i32 to index
      %swap3A_263 = memref.load %arg37[%swap3A_262] : memref<24xi32, #tpu.memory_space<smem>>
      memref.store %scan3A_259, %arg37[%swap3A_262] : memref<24xi32, #tpu.memory_space<smem>>
      %scan3A_264 = arith.constant 0 : i32
      %scan3A_265 = arith.constant 0 : i32
      %scan3A_266 = arith.constant 50 : i32
      %scan3A_267 = arith.addi %scan3A_265, %scan3A_266 : i32
      %scan3A_268 = arith.constant 1 : i32
      %scan3A_269 = scf.for %scan3A_274 = %scan3A_265 to %scan3A_267 step %scan3A_268 iter_args(%scan3A_275 = %scan3A_264) -> (i32)  : i32 {
        %add3A_276 = arith.constant 150 : i32
        %add3A_277 = arith.addi %add3A_276, %scan3A_274 : i32
        %mul3A_278 = arith.constant 16 : i32
        %mul3A_279 = arith.muli %add3A_277, %mul3A_278 : i32
        %get3A = arith.index_cast %mul3A_279 : i32 to index
        %get3A_280 = tpu.vector_load %arg24[%get3A] {strides = array<i32>} : memref<3200xf32, #tpu.memory_space<vmem>>, vector<16xf32>,
        %get3A_281 = vector.shape_cast %get3A_280 : vector<16xf32> to vector<16xf32>
        %slice3A = vector.extract_strided_slice %get3A_281 {offsets = [0], sizes = [1], strides = [1]} : vector<16xf32> to vector<1xf32>
        %squeeze3A = vector.extract %slice3A[0] : f32 from vector<1xf32>
        %sub3A = arith.subf %squeeze3A, %cond3A_176 : f32
        %le3A_282 = arith.cmpf ole, %sub3A, %cond3A_177 : f32
        %add3A_283 = arith.addf %squeeze3A, %cond3A_178 : f32
        %gt3A = arith.cmpf ogt, %add3A_283, %cond3A_179 : f32
        %and3A_284 = arith.andi %le3A_282, %gt3A : i1
        %convert_element_type3A_285 = arith.extui %and3A_284 : i1 to i32
        %cond3A_286 = arith.constant 0 : i32
        %cond3A_287 = arith.cmpi ne, %convert_element_type3A_285, %cond3A_286 : i32
        scf.if %cond3A_287 {
          %add3A_290 = arith.constant 950 : i32
          %add3A_291 = arith.addi %add3A_290, %scan3A_275 : i32
          %swap3A_292 = arith.index_cast %add3A_291 : i32 to index
          %swap3A_293 = memref.load %arg36[%swap3A_292] : memref<1208xi32, #tpu.memory_space<smem>>
          memref.store %scan3A_274, %arg36[%swap3A_292] : memref<1208xi32, #tpu.memory_space<smem>>
        } else {
        }
        %convert_element_type3A_288 = arith.extui %and3A_284 : i1 to i32
        %add3A_289 = arith.addi %scan3A_275, %convert_element_type3A_288 : i32
        scf.yield %add3A_289 : i32
      }
      %scan3A_270 = arith.constant 50 : i32
      %swap3A_271 = arith.constant 19 : i32
      %swap3A_272 = arith.index_cast %swap3A_271 : i32 to index
      %swap3A_273 = memref.load %arg37[%swap3A_272] : memref<24xi32, #tpu.memory_space<smem>>
      memref.store %scan3A_269, %arg37[%swap3A_272] : memref<24xi32, #tpu.memory_space<smem>>
    } else {
    }
    %ge3A_182 = arith.constant 2 : i32
    %ge3A_183 = arith.constant 0 : i32
    %ge3A_184 = arith.cmpi sge, %ge3A_182, %ge3A_183 : i32
    %le3A_185 = arith.constant 2 : i32
    %le3A_186 = arith.cmpi sle, %le3A_185, %add3A_63 : i32
    %and3A_187 = arith.andi %ge3A_184, %le3A_186 : i1
    %convert_element_type3A_188 = arith.extui %and3A_187 : i1 to i32
    %cond3A_189 = arith.constant 1.000000e+00 : f32
    %cond3A_190 = arith.constant 2.560000e+02 : f32
    %cond3A_191 = arith.constant 4.900000e+01 : f32
    %cond3A_192 = arith.constant 1.280000e+02 : f32
    %cond3A_193 = arith.constant 0 : i32
    %cond3A_194 = arith.cmpi ne, %convert_element_type3A_188, %cond3A_193 : i32
    scf.if %cond3A_194 {
      %scan3A_234 = arith.constant 0 : i32
      %scan3A_235 = arith.constant 0 : i32
      %scan3A_236 = arith.constant 50 : i32
      %scan3A_237 = arith.addi %scan3A_235, %scan3A_236 : i32
      %scan3A_238 = arith.constant 1 : i32
      %scan3A_239 = scf.for %scan3A_274 = %scan3A_235 to %scan3A_237 step %scan3A_238 iter_args(%scan3A_275 = %scan3A_234) -> (i32)  : i32 {
        %add3A_276 = arith.constant 0 : i32
        %add3A_277 = arith.addi %add3A_276, %scan3A_274 : i32
        %mul3A_278 = arith.constant 16 : i32
        %mul3A_279 = arith.muli %add3A_277, %mul3A_278 : i32
        %get3A = arith.index_cast %mul3A_279 : i32 to index
        %get3A_280 = tpu.vector_load %arg24[%get3A] {strides = array<i32>} : memref<3200xf32, #tpu.memory_space<vmem>>, vector<16xf32>,
        %get3A_281 = vector.shape_cast %get3A_280 : vector<16xf32> to vector<16xf32>
        %slice3A = vector.extract_strided_slice %get3A_281 {offsets = [0], sizes = [1], strides = [1]} : vector<16xf32> to vector<1xf32>
        %squeeze3A = vector.extract %slice3A[0] : f32 from vector<1xf32>
        %sub3A = arith.subf %squeeze3A, %cond3A_189 : f32
        %le3A_282 = arith.cmpf ole, %sub3A, %cond3A_190 : f32
        %add3A_283 = arith.addf %squeeze3A, %cond3A_191 : f32
        %gt3A = arith.cmpf ogt, %add3A_283, %cond3A_192 : f32
        %and3A_284 = arith.andi %le3A_282, %gt3A : i1
        %convert_element_type3A_285 = arith.extui %and3A_284 : i1 to i32
        %cond3A_286 = arith.constant 0 : i32
        %cond3A_287 = arith.cmpi ne, %convert_element_type3A_285, %cond3A_286 : i32
        scf.if %cond3A_287 {
          %add3A_290 = arith.constant 100 : i32
          %add3A_291 = arith.addi %add3A_290, %scan3A_275 : i32
          %swap3A_292 = arith.index_cast %add3A_291 : i32 to index
          %swap3A_293 = memref.load %arg36[%swap3A_292] : memref<1208xi32, #tpu.memory_space<smem>>
          memref.store %scan3A_274, %arg36[%swap3A_292] : memref<1208xi32, #tpu.memory_space<smem>>
        } else {
        }
        %convert_element_type3A_288 = arith.extui %and3A_284 : i1 to i32
        %add3A_289 = arith.addi %scan3A_275, %convert_element_type3A_288 : i32
        scf.yield %add3A_289 : i32
      }
      %scan3A_240 = arith.constant 50 : i32
      %swap3A_241 = arith.constant 2 : i32
      %swap3A_242 = arith.index_cast %swap3A_241 : i32 to index
      %swap3A_243 = memref.load %arg37[%swap3A_242] : memref<24xi32, #tpu.memory_space<smem>>
      memref.store %scan3A_239, %arg37[%swap3A_242] : memref<24xi32, #tpu.memory_space<smem>>
      %scan3A_244 = arith.constant 0 : i32
      %scan3A_245 = arith.constant 0 : i32
      %scan3A_246 = arith.constant 50 : i32
      %scan3A_247 = arith.addi %scan3A_245, %scan3A_246 : i32
      %scan3A_248 = arith.constant 1 : i32
      %scan3A_249 = scf.for %scan3A_274 = %scan3A_245 to %scan3A_247 step %scan3A_248 iter_args(%scan3A_275 = %scan3A_244) -> (i32)  : i32 {
        %add3A_276 = arith.constant 50 : i32
        %add3A_277 = arith.addi %add3A_276, %scan3A_274 : i32
        %mul3A_278 = arith.constant 16 : i32
        %mul3A_279 = arith.muli %add3A_277, %mul3A_278 : i32
        %get3A = arith.index_cast %mul3A_279 : i32 to index
        %get3A_280 = tpu.vector_load %arg24[%get3A] {strides = array<i32>} : memref<3200xf32, #tpu.memory_space<vmem>>, vector<16xf32>,
        %get3A_281 = vector.shape_cast %get3A_280 : vector<16xf32> to vector<16xf32>
        %slice3A = vector.extract_strided_slice %get3A_281 {offsets = [0], sizes = [1], strides = [1]} : vector<16xf32> to vector<1xf32>
        %squeeze3A = vector.extract %slice3A[0] : f32 from vector<1xf32>
        %sub3A = arith.subf %squeeze3A, %cond3A_189 : f32
        %le3A_282 = arith.cmpf ole, %sub3A, %cond3A_190 : f32
        %add3A_283 = arith.addf %squeeze3A, %cond3A_191 : f32
        %gt3A = arith.cmpf ogt, %add3A_283, %cond3A_192 : f32
        %and3A_284 = arith.andi %le3A_282, %gt3A : i1
        %convert_element_type3A_285 = arith.extui %and3A_284 : i1 to i32
        %cond3A_286 = arith.constant 0 : i32
        %cond3A_287 = arith.cmpi ne, %convert_element_type3A_285, %cond3A_286 : i32
        scf.if %cond3A_287 {
          %add3A_290 = arith.constant 400 : i32
          %add3A_291 = arith.addi %add3A_290, %scan3A_275 : i32
          %swap3A_292 = arith.index_cast %add3A_291 : i32 to index
          %swap3A_293 = memref.load %arg36[%swap3A_292] : memref<1208xi32, #tpu.memory_space<smem>>
          memref.store %scan3A_274, %arg36[%swap3A_292] : memref<1208xi32, #tpu.memory_space<smem>>
        } else {
        }
        %convert_element_type3A_288 = arith.extui %and3A_284 : i1 to i32
        %add3A_289 = arith.addi %scan3A_275, %convert_element_type3A_288 : i32
        scf.yield %add3A_289 : i32
      }
      %scan3A_250 = arith.constant 50 : i32
      %swap3A_251 = arith.constant 8 : i32
      %swap3A_252 = arith.index_cast %swap3A_251 : i32 to index
      %swap3A_253 = memref.load %arg37[%swap3A_252] : memref<24xi32, #tpu.memory_space<smem>>
      memref.store %scan3A_249, %arg37[%swap3A_252] : memref<24xi32, #tpu.memory_space<smem>>
      %scan3A_254 = arith.constant 0 : i32
      %scan3A_255 = arith.constant 0 : i32
      %scan3A_256 = arith.constant 50 : i32
      %scan3A_257 = arith.addi %scan3A_255, %scan3A_256 : i32
      %scan3A_258 = arith.constant 1 : i32
      %scan3A_259 = scf.for %scan3A_274 = %scan3A_255 to %scan3A_257 step %scan3A_258 iter_args(%scan3A_275 = %scan3A_254) -> (i32)  : i32 {
        %add3A_276 = arith.constant 100 : i32
        %add3A_277 = arith.addi %add3A_276, %scan3A_274 : i32
        %mul3A_278 = arith.constant 16 : i32
        %mul3A_279 = arith.muli %add3A_277, %mul3A_278 : i32
        %get3A = arith.index_cast %mul3A_279 : i32 to index
        %get3A_280 = tpu.vector_load %arg24[%get3A] {strides = array<i32>} : memref<3200xf32, #tpu.memory_space<vmem>>, vector<16xf32>,
        %get3A_281 = vector.shape_cast %get3A_280 : vector<16xf32> to vector<16xf32>
        %slice3A = vector.extract_strided_slice %get3A_281 {offsets = [0], sizes = [1], strides = [1]} : vector<16xf32> to vector<1xf32>
        %squeeze3A = vector.extract %slice3A[0] : f32 from vector<1xf32>
        %sub3A = arith.subf %squeeze3A, %cond3A_189 : f32
        %le3A_282 = arith.cmpf ole, %sub3A, %cond3A_190 : f32
        %add3A_283 = arith.addf %squeeze3A, %cond3A_191 : f32
        %gt3A = arith.cmpf ogt, %add3A_283, %cond3A_192 : f32
        %and3A_284 = arith.andi %le3A_282, %gt3A : i1
        %convert_element_type3A_285 = arith.extui %and3A_284 : i1 to i32
        %cond3A_286 = arith.constant 0 : i32
        %cond3A_287 = arith.cmpi ne, %convert_element_type3A_285, %cond3A_286 : i32
        scf.if %cond3A_287 {
          %add3A_290 = arith.constant 700 : i32
          %add3A_291 = arith.addi %add3A_290, %scan3A_275 : i32
          %swap3A_292 = arith.index_cast %add3A_291 : i32 to index
          %swap3A_293 = memref.load %arg36[%swap3A_292] : memref<1208xi32, #tpu.memory_space<smem>>
          memref.store %scan3A_274, %arg36[%swap3A_292] : memref<1208xi32, #tpu.memory_space<smem>>
        } else {
        }
        %convert_element_type3A_288 = arith.extui %and3A_284 : i1 to i32
        %add3A_289 = arith.addi %scan3A_275, %convert_element_type3A_288 : i32
        scf.yield %add3A_289 : i32
      }
      %scan3A_260 = arith.constant 50 : i32
      %swap3A_261 = arith.constant 14 : i32
      %swap3A_262 = arith.index_cast %swap3A_261 : i32 to index
      %swap3A_263 = memref.load %arg37[%swap3A_262] : memref<24xi32, #tpu.memory_space<smem>>
      memref.store %scan3A_259, %arg37[%swap3A_262] : memref<24xi32, #tpu.memory_space<smem>>
      %scan3A_264 = arith.constant 0 : i32
      %scan3A_265 = arith.constant 0 : i32
      %scan3A_266 = arith.constant 50 : i32
      %scan3A_267 = arith.addi %scan3A_265, %scan3A_266 : i32
      %scan3A_268 = arith.constant 1 : i32
      %scan3A_269 = scf.for %scan3A_274 = %scan3A_265 to %scan3A_267 step %scan3A_268 iter_args(%scan3A_275 = %scan3A_264) -> (i32)  : i32 {
        %add3A_276 = arith.constant 150 : i32
        %add3A_277 = arith.addi %add3A_276, %scan3A_274 : i32
        %mul3A_278 = arith.constant 16 : i32
        %mul3A_279 = arith.muli %add3A_277, %mul3A_278 : i32
        %get3A = arith.index_cast %mul3A_279 : i32 to index
        %get3A_280 = tpu.vector_load %arg24[%get3A] {strides = array<i32>} : memref<3200xf32, #tpu.memory_space<vmem>>, vector<16xf32>,
        %get3A_281 = vector.shape_cast %get3A_280 : vector<16xf32> to vector<16xf32>
        %slice3A = vector.extract_strided_slice %get3A_281 {offsets = [0], sizes = [1], strides = [1]} : vector<16xf32> to vector<1xf32>
        %squeeze3A = vector.extract %slice3A[0] : f32 from vector<1xf32>
        %sub3A = arith.subf %squeeze3A, %cond3A_189 : f32
        %le3A_282 = arith.cmpf ole, %sub3A, %cond3A_190 : f32
        %add3A_283 = arith.addf %squeeze3A, %cond3A_191 : f32
        %gt3A = arith.cmpf ogt, %add3A_283, %cond3A_192 : f32
        %and3A_284 = arith.andi %le3A_282, %gt3A : i1
        %convert_element_type3A_285 = arith.extui %and3A_284 : i1 to i32
        %cond3A_286 = arith.constant 0 : i32
        %cond3A_287 = arith.cmpi ne, %convert_element_type3A_285, %cond3A_286 : i32
        scf.if %cond3A_287 {
          %add3A_290 = arith.constant 1000 : i32
          %add3A_291 = arith.addi %add3A_290, %scan3A_275 : i32
          %swap3A_292 = arith.index_cast %add3A_291 : i32 to index
          %swap3A_293 = memref.load %arg36[%swap3A_292] : memref<1208xi32, #tpu.memory_space<smem>>
          memref.store %scan3A_274, %arg36[%swap3A_292] : memref<1208xi32, #tpu.memory_space<smem>>
        } else {
        }
        %convert_element_type3A_288 = arith.extui %and3A_284 : i1 to i32
        %add3A_289 = arith.addi %scan3A_275, %convert_element_type3A_288 : i32
        scf.yield %add3A_289 : i32
      }
      %scan3A_270 = arith.constant 50 : i32
      %swap3A_271 = arith.constant 20 : i32
      %swap3A_272 = arith.index_cast %swap3A_271 : i32 to index
      %swap3A_273 = memref.load %arg37[%swap3A_272] : memref<24xi32, #tpu.memory_space<smem>>
      memref.store %scan3A_269, %arg37[%swap3A_272] : memref<24xi32, #tpu.memory_space<smem>>
    } else {
    }
    %ge3A_195 = arith.constant 3 : i32
    %ge3A_196 = arith.constant 0 : i32
    %ge3A_197 = arith.cmpi sge, %ge3A_195, %ge3A_196 : i32
    %le3A_198 = arith.constant 3 : i32
    %le3A_199 = arith.cmpi sle, %le3A_198, %add3A_63 : i32
    %and3A_200 = arith.andi %ge3A_197, %le3A_199 : i1
    %convert_element_type3A_201 = arith.extui %and3A_200 : i1 to i32
    %cond3A_202 = arith.constant 1.000000e+00 : f32
    %cond3A_203 = arith.constant 5.120000e+02 : f32
    %cond3A_204 = arith.constant 9.700000e+01 : f32
    %cond3A_205 = arith.constant 2.560000e+02 : f32
    %cond3A_206 = arith.constant 0 : i32
    %cond3A_207 = arith.cmpi ne, %convert_element_type3A_201, %cond3A_206 : i32
    scf.if %cond3A_207 {
      %scan3A_234 = arith.constant 0 : i32
      %scan3A_235 = arith.constant 0 : i32
      %scan3A_236 = arith.constant 50 : i32
      %scan3A_237 = arith.addi %scan3A_235, %scan3A_236 : i32
      %scan3A_238 = arith.constant 1 : i32
      %scan3A_239 = scf.for %scan3A_274 = %scan3A_235 to %scan3A_237 step %scan3A_238 iter_args(%scan3A_275 = %scan3A_234) -> (i32)  : i32 {
        %add3A_276 = arith.constant 0 : i32
        %add3A_277 = arith.addi %add3A_276, %scan3A_274 : i32
        %mul3A_278 = arith.constant 16 : i32
        %mul3A_279 = arith.muli %add3A_277, %mul3A_278 : i32
        %get3A = arith.index_cast %mul3A_279 : i32 to index
        %get3A_280 = tpu.vector_load %arg24[%get3A] {strides = array<i32>} : memref<3200xf32, #tpu.memory_space<vmem>>, vector<16xf32>,
        %get3A_281 = vector.shape_cast %get3A_280 : vector<16xf32> to vector<16xf32>
        %slice3A = vector.extract_strided_slice %get3A_281 {offsets = [0], sizes = [1], strides = [1]} : vector<16xf32> to vector<1xf32>
        %squeeze3A = vector.extract %slice3A[0] : f32 from vector<1xf32>
        %sub3A = arith.subf %squeeze3A, %cond3A_202 : f32
        %le3A_282 = arith.cmpf ole, %sub3A, %cond3A_203 : f32
        %add3A_283 = arith.addf %squeeze3A, %cond3A_204 : f32
        %gt3A = arith.cmpf ogt, %add3A_283, %cond3A_205 : f32
        %and3A_284 = arith.andi %le3A_282, %gt3A : i1
        %convert_element_type3A_285 = arith.extui %and3A_284 : i1 to i32
        %cond3A_286 = arith.constant 0 : i32
        %cond3A_287 = arith.cmpi ne, %convert_element_type3A_285, %cond3A_286 : i32
        scf.if %cond3A_287 {
          %add3A_290 = arith.constant 150 : i32
          %add3A_291 = arith.addi %add3A_290, %scan3A_275 : i32
          %swap3A_292 = arith.index_cast %add3A_291 : i32 to index
          %swap3A_293 = memref.load %arg36[%swap3A_292] : memref<1208xi32, #tpu.memory_space<smem>>
          memref.store %scan3A_274, %arg36[%swap3A_292] : memref<1208xi32, #tpu.memory_space<smem>>
        } else {
        }
        %convert_element_type3A_288 = arith.extui %and3A_284 : i1 to i32
        %add3A_289 = arith.addi %scan3A_275, %convert_element_type3A_288 : i32
        scf.yield %add3A_289 : i32
      }
      %scan3A_240 = arith.constant 50 : i32
      %swap3A_241 = arith.constant 3 : i32
      %swap3A_242 = arith.index_cast %swap3A_241 : i32 to index
      %swap3A_243 = memref.load %arg37[%swap3A_242] : memref<24xi32, #tpu.memory_space<smem>>
      memref.store %scan3A_239, %arg37[%swap3A_242] : memref<24xi32, #tpu.memory_space<smem>>
      %scan3A_244 = arith.constant 0 : i32
      %scan3A_245 = arith.constant 0 : i32
      %scan3A_246 = arith.constant 50 : i32
      %scan3A_247 = arith.addi %scan3A_245, %scan3A_246 : i32
      %scan3A_248 = arith.constant 1 : i32
      %scan3A_249 = scf.for %scan3A_274 = %scan3A_245 to %scan3A_247 step %scan3A_248 iter_args(%scan3A_275 = %scan3A_244) -> (i32)  : i32 {
        %add3A_276 = arith.constant 50 : i32
        %add3A_277 = arith.addi %add3A_276, %scan3A_274 : i32
        %mul3A_278 = arith.constant 16 : i32
        %mul3A_279 = arith.muli %add3A_277, %mul3A_278 : i32
        %get3A = arith.index_cast %mul3A_279 : i32 to index
        %get3A_280 = tpu.vector_load %arg24[%get3A] {strides = array<i32>} : memref<3200xf32, #tpu.memory_space<vmem>>, vector<16xf32>,
        %get3A_281 = vector.shape_cast %get3A_280 : vector<16xf32> to vector<16xf32>
        %slice3A = vector.extract_strided_slice %get3A_281 {offsets = [0], sizes = [1], strides = [1]} : vector<16xf32> to vector<1xf32>
        %squeeze3A = vector.extract %slice3A[0] : f32 from vector<1xf32>
        %sub3A = arith.subf %squeeze3A, %cond3A_202 : f32
        %le3A_282 = arith.cmpf ole, %sub3A, %cond3A_203 : f32
        %add3A_283 = arith.addf %squeeze3A, %cond3A_204 : f32
        %gt3A = arith.cmpf ogt, %add3A_283, %cond3A_205 : f32
        %and3A_284 = arith.andi %le3A_282, %gt3A : i1
        %convert_element_type3A_285 = arith.extui %and3A_284 : i1 to i32
        %cond3A_286 = arith.constant 0 : i32
        %cond3A_287 = arith.cmpi ne, %convert_element_type3A_285, %cond3A_286 : i32
        scf.if %cond3A_287 {
          %add3A_290 = arith.constant 450 : i32
          %add3A_291 = arith.addi %add3A_290, %scan3A_275 : i32
          %swap3A_292 = arith.index_cast %add3A_291 : i32 to index
          %swap3A_293 = memref.load %arg36[%swap3A_292] : memref<1208xi32, #tpu.memory_space<smem>>
          memref.store %scan3A_274, %arg36[%swap3A_292] : memref<1208xi32, #tpu.memory_space<smem>>
        } else {
        }
        %convert_element_type3A_288 = arith.extui %and3A_284 : i1 to i32
        %add3A_289 = arith.addi %scan3A_275, %convert_element_type3A_288 : i32
        scf.yield %add3A_289 : i32
      }
      %scan3A_250 = arith.constant 50 : i32
      %swap3A_251 = arith.constant 9 : i32
      %swap3A_252 = arith.index_cast %swap3A_251 : i32 to index
      %swap3A_253 = memref.load %arg37[%swap3A_252] : memref<24xi32, #tpu.memory_space<smem>>
      memref.store %scan3A_249, %arg37[%swap3A_252] : memref<24xi32, #tpu.memory_space<smem>>
      %scan3A_254 = arith.constant 0 : i32
      %scan3A_255 = arith.constant 0 : i32
      %scan3A_256 = arith.constant 50 : i32
      %scan3A_257 = arith.addi %scan3A_255, %scan3A_256 : i32
      %scan3A_258 = arith.constant 1 : i32
      %scan3A_259 = scf.for %scan3A_274 = %scan3A_255 to %scan3A_257 step %scan3A_258 iter_args(%scan3A_275 = %scan3A_254) -> (i32)  : i32 {
        %add3A_276 = arith.constant 100 : i32
        %add3A_277 = arith.addi %add3A_276, %scan3A_274 : i32
        %mul3A_278 = arith.constant 16 : i32
        %mul3A_279 = arith.muli %add3A_277, %mul3A_278 : i32
        %get3A = arith.index_cast %mul3A_279 : i32 to index
        %get3A_280 = tpu.vector_load %arg24[%get3A] {strides = array<i32>} : memref<3200xf32, #tpu.memory_space<vmem>>, vector<16xf32>,
        %get3A_281 = vector.shape_cast %get3A_280 : vector<16xf32> to vector<16xf32>
        %slice3A = vector.extract_strided_slice %get3A_281 {offsets = [0], sizes = [1], strides = [1]} : vector<16xf32> to vector<1xf32>
        %squeeze3A = vector.extract %slice3A[0] : f32 from vector<1xf32>
        %sub3A = arith.subf %squeeze3A, %cond3A_202 : f32
        %le3A_282 = arith.cmpf ole, %sub3A, %cond3A_203 : f32
        %add3A_283 = arith.addf %squeeze3A, %cond3A_204 : f32
        %gt3A = arith.cmpf ogt, %add3A_283, %cond3A_205 : f32
        %and3A_284 = arith.andi %le3A_282, %gt3A : i1
        %convert_element_type3A_285 = arith.extui %and3A_284 : i1 to i32
        %cond3A_286 = arith.constant 0 : i32
        %cond3A_287 = arith.cmpi ne, %convert_element_type3A_285, %cond3A_286 : i32
        scf.if %cond3A_287 {
          %add3A_290 = arith.constant 750 : i32
          %add3A_291 = arith.addi %add3A_290, %scan3A_275 : i32
          %swap3A_292 = arith.index_cast %add3A_291 : i32 to index
          %swap3A_293 = memref.load %arg36[%swap3A_292] : memref<1208xi32, #tpu.memory_space<smem>>
          memref.store %scan3A_274, %arg36[%swap3A_292] : memref<1208xi32, #tpu.memory_space<smem>>
        } else {
        }
        %convert_element_type3A_288 = arith.extui %and3A_284 : i1 to i32
        %add3A_289 = arith.addi %scan3A_275, %convert_element_type3A_288 : i32
        scf.yield %add3A_289 : i32
      }
      %scan3A_260 = arith.constant 50 : i32
      %swap3A_261 = arith.constant 15 : i32
      %swap3A_262 = arith.index_cast %swap3A_261 : i32 to index
      %swap3A_263 = memref.load %arg37[%swap3A_262] : memref<24xi32, #tpu.memory_space<smem>>
      memref.store %scan3A_259, %arg37[%swap3A_262] : memref<24xi32, #tpu.memory_space<smem>>
      %scan3A_264 = arith.constant 0 : i32
      %scan3A_265 = arith.constant 0 : i32
      %scan3A_266 = arith.constant 50 : i32
      %scan3A_267 = arith.addi %scan3A_265, %scan3A_266 : i32
      %scan3A_268 = arith.constant 1 : i32
      %scan3A_269 = scf.for %scan3A_274 = %scan3A_265 to %scan3A_267 step %scan3A_268 iter_args(%scan3A_275 = %scan3A_264) -> (i32)  : i32 {
        %add3A_276 = arith.constant 150 : i32
        %add3A_277 = arith.addi %add3A_276, %scan3A_274 : i32
        %mul3A_278 = arith.constant 16 : i32
        %mul3A_279 = arith.muli %add3A_277, %mul3A_278 : i32
        %get3A = arith.index_cast %mul3A_279 : i32 to index
        %get3A_280 = tpu.vector_load %arg24[%get3A] {strides = array<i32>} : memref<3200xf32, #tpu.memory_space<vmem>>, vector<16xf32>,
        %get3A_281 = vector.shape_cast %get3A_280 : vector<16xf32> to vector<16xf32>
        %slice3A = vector.extract_strided_slice %get3A_281 {offsets = [0], sizes = [1], strides = [1]} : vector<16xf32> to vector<1xf32>
        %squeeze3A = vector.extract %slice3A[0] : f32 from vector<1xf32>
        %sub3A = arith.subf %squeeze3A, %cond3A_202 : f32
        %le3A_282 = arith.cmpf ole, %sub3A, %cond3A_203 : f32
        %add3A_283 = arith.addf %squeeze3A, %cond3A_204 : f32
        %gt3A = arith.cmpf ogt, %add3A_283, %cond3A_205 : f32
        %and3A_284 = arith.andi %le3A_282, %gt3A : i1
        %convert_element_type3A_285 = arith.extui %and3A_284 : i1 to i32
        %cond3A_286 = arith.constant 0 : i32
        %cond3A_287 = arith.cmpi ne, %convert_element_type3A_285, %cond3A_286 : i32
        scf.if %cond3A_287 {
          %add3A_290 = arith.constant 1050 : i32
          %add3A_291 = arith.addi %add3A_290, %scan3A_275 : i32
          %swap3A_292 = arith.index_cast %add3A_291 : i32 to index
          %swap3A_293 = memref.load %arg36[%swap3A_292] : memref<1208xi32, #tpu.memory_space<smem>>
          memref.store %scan3A_274, %arg36[%swap3A_292] : memref<1208xi32, #tpu.memory_space<smem>>
        } else {
        }
        %convert_element_type3A_288 = arith.extui %and3A_284 : i1 to i32
        %add3A_289 = arith.addi %scan3A_275, %convert_element_type3A_288 : i32
        scf.yield %add3A_289 : i32
      }
      %scan3A_270 = arith.constant 50 : i32
      %swap3A_271 = arith.constant 21 : i32
      %swap3A_272 = arith.index_cast %swap3A_271 : i32 to index
      %swap3A_273 = memref.load %arg37[%swap3A_272] : memref<24xi32, #tpu.memory_space<smem>>
      memref.store %scan3A_269, %arg37[%swap3A_272] : memref<24xi32, #tpu.memory_space<smem>>
    } else {
    }
    %ge3A_208 = arith.constant 4 : i32
    %ge3A_209 = arith.constant 0 : i32
    %ge3A_210 = arith.cmpi sge, %ge3A_208, %ge3A_209 : i32
    %le3A_211 = arith.constant 4 : i32
    %le3A_212 = arith.cmpi sle, %le3A_211, %add3A_63 : i32
    %and3A_213 = arith.andi %ge3A_210, %le3A_212 : i1
    %convert_element_type3A_214 = arith.extui %and3A_213 : i1 to i32
    %cond3A_215 = arith.constant 1.000000e+00 : f32
    %cond3A_216 = arith.constant 9.999990e+05 : f32
    %cond3A_217 = arith.constant 1.930000e+02 : f32
    %cond3A_218 = arith.constant 5.120000e+02 : f32
    %cond3A_219 = arith.constant 0 : i32
    %cond3A_220 = arith.cmpi ne, %convert_element_type3A_214, %cond3A_219 : i32
    scf.if %cond3A_220 {
      %scan3A_234 = arith.constant 0 : i32
      %scan3A_235 = arith.constant 0 : i32
      %scan3A_236 = arith.constant 50 : i32
      %scan3A_237 = arith.addi %scan3A_235, %scan3A_236 : i32
      %scan3A_238 = arith.constant 1 : i32
      %scan3A_239 = scf.for %scan3A_274 = %scan3A_235 to %scan3A_237 step %scan3A_238 iter_args(%scan3A_275 = %scan3A_234) -> (i32)  : i32 {
        %add3A_276 = arith.constant 0 : i32
        %add3A_277 = arith.addi %add3A_276, %scan3A_274 : i32
        %mul3A_278 = arith.constant 16 : i32
        %mul3A_279 = arith.muli %add3A_277, %mul3A_278 : i32
        %get3A = arith.index_cast %mul3A_279 : i32 to index
        %get3A_280 = tpu.vector_load %arg24[%get3A] {strides = array<i32>} : memref<3200xf32, #tpu.memory_space<vmem>>, vector<16xf32>,
        %get3A_281 = vector.shape_cast %get3A_280 : vector<16xf32> to vector<16xf32>
        %slice3A = vector.extract_strided_slice %get3A_281 {offsets = [0], sizes = [1], strides = [1]} : vector<16xf32> to vector<1xf32>
        %squeeze3A = vector.extract %slice3A[0] : f32 from vector<1xf32>
        %sub3A = arith.subf %squeeze3A, %cond3A_215 : f32
        %le3A_282 = arith.cmpf ole, %sub3A, %cond3A_216 : f32
        %add3A_283 = arith.addf %squeeze3A, %cond3A_217 : f32
        %gt3A = arith.cmpf ogt, %add3A_283, %cond3A_218 : f32
        %and3A_284 = arith.andi %le3A_282, %gt3A : i1
        %convert_element_type3A_285 = arith.extui %and3A_284 : i1 to i32
        %cond3A_286 = arith.constant 0 : i32
        %cond3A_287 = arith.cmpi ne, %convert_element_type3A_285, %cond3A_286 : i32
        scf.if %cond3A_287 {
          %add3A_290 = arith.constant 200 : i32
          %add3A_291 = arith.addi %add3A_290, %scan3A_275 : i32
          %swap3A_292 = arith.index_cast %add3A_291 : i32 to index
          %swap3A_293 = memref.load %arg36[%swap3A_292] : memref<1208xi32, #tpu.memory_space<smem>>
          memref.store %scan3A_274, %arg36[%swap3A_292] : memref<1208xi32, #tpu.memory_space<smem>>
        } else {
        }
        %convert_element_type3A_288 = arith.extui %and3A_284 : i1 to i32
        %add3A_289 = arith.addi %scan3A_275, %convert_element_type3A_288 : i32
        scf.yield %add3A_289 : i32
      }
      %scan3A_240 = arith.constant 50 : i32
      %swap3A_241 = arith.constant 4 : i32
      %swap3A_242 = arith.index_cast %swap3A_241 : i32 to index
      %swap3A_243 = memref.load %arg37[%swap3A_242] : memref<24xi32, #tpu.memory_space<smem>>
      memref.store %scan3A_239, %arg37[%swap3A_242] : memref<24xi32, #tpu.memory_space<smem>>
      %scan3A_244 = arith.constant 0 : i32
      %scan3A_245 = arith.constant 0 : i32
      %scan3A_246 = arith.constant 50 : i32
      %scan3A_247 = arith.addi %scan3A_245, %scan3A_246 : i32
      %scan3A_248 = arith.constant 1 : i32
      %scan3A_249 = scf.for %scan3A_274 = %scan3A_245 to %scan3A_247 step %scan3A_248 iter_args(%scan3A_275 = %scan3A_244) -> (i32)  : i32 {
        %add3A_276 = arith.constant 50 : i32
        %add3A_277 = arith.addi %add3A_276, %scan3A_274 : i32
        %mul3A_278 = arith.constant 16 : i32
        %mul3A_279 = arith.muli %add3A_277, %mul3A_278 : i32
        %get3A = arith.index_cast %mul3A_279 : i32 to index
        %get3A_280 = tpu.vector_load %arg24[%get3A] {strides = array<i32>} : memref<3200xf32, #tpu.memory_space<vmem>>, vector<16xf32>,
        %get3A_281 = vector.shape_cast %get3A_280 : vector<16xf32> to vector<16xf32>
        %slice3A = vector.extract_strided_slice %get3A_281 {offsets = [0], sizes = [1], strides = [1]} : vector<16xf32> to vector<1xf32>
        %squeeze3A = vector.extract %slice3A[0] : f32 from vector<1xf32>
        %sub3A = arith.subf %squeeze3A, %cond3A_215 : f32
        %le3A_282 = arith.cmpf ole, %sub3A, %cond3A_216 : f32
        %add3A_283 = arith.addf %squeeze3A, %cond3A_217 : f32
        %gt3A = arith.cmpf ogt, %add3A_283, %cond3A_218 : f32
        %and3A_284 = arith.andi %le3A_282, %gt3A : i1
        %convert_element_type3A_285 = arith.extui %and3A_284 : i1 to i32
        %cond3A_286 = arith.constant 0 : i32
        %cond3A_287 = arith.cmpi ne, %convert_element_type3A_285, %cond3A_286 : i32
        scf.if %cond3A_287 {
          %add3A_290 = arith.constant 500 : i32
          %add3A_291 = arith.addi %add3A_290, %scan3A_275 : i32
          %swap3A_292 = arith.index_cast %add3A_291 : i32 to index
          %swap3A_293 = memref.load %arg36[%swap3A_292] : memref<1208xi32, #tpu.memory_space<smem>>
          memref.store %scan3A_274, %arg36[%swap3A_292] : memref<1208xi32, #tpu.memory_space<smem>>
        } else {
        }
        %convert_element_type3A_288 = arith.extui %and3A_284 : i1 to i32
        %add3A_289 = arith.addi %scan3A_275, %convert_element_type3A_288 : i32
        scf.yield %add3A_289 : i32
      }
      %scan3A_250 = arith.constant 50 : i32
      %swap3A_251 = arith.constant 10 : i32
      %swap3A_252 = arith.index_cast %swap3A_251 : i32 to index
      %swap3A_253 = memref.load %arg37[%swap3A_252] : memref<24xi32, #tpu.memory_space<smem>>
      memref.store %scan3A_249, %arg37[%swap3A_252] : memref<24xi32, #tpu.memory_space<smem>>
      %scan3A_254 = arith.constant 0 : i32
      %scan3A_255 = arith.constant 0 : i32
      %scan3A_256 = arith.constant 50 : i32
      %scan3A_257 = arith.addi %scan3A_255, %scan3A_256 : i32
      %scan3A_258 = arith.constant 1 : i32
      %scan3A_259 = scf.for %scan3A_274 = %scan3A_255 to %scan3A_257 step %scan3A_258 iter_args(%scan3A_275 = %scan3A_254) -> (i32)  : i32 {
        %add3A_276 = arith.constant 100 : i32
        %add3A_277 = arith.addi %add3A_276, %scan3A_274 : i32
        %mul3A_278 = arith.constant 16 : i32
        %mul3A_279 = arith.muli %add3A_277, %mul3A_278 : i32
        %get3A = arith.index_cast %mul3A_279 : i32 to index
        %get3A_280 = tpu.vector_load %arg24[%get3A] {strides = array<i32>} : memref<3200xf32, #tpu.memory_space<vmem>>, vector<16xf32>,
        %get3A_281 = vector.shape_cast %get3A_280 : vector<16xf32> to vector<16xf32>
        %slice3A = vector.extract_strided_slice %get3A_281 {offsets = [0], sizes = [1], strides = [1]} : vector<16xf32> to vector<1xf32>
        %squeeze3A = vector.extract %slice3A[0] : f32 from vector<1xf32>
        %sub3A = arith.subf %squeeze3A, %cond3A_215 : f32
        %le3A_282 = arith.cmpf ole, %sub3A, %cond3A_216 : f32
        %add3A_283 = arith.addf %squeeze3A, %cond3A_217 : f32
        %gt3A = arith.cmpf ogt, %add3A_283, %cond3A_218 : f32
        %and3A_284 = arith.andi %le3A_282, %gt3A : i1
        %convert_element_type3A_285 = arith.extui %and3A_284 : i1 to i32
        %cond3A_286 = arith.constant 0 : i32
        %cond3A_287 = arith.cmpi ne, %convert_element_type3A_285, %cond3A_286 : i32
        scf.if %cond3A_287 {
          %add3A_290 = arith.constant 800 : i32
          %add3A_291 = arith.addi %add3A_290, %scan3A_275 : i32
          %swap3A_292 = arith.index_cast %add3A_291 : i32 to index
          %swap3A_293 = memref.load %arg36[%swap3A_292] : memref<1208xi32, #tpu.memory_space<smem>>
          memref.store %scan3A_274, %arg36[%swap3A_292] : memref<1208xi32, #tpu.memory_space<smem>>
        } else {
        }
        %convert_element_type3A_288 = arith.extui %and3A_284 : i1 to i32
        %add3A_289 = arith.addi %scan3A_275, %convert_element_type3A_288 : i32
        scf.yield %add3A_289 : i32
      }
      %scan3A_260 = arith.constant 50 : i32
      %swap3A_261 = arith.constant 16 : i32
      %swap3A_262 = arith.index_cast %swap3A_261 : i32 to index
      %swap3A_263 = memref.load %arg37[%swap3A_262] : memref<24xi32, #tpu.memory_space<smem>>
      memref.store %scan3A_259, %arg37[%swap3A_262] : memref<24xi32, #tpu.memory_space<smem>>
      %scan3A_264 = arith.constant 0 : i32
      %scan3A_265 = arith.constant 0 : i32
      %scan3A_266 = arith.constant 50 : i32
      %scan3A_267 = arith.addi %scan3A_265, %scan3A_266 : i32
      %scan3A_268 = arith.constant 1 : i32
      %scan3A_269 = scf.for %scan3A_274 = %scan3A_265 to %scan3A_267 step %scan3A_268 iter_args(%scan3A_275 = %scan3A_264) -> (i32)  : i32 {
        %add3A_276 = arith.constant 150 : i32
        %add3A_277 = arith.addi %add3A_276, %scan3A_274 : i32
        %mul3A_278 = arith.constant 16 : i32
        %mul3A_279 = arith.muli %add3A_277, %mul3A_278 : i32
        %get3A = arith.index_cast %mul3A_279 : i32 to index
        %get3A_280 = tpu.vector_load %arg24[%get3A] {strides = array<i32>} : memref<3200xf32, #tpu.memory_space<vmem>>, vector<16xf32>,
        %get3A_281 = vector.shape_cast %get3A_280 : vector<16xf32> to vector<16xf32>
        %slice3A = vector.extract_strided_slice %get3A_281 {offsets = [0], sizes = [1], strides = [1]} : vector<16xf32> to vector<1xf32>
        %squeeze3A = vector.extract %slice3A[0] : f32 from vector<1xf32>
        %sub3A = arith.subf %squeeze3A, %cond3A_215 : f32
        %le3A_282 = arith.cmpf ole, %sub3A, %cond3A_216 : f32
        %add3A_283 = arith.addf %squeeze3A, %cond3A_217 : f32
        %gt3A = arith.cmpf ogt, %add3A_283, %cond3A_218 : f32
        %and3A_284 = arith.andi %le3A_282, %gt3A : i1
        %convert_element_type3A_285 = arith.extui %and3A_284 : i1 to i32
        %cond3A_286 = arith.constant 0 : i32
        %cond3A_287 = arith.cmpi ne, %convert_element_type3A_285, %cond3A_286 : i32
        scf.if %cond3A_287 {
          %add3A_290 = arith.constant 1100 : i32
          %add3A_291 = arith.addi %add3A_290, %scan3A_275 : i32
          %swap3A_292 = arith.index_cast %add3A_291 : i32 to index
          %swap3A_293 = memref.load %arg36[%swap3A_292] : memref<1208xi32, #tpu.memory_space<smem>>
          memref.store %scan3A_274, %arg36[%swap3A_292] : memref<1208xi32, #tpu.memory_space<smem>>
        } else {
        }
        %convert_element_type3A_288 = arith.extui %and3A_284 : i1 to i32
        %add3A_289 = arith.addi %scan3A_275, %convert_element_type3A_288 : i32
        scf.yield %add3A_289 : i32
      }
      %scan3A_270 = arith.constant 50 : i32
      %swap3A_271 = arith.constant 22 : i32
      %swap3A_272 = arith.index_cast %swap3A_271 : i32 to index
      %swap3A_273 = memref.load %arg37[%swap3A_272] : memref<24xi32, #tpu.memory_space<smem>>
      memref.store %scan3A_269, %arg37[%swap3A_272] : memref<24xi32, #tpu.memory_space<smem>>
    } else {
    }
    %broadcast_in_dim3A = arith.constant 1.000000e+08 : f32
    %broadcast_in_dim3A_221 = vector.broadcast %broadcast_in_dim3A : f32 to vector<16xf32>
    %scan3A_222 = arith.constant 0 : i32
    %scan3A_223 = arith.constant 0 : i32
    %scan3A_224 = arith.constant 172 : i32
    %scan3A_225 = arith.addi %scan3A_223, %scan3A_224 : i32
    %scan3A_226 = arith.constant 1 : i32
    scf.for %scan3A_234 = %scan3A_223 to %scan3A_225 step %scan3A_226  : i32 {
      %jit3A = arith.constant 43 : i32
      %div3A = arith.divsi %scan3A_234, %jit3A : i32
      %sign3A = arith.constant 0 : i32
      %sign3A_235 = arith.cmpi sgt, %scan3A_234, %sign3A : i32
      %sign3A_236 = arith.extui %sign3A_235 : i1 to i32
      %sign3A_237 = arith.constant 0 : i32
      %sign3A_238 = arith.cmpi slt, %scan3A_234, %sign3A_237 : i32
      %sign3A_239 = arith.extui %sign3A_238 : i1 to i32
      %sign3A_240 = arith.subi %sign3A_236, %sign3A_239 : i32
      %sign3A_241 = arith.constant 0 : i32
      %sign3A_242 = arith.cmpi sgt, %jit3A, %sign3A_241 : i32
      %sign3A_243 = arith.extui %sign3A_242 : i1 to i32
      %sign3A_244 = arith.constant 0 : i32
      %sign3A_245 = arith.cmpi slt, %jit3A, %sign3A_244 : i32
      %sign3A_246 = arith.extui %sign3A_245 : i1 to i32
      %sign3A_247 = arith.subi %sign3A_243, %sign3A_246 : i32
      %ne3A = arith.cmpi ne, %sign3A_240, %sign3A_247 : i32
      %rem3A = arith.remsi %scan3A_234, %jit3A : i32
      %ne3A_248 = arith.constant 0 : i32
      %ne3A_249 = arith.cmpi ne, %rem3A, %ne3A_248 : i32
      %and3A_250 = arith.andi %ne3A, %ne3A_249 : i1
      %sub3A = arith.constant 1 : i32
      %sub3A_251 = arith.subi %div3A, %sub3A : i32
      %select_n3A = arith.select %and3A_250, %sub3A_251, %div3A : i32
      %mul3A_252 = arith.constant 43 : i32
      %mul3A_253 = arith.muli %select_n3A, %mul3A_252 : i32
      %sub3A_254 = arith.subi %scan3A_234, %mul3A_253 : i32
      %mul3A_255 = arith.constant 16 : i32
      %mul3A_256 = arith.muli %sub3A_254, %mul3A_255 : i32
      %get3A = arith.index_cast %mul3A_256 : i32 to index
      %get3A_257 = tpu.vector_load %arg25[%get3A] {strides = array<i32>} : memref<688xf32, #tpu.memory_space<vmem>>, vector<16xf32>,
      %get3A_258 = vector.shape_cast %get3A_257 : vector<16xf32> to vector<16xf32>
      %get3A_259 = arith.index_cast %mul3A_256 : i32 to index
      %get3A_260 = tpu.vector_load %arg26[%get3A_259] {strides = array<i32>} : memref<688xf32, #tpu.memory_space<vmem>>, vector<16xf32>,
      %get3A_261 = vector.shape_cast %get3A_260 : vector<16xf32> to vector<16xf32>
      %get3A_262 = arith.index_cast %mul3A_256 : i32 to index
      %get3A_263 = tpu.vector_load %arg27[%get3A_262] {strides = array<i32>} : memref<688xf32, #tpu.memory_space<vmem>>, vector<16xf32>,
      %get3A_264 = vector.shape_cast %get3A_263 : vector<16xf32> to vector<16xf32>
      %get3A_265 = arith.index_cast %mul3A_256 : i32 to index
      %get3A_266 = tpu.vector_load %arg28[%get3A_265] {strides = array<i32>} : memref<688xf32, #tpu.memory_space<vmem>>, vector<16xf32>,
      %get3A_267 = vector.shape_cast %get3A_266 : vector<16xf32> to vector<16xf32>
      %get3A_268 = arith.index_cast %mul3A_256 : i32 to index
      %get3A_269 = tpu.vector_load %arg29[%get3A_268] {strides = array<i32>} : memref<688xf32, #tpu.memory_space<vmem>>, vector<16xf32>,
      %get3A_270 = vector.shape_cast %get3A_269 : vector<16xf32> to vector<16xf32>
      %mul3A_271 = arith.constant 32 : i32
      %mul3A_272 = arith.muli %sub3A_254, %mul3A_271 : i32
      %add3A_273 = arith.addi %mul3A_272, %add3A : i32
      %ge3A_274 = arith.constant 1024 : i32
      %ge3A_275 = arith.cmpi sge, %add3A_273, %ge3A_274 : i32
      %convert_element_type3A_276 = arith.extui %ge3A_275 : i1 to i32
      %add3A_277 = arith.constant 0 : i32
      %add3A_278 = arith.addi %add3A_277, %convert_element_type3A_276 : i32
      %ge3A_279 = arith.constant 1280 : i32
      %ge3A_280 = arith.cmpi sge, %add3A_273, %ge3A_279 : i32
      %convert_element_type3A_281 = arith.extui %ge3A_280 : i1 to i32
      %add3A_282 = arith.addi %add3A_278, %convert_element_type3A_281 : i32
      %ge3A_283 = arith.constant 1344 : i32
      %ge3A_284 = arith.cmpi sge, %add3A_273, %ge3A_283 : i32
      %convert_element_type3A_285 = arith.extui %ge3A_284 : i1 to i32
      %add3A_286 = arith.addi %add3A_282, %convert_element_type3A_285 : i32
      %ge3A_287 = arith.constant 1360 : i32
      %ge3A_288 = arith.cmpi sge, %add3A_273, %ge3A_287 : i32
      %convert_element_type3A_289 = arith.extui %ge3A_288 : i1 to i32
      %add3A_290 = arith.addi %add3A_286, %convert_element_type3A_289 : i32
      %ge3A_291 = arith.constant 1364 : i32
      %ge3A_292 = arith.cmpi sge, %add3A_273, %ge3A_291 : i32
      %convert_element_type3A_293 = arith.extui %ge3A_292 : i1 to i32
      %add3A_294 = arith.addi %add3A_290, %convert_element_type3A_293 : i32
      %mul3A_295 = arith.constant 6 : i32
      %mul3A_296 = arith.muli %select_n3A, %mul3A_295 : i32
      %add3A_297 = arith.addi %mul3A_296, %add3A_294 : i32
      %mul3A_298 = arith.constant 50 : i32
      %mul3A_299 = arith.muli %add3A_297, %mul3A_298 : i32
      %get3A_300 = arith.index_cast %add3A_297 : i32 to index
      %get3A_301 = memref.load %arg37[%get3A_300] : memref<24xi32, #tpu.memory_space<smem>>
      %mul3A_302 = arith.constant 50 : i32
      %mul3A_303 = arith.muli %select_n3A, %mul3A_302 : i32
      %mul3A_304 = arith.constant 16 : i32
      %mul3A_305 = arith.muli %mul3A_303, %mul3A_304 : i32
      %broadcast_in_dim3A_306 = arith.constant 0.000000e+00 : f32
      %broadcast_in_dim3A_307 = vector.broadcast %broadcast_in_dim3A_306 : f32 to vector<16xf32>
      %broadcast_in_dim3A_308 = arith.constant 0 : i32
      %broadcast_in_dim3A_309 = vector.broadcast %broadcast_in_dim3A_308 : i32 to vector<16xi32>
      %while3A = arith.constant 0 : i32
      %while3A_310 = arith.subi %get3A_301, %while3A : i32
      %while3A_311 = arith.addi %while3A, %while3A_310 : i32
      %while3A_312 = arith.constant 1 : i32
      %while3A_313 = arith.divsi %while3A_310, %while3A_312 : i32
      %while3A_314 = arith.muli %while3A_313, %while3A_312 : i32
      %while3A_315 = arith.addi %while3A, %while3A_314 : i32
      %while3A_316 = arith.constant 1 : i32
      %while3A_317:6 = scf.for %while3A_454 = %while3A to %while3A_315 step %while3A_316 iter_args(%while3A_455 = %broadcast_in_dim3A_221, %while3A_456 = %broadcast_in_dim3A_307, %while3A_457 = %broadcast_in_dim3A_307, %while3A_458 = %broadcast_in_dim3A_307, %while3A_459 = %broadcast_in_dim3A_307, %while3A_460 = %broadcast_in_dim3A_309) -> (vector<16xf32>, vector<16xf32>, vector<16xf32>, vector<16xf32>, vector<16xf32>, vector<16xi32>)  : i32 {
        %add3A_461 = arith.addi %mul3A_299, %while3A_454 : i32
        %get3A_462 = arith.index_cast %add3A_461 : i32 to index
        %get3A_463 = memref.load %arg36[%get3A_462] : memref<1208xi32, #tpu.memory_space<smem>>
        %mul3A_464 = arith.constant 16 : i32
        %mul3A_465 = arith.muli %get3A_463, %mul3A_464 : i32
        %add3A_466 = arith.addi %mul3A_305, %mul3A_465 : i32
        %get3A_467 = arith.index_cast %add3A_466 : i32 to index
        %get3A_468 = tpu.vector_load %arg17[%get3A_467] {strides = array<i32>} : memref<3200xf32, #tpu.memory_space<vmem>>, vector<16xf32>,
        %get3A_469 = vector.shape_cast %get3A_468 : vector<16xf32> to vector<16xf32>
        %sub3A_470 = arith.subf %get3A_258, %get3A_469 : vector<16xf32>
        %get3A_471 = arith.index_cast %add3A_466 : i32 to index
        %get3A_472 = tpu.vector_load %arg18[%get3A_471] {strides = array<i32>} : memref<3200xf32, #tpu.memory_space<vmem>>, vector<16xf32>,
        %get3A_473 = vector.shape_cast %get3A_472 : vector<16xf32> to vector<16xf32>
        %sub3A_474 = arith.subf %get3A_261, %get3A_473 : vector<16xf32>
        %get3A_475 = arith.index_cast %add3A_466 : i32 to index
        %get3A_476 = tpu.vector_load %arg19[%get3A_475] {strides = array<i32>} : memref<3200xf32, #tpu.memory_space<vmem>>, vector<16xf32>,
        %get3A_477 = vector.shape_cast %get3A_476 : vector<16xf32> to vector<16xf32>
        %sub3A_478 = arith.subf %get3A_477, %get3A_258 : vector<16xf32>
        %get3A_479 = arith.index_cast %add3A_466 : i32 to index
        %get3A_480 = tpu.vector_load %arg20[%get3A_479] {strides = array<i32>} : memref<3200xf32, #tpu.memory_space<vmem>>, vector<16xf32>,
        %get3A_481 = vector.shape_cast %get3A_480 : vector<16xf32> to vector<16xf32>
        %sub3A_482 = arith.subf %get3A_481, %get3A_261 : vector<16xf32>
        %add3A_483 = arith.addf %sub3A_470, %sub3A_478 : vector<16xf32>
        %add3A_484 = arith.addf %sub3A_474, %sub3A_482 : vector<16xf32>
        %mul3A_485 = arith.mulf %add3A_483, %add3A_484 : vector<16xf32>
        %min3A_486 = arith.minimumf %sub3A_470, %sub3A_474 : vector<16xf32>
        %min3A_487 = arith.minimumf %sub3A_478, %sub3A_482 : vector<16xf32>
        %min3A_488 = arith.minimumf %min3A_486, %min3A_487 : vector<16xf32>
        %max3A_489 = arith.maximumf %sub3A_470, %sub3A_474 : vector<16xf32>
        %max3A_490 = arith.maximumf %sub3A_478, %sub3A_482 : vector<16xf32>
        %max3A_491 = arith.maximumf %max3A_489, %max3A_490 : vector<16xf32>
        %get3A_492 = arith.index_cast %add3A_466 : i32 to index
        %get3A_493 = tpu.vector_load %arg21[%get3A_492] {strides = array<i32>} : memref<3200xf32, #tpu.memory_space<vmem>>, vector<16xf32>,
        %get3A_494 = vector.shape_cast %get3A_493 : vector<16xf32> to vector<16xf32>
        %sub3A_495 = arith.subf %get3A_258, %get3A_494 : vector<16xf32>
        %get3A_496 = arith.index_cast %add3A_466 : i32 to index
        %get3A_497 = tpu.vector_load %arg22[%get3A_496] {strides = array<i32>} : memref<3200xf32, #tpu.memory_space<vmem>>, vector<16xf32>,
        %get3A_498 = vector.shape_cast %get3A_497 : vector<16xf32> to vector<16xf32>
        %sub3A_499 = arith.subf %get3A_261, %get3A_498 : vector<16xf32>
        %abs3A = math.absf %sub3A_495 : vector<16xf32>
        %abs3A_500 = math.absf %sub3A_499 : vector<16xf32>
        %max3A_501 = arith.maximumf %abs3A, %abs3A_500 : vector<16xf32>
        %gt3A = arith.constant 0.000000e+00 : f32
        %gt3A_502 = vector.broadcast %gt3A : f32 to vector<16xf32>
        %gt3A_503 = arith.cmpf ogt, %min3A_488, %gt3A_502 : vector<16xf32>
        %gt3A_504 = arith.cmpf ogt, %max3A_491, %get3A_264 : vector<16xf32>
        %and3A_505 = arith.andi %gt3A_503, %gt3A_504 : vector<16xi1>
        %le3A_506 = arith.cmpf ole, %max3A_491, %get3A_267 : vector<16xf32>
        %and3A_507 = arith.andi %and3A_505, %le3A_506 : vector<16xi1>
        %lt3A_508 = arith.cmpf olt, %max3A_501, %get3A_270 : vector<16xf32>
        %and3A_509 = arith.andi %and3A_507, %lt3A_508 : vector<16xi1>
        %select_n3A_510 = arith.select %and3A_509, %mul3A_485, %broadcast_in_dim3A_221 : vector<16xi1>, vector<16xf32>
        %lt3A_511 = arith.cmpf olt, %select_n3A_510, %while3A_455 : vector<16xf32>
        %select_n3A_512 = arith.select %lt3A_511, %select_n3A_510, %while3A_455 : vector<16xi1>, vector<16xf32>
        %select_n3A_513 = arith.select %lt3A_511, %sub3A_470, %while3A_456 : vector<16xi1>, vector<16xf32>
        %select_n3A_514 = arith.select %lt3A_511, %sub3A_474, %while3A_457 : vector<16xi1>, vector<16xf32>
        %select_n3A_515 = arith.select %lt3A_511, %sub3A_478, %while3A_458 : vector<16xi1>, vector<16xf32>
        %select_n3A_516 = arith.select %lt3A_511, %sub3A_482, %while3A_459 : vector<16xi1>, vector<16xf32>
        %get3A_517 = arith.index_cast %add3A_466 : i32 to index
        %get3A_518 = tpu.vector_load %arg23[%get3A_517] {strides = array<i32>} : memref<3200xi32, #tpu.memory_space<vmem>>, vector<16xi32>,
        %get3A_519 = vector.shape_cast %get3A_518 : vector<16xi32> to vector<16xi32>
        %select_n3A_520 = arith.select %lt3A_511, %get3A_519, %while3A_460 : vector<16xi1>, vector<16xi32>
        scf.yield %select_n3A_512, %select_n3A_513, %select_n3A_514, %select_n3A_515, %select_n3A_516, %select_n3A_520 : vector<16xf32>, vector<16xf32>, vector<16xf32>, vector<16xf32>, vector<16xf32>, vector<16xi32>
      }
      %while3A_318 = arith.constant 1 : i32
      %while3A_319:6 = scf.for %while3A_454 = %while3A_315 to %while3A_311 step %while3A_318 iter_args(%while3A_455 = %while3A_317#0, %while3A_456 = %while3A_317#1, %while3A_457 = %while3A_317#2, %while3A_458 = %while3A_317#3, %while3A_459 = %while3A_317#4, %while3A_460 = %while3A_317#5) -> (vector<16xf32>, vector<16xf32>, vector<16xf32>, vector<16xf32>, vector<16xf32>, vector<16xi32>)  : i32 {
        %add3A_461 = arith.addi %mul3A_299, %while3A_454 : i32
        %get3A_462 = arith.index_cast %add3A_461 : i32 to index
        %get3A_463 = memref.load %arg36[%get3A_462] : memref<1208xi32, #tpu.memory_space<smem>>
        %mul3A_464 = arith.constant 16 : i32
        %mul3A_465 = arith.muli %get3A_463, %mul3A_464 : i32
        %add3A_466 = arith.addi %mul3A_305, %mul3A_465 : i32
        %get3A_467 = arith.index_cast %add3A_466 : i32 to index
        %get3A_468 = tpu.vector_load %arg17[%get3A_467] {strides = array<i32>} : memref<3200xf32, #tpu.memory_space<vmem>>, vector<16xf32>,
        %get3A_469 = vector.shape_cast %get3A_468 : vector<16xf32> to vector<16xf32>
        %sub3A_470 = arith.subf %get3A_258, %get3A_469 : vector<16xf32>
        %get3A_471 = arith.index_cast %add3A_466 : i32 to index
        %get3A_472 = tpu.vector_load %arg18[%get3A_471] {strides = array<i32>} : memref<3200xf32, #tpu.memory_space<vmem>>, vector<16xf32>,
        %get3A_473 = vector.shape_cast %get3A_472 : vector<16xf32> to vector<16xf32>
        %sub3A_474 = arith.subf %get3A_261, %get3A_473 : vector<16xf32>
        %get3A_475 = arith.index_cast %add3A_466 : i32 to index
        %get3A_476 = tpu.vector_load %arg19[%get3A_475] {strides = array<i32>} : memref<3200xf32, #tpu.memory_space<vmem>>, vector<16xf32>,
        %get3A_477 = vector.shape_cast %get3A_476 : vector<16xf32> to vector<16xf32>
        %sub3A_478 = arith.subf %get3A_477, %get3A_258 : vector<16xf32>
        %get3A_479 = arith.index_cast %add3A_466 : i32 to index
        %get3A_480 = tpu.vector_load %arg20[%get3A_479] {strides = array<i32>} : memref<3200xf32, #tpu.memory_space<vmem>>, vector<16xf32>,
        %get3A_481 = vector.shape_cast %get3A_480 : vector<16xf32> to vector<16xf32>
        %sub3A_482 = arith.subf %get3A_481, %get3A_261 : vector<16xf32>
        %add3A_483 = arith.addf %sub3A_470, %sub3A_478 : vector<16xf32>
        %add3A_484 = arith.addf %sub3A_474, %sub3A_482 : vector<16xf32>
        %mul3A_485 = arith.mulf %add3A_483, %add3A_484 : vector<16xf32>
        %min3A_486 = arith.minimumf %sub3A_470, %sub3A_474 : vector<16xf32>
        %min3A_487 = arith.minimumf %sub3A_478, %sub3A_482 : vector<16xf32>
        %min3A_488 = arith.minimumf %min3A_486, %min3A_487 : vector<16xf32>
        %max3A_489 = arith.maximumf %sub3A_470, %sub3A_474 : vector<16xf32>
        %max3A_490 = arith.maximumf %sub3A_478, %sub3A_482 : vector<16xf32>
        %max3A_491 = arith.maximumf %max3A_489, %max3A_490 : vector<16xf32>
        %get3A_492 = arith.index_cast %add3A_466 : i32 to index
        %get3A_493 = tpu.vector_load %arg21[%get3A_492] {strides = array<i32>} : memref<3200xf32, #tpu.memory_space<vmem>>, vector<16xf32>,
        %get3A_494 = vector.shape_cast %get3A_493 : vector<16xf32> to vector<16xf32>
        %sub3A_495 = arith.subf %get3A_258, %get3A_494 : vector<16xf32>
        %get3A_496 = arith.index_cast %add3A_466 : i32 to index
        %get3A_497 = tpu.vector_load %arg22[%get3A_496] {strides = array<i32>} : memref<3200xf32, #tpu.memory_space<vmem>>, vector<16xf32>,
        %get3A_498 = vector.shape_cast %get3A_497 : vector<16xf32> to vector<16xf32>
        %sub3A_499 = arith.subf %get3A_261, %get3A_498 : vector<16xf32>
        %abs3A = math.absf %sub3A_495 : vector<16xf32>
        %abs3A_500 = math.absf %sub3A_499 : vector<16xf32>
        %max3A_501 = arith.maximumf %abs3A, %abs3A_500 : vector<16xf32>
        %gt3A = arith.constant 0.000000e+00 : f32
        %gt3A_502 = vector.broadcast %gt3A : f32 to vector<16xf32>
        %gt3A_503 = arith.cmpf ogt, %min3A_488, %gt3A_502 : vector<16xf32>
        %gt3A_504 = arith.cmpf ogt, %max3A_491, %get3A_264 : vector<16xf32>
        %and3A_505 = arith.andi %gt3A_503, %gt3A_504 : vector<16xi1>
        %le3A_506 = arith.cmpf ole, %max3A_491, %get3A_267 : vector<16xf32>
        %and3A_507 = arith.andi %and3A_505, %le3A_506 : vector<16xi1>
        %lt3A_508 = arith.cmpf olt, %max3A_501, %get3A_270 : vector<16xf32>
        %and3A_509 = arith.andi %and3A_507, %lt3A_508 : vector<16xi1>
        %select_n3A_510 = arith.select %and3A_509, %mul3A_485, %broadcast_in_dim3A_221 : vector<16xi1>, vector<16xf32>
        %lt3A_511 = arith.cmpf olt, %select_n3A_510, %while3A_455 : vector<16xf32>
        %select_n3A_512 = arith.select %lt3A_511, %select_n3A_510, %while3A_455 : vector<16xi1>, vector<16xf32>
        %select_n3A_513 = arith.select %lt3A_511, %sub3A_470, %while3A_456 : vector<16xi1>, vector<16xf32>
        %select_n3A_514 = arith.select %lt3A_511, %sub3A_474, %while3A_457 : vector<16xi1>, vector<16xf32>
        %select_n3A_515 = arith.select %lt3A_511, %sub3A_478, %while3A_458 : vector<16xi1>, vector<16xf32>
        %select_n3A_516 = arith.select %lt3A_511, %sub3A_482, %while3A_459 : vector<16xi1>, vector<16xf32>
        %get3A_517 = arith.index_cast %add3A_466 : i32 to index
        %get3A_518 = tpu.vector_load %arg23[%get3A_517] {strides = array<i32>} : memref<3200xi32, #tpu.memory_space<vmem>>, vector<16xi32>,
        %get3A_519 = vector.shape_cast %get3A_518 : vector<16xi32> to vector<16xi32>
        %select_n3A_520 = arith.select %lt3A_511, %get3A_519, %while3A_460 : vector<16xi1>, vector<16xi32>
        scf.yield %select_n3A_512, %select_n3A_513, %select_n3A_514, %select_n3A_515, %select_n3A_516, %select_n3A_520 : vector<16xf32>, vector<16xf32>, vector<16xf32>, vector<16xf32>, vector<16xf32>, vector<16xi32>
      }
      %lt3A = arith.cmpf olt, %while3A_319#0, %broadcast_in_dim3A_221 : vector<16xf32>
      %mul3A_320 = arith.constant 688 : i32
      %mul3A_321 = arith.muli %select_n3A, %mul3A_320 : i32
      %add3A_322 = arith.addi %mul3A_321, %mul3A_256 : i32
      %jit3A_323 = arith.constant -1.000000e+00 : f32
      %broadcast_in_dim3A_324 = vector.broadcast %jit3A_323 : f32 to vector<16xf32>
      %select_n3A_325 = arith.select %lt3A, %while3A_319#1, %broadcast_in_dim3A_324 : vector<16xi1>, vector<16xf32>
      %swap3A_326 = arith.index_cast %add3A_322 : i32 to index
      %swap3A_327 = tpu.vector_load %arg32[%swap3A_326] {strides = array<i32>} : memref<2752xf32, #tpu.memory_space<vmem>>, vector<16xf32>,
      %swap3A_328 = vector.shape_cast %swap3A_327 : vector<16xf32> to vector<16xf32>
      %swap3A_329 = vector.shape_cast %select_n3A_325 : vector<16xf32> to vector<16xf32>
      tpu.vector_store %arg32[%swap3A_326], %swap3A_329 {strides = array<i32>} : memref<2752xf32, #tpu.memory_space<vmem>>, vector<16xf32>,
      %jit3A_330 = arith.constant -1.000000e+00 : f32
      %broadcast_in_dim3A_331 = vector.broadcast %jit3A_330 : f32 to vector<16xf32>
      %select_n3A_332 = arith.select %lt3A, %while3A_319#2, %broadcast_in_dim3A_331 : vector<16xi1>, vector<16xf32>
      %swap3A_333 = arith.index_cast %add3A_322 : i32 to index
      %swap3A_334 = tpu.vector_load %arg33[%swap3A_333] {strides = array<i32>} : memref<2752xf32, #tpu.memory_space<vmem>>, vector<16xf32>,
      %swap3A_335 = vector.shape_cast %swap3A_334 : vector<16xf32> to vector<16xf32>
      %swap3A_336 = vector.shape_cast %select_n3A_332 : vector<16xf32> to vector<16xf32>
      tpu.vector_store %arg33[%swap3A_333], %swap3A_336 {strides = array<i32>} : memref<2752xf32, #tpu.memory_space<vmem>>, vector<16xf32>,
      %jit3A_337 = arith.constant -1.000000e+00 : f32
      %broadcast_in_dim3A_338 = vector.broadcast %jit3A_337 : f32 to vector<16xf32>
      %select_n3A_339 = arith.select %lt3A, %while3A_319#3, %broadcast_in_dim3A_338 : vector<16xi1>, vector<16xf32>
      %swap3A_340 = arith.index_cast %add3A_322 : i32 to index
      %swap3A_341 = tpu.vector_load %arg34[%swap3A_340] {strides = array<i32>} : memref<2752xf32, #tpu.memory_space<vmem>>, vector<16xf32>,
      %swap3A_342 = vector.shape_cast %swap3A_341 : vector<16xf32> to vector<16xf32>
      %swap3A_343 = vector.shape_cast %select_n3A_339 : vector<16xf32> to vector<16xf32>
      tpu.vector_store %arg34[%swap3A_340], %swap3A_343 {strides = array<i32>} : memref<2752xf32, #tpu.memory_space<vmem>>, vector<16xf32>,
      %jit3A_344 = arith.constant -1.000000e+00 : f32
      %broadcast_in_dim3A_345 = vector.broadcast %jit3A_344 : f32 to vector<16xf32>
      %select_n3A_346 = arith.select %lt3A, %while3A_319#4, %broadcast_in_dim3A_345 : vector<16xi1>, vector<16xf32>
      %swap3A_347 = arith.index_cast %add3A_322 : i32 to index
      %swap3A_348 = tpu.vector_load %arg35[%swap3A_347] {strides = array<i32>} : memref<2752xf32, #tpu.memory_space<vmem>>, vector<16xf32>,
      %swap3A_349 = vector.shape_cast %swap3A_348 : vector<16xf32> to vector<16xf32>
      %swap3A_350 = vector.shape_cast %select_n3A_346 : vector<16xf32> to vector<16xf32>
      tpu.vector_store %arg35[%swap3A_347], %swap3A_350 {strides = array<i32>} : memref<2752xf32, #tpu.memory_space<vmem>>, vector<16xf32>,
      %jit3A_351 = arith.constant 0 : i32
      %broadcast_in_dim3A_352 = vector.broadcast %jit3A_351 : i32 to vector<16xi32>
      %select_n3A_353 = arith.select %lt3A, %while3A_319#5, %broadcast_in_dim3A_352 : vector<16xi1>, vector<16xi32>
      %swap3A_354 = arith.index_cast %add3A_322 : i32 to index
      %swap3A_355 = tpu.vector_load %arg30[%swap3A_354] {strides = array<i32>} : memref<2752xi32, #tpu.memory_space<vmem>>, vector<16xi32>,
      %swap3A_356 = vector.shape_cast %swap3A_355 : vector<16xi32> to vector<16xi32>
      %swap3A_357 = vector.shape_cast %select_n3A_353 : vector<16xi32> to vector<16xi32>
      tpu.vector_store %arg30[%swap3A_354], %swap3A_357 {strides = array<i32>} : memref<2752xi32, #tpu.memory_space<vmem>>, vector<16xi32>,
      %max3A = arith.constant 0.000000e+00 : f32
      %max3A_358 = vector.broadcast %max3A : f32 to vector<16xf32>
      %max3A_359 = arith.maximumf %while3A_319#1, %max3A_358 : vector<16xf32>
      %max3A_360 = arith.constant 0.000000e+00 : f32
      %max3A_361 = vector.broadcast %max3A_360 : f32 to vector<16xf32>
      %max3A_362 = arith.maximumf %while3A_319#2, %max3A_361 : vector<16xf32>
      %max3A_363 = arith.constant 0.000000e+00 : f32
      %max3A_364 = vector.broadcast %max3A_363 : f32 to vector<16xf32>
      %max3A_365 = arith.maximumf %while3A_319#3, %max3A_364 : vector<16xf32>
      %max3A_366 = arith.constant 0.000000e+00 : f32
      %max3A_367 = vector.broadcast %max3A_366 : f32 to vector<16xf32>
      %max3A_368 = arith.maximumf %while3A_319#4, %max3A_367 : vector<16xf32>
      %min3A = arith.minimumf %max3A_359, %max3A_365 : vector<16xf32>
      %min3A_369 = arith.minimumf %max3A_362, %max3A_368 : vector<16xf32>
      %mul3A_370 = arith.mulf %min3A, %min3A_369 : vector<16xf32>
      %max3A_371 = arith.maximumf %max3A_359, %max3A_365 : vector<16xf32>
      %max3A_372 = arith.maximumf %max3A_362, %max3A_368 : vector<16xf32>
      %mul3A_373 = arith.mulf %max3A_371, %max3A_372 : vector<16xf32>
      %add3A_374 = arith.constant 1.000000e-10 : f32
      %add3A_375 = vector.broadcast %add3A_374 : f32 to vector<16xf32>
      %add3A_376 = arith.addf %mul3A_373, %add3A_375 : vector<16xf32>
      %div3A_377 = arith.divf %mul3A_370, %add3A_376 : vector<16xf32>
      %jit3A_378 = arith.constant 1.000000e+00 : f32
      %broadcast_in_dim3A_379 = vector.broadcast %jit3A_378 : f32 to vector<16xf32>
      %select_n3A_380 = arith.select %lt3A, %div3A_377, %broadcast_in_dim3A_379 : vector<16xi1>, vector<16xf32>
      %bitcast_convert_type3A = tpu.bitcast %select_n3A_380 : vector<16xf32> -> vector<16xi32>
      %shift_right_arithmetic3A = arith.constant 1 : i32
      %shift_right_arithmetic3A_381 = vector.broadcast %shift_right_arithmetic3A : i32 to vector<16xi32>
      %shift_right_arithmetic3A_382 = arith.shrsi %bitcast_convert_type3A, %shift_right_arithmetic3A_381 : vector<16xi32>
      %sub3A_383 = arith.constant 1597463007 : i32
      %sub3A_384 = vector.broadcast %sub3A_383 : i32 to vector<16xi32>
      %sub3A_385 = arith.subi %sub3A_384, %shift_right_arithmetic3A_382 : vector<16xi32>
      %bitcast_convert_type3A_386 = tpu.bitcast %sub3A_385 : vector<16xi32> -> vector<16xf32>
      %mul3A_387 = arith.constant 5.000000e-01 : f32
      %mul3A_388 = vector.broadcast %mul3A_387 : f32 to vector<16xf32>
      %mul3A_389 = arith.mulf %mul3A_388, %select_n3A_380 : vector<16xf32>
      %mul3A_390 = arith.mulf %mul3A_389, %bitcast_convert_type3A_386 : vector<16xf32>
      %mul3A_391 = arith.mulf %mul3A_390, %bitcast_convert_type3A_386 : vector<16xf32>
      %sub3A_392 = arith.constant 1.500000e+00 : f32
      %sub3A_393 = vector.broadcast %sub3A_392 : f32 to vector<16xf32>
      %sub3A_394 = arith.subf %sub3A_393, %mul3A_391 : vector<16xf32>
      %mul3A_395 = arith.mulf %bitcast_convert_type3A_386, %sub3A_394 : vector<16xf32>
      %mul3A_396 = arith.constant 5.000000e-01 : f32
      %mul3A_397 = vector.broadcast %mul3A_396 : f32 to vector<16xf32>
      %mul3A_398 = arith.mulf %mul3A_397, %select_n3A_380 : vector<16xf32>
      %mul3A_399 = arith.mulf %mul3A_398, %mul3A_395 : vector<16xf32>
      %mul3A_400 = arith.mulf %mul3A_399, %mul3A_395 : vector<16xf32>
      %sub3A_401 = arith.constant 1.500000e+00 : f32
      %sub3A_402 = vector.broadcast %sub3A_401 : f32 to vector<16xf32>
      %sub3A_403 = arith.subf %sub3A_402, %mul3A_400 : vector<16xf32>
      %mul3A_404 = arith.mulf %mul3A_395, %sub3A_403 : vector<16xf32>
      %mul3A_405 = arith.constant 5.000000e-01 : f32
      %mul3A_406 = vector.broadcast %mul3A_405 : f32 to vector<16xf32>
      %mul3A_407 = arith.mulf %mul3A_406, %select_n3A_380 : vector<16xf32>
      %mul3A_408 = arith.mulf %mul3A_407, %mul3A_404 : vector<16xf32>
      %mul3A_409 = arith.mulf %mul3A_408, %mul3A_404 : vector<16xf32>
      %sub3A_410 = arith.constant 1.500000e+00 : f32
      %sub3A_411 = vector.broadcast %sub3A_410 : f32 to vector<16xf32>
      %sub3A_412 = arith.subf %sub3A_411, %mul3A_409 : vector<16xf32>
      %mul3A_413 = arith.mulf %mul3A_404, %sub3A_412 : vector<16xf32>
      %mul3A_414 = arith.mulf %select_n3A_380, %mul3A_413 : vector<16xf32>
      %jit3A_415 = arith.constant -1.000000e+00 : f32
      %broadcast_in_dim3A_416 = vector.broadcast %jit3A_415 : f32 to vector<16xf32>
      %select_n3A_417 = arith.select %lt3A, %mul3A_414, %broadcast_in_dim3A_416 : vector<16xi1>, vector<16xf32>
      %swap3A_418 = arith.index_cast %add3A_322 : i32 to index
      %swap3A_419 = tpu.vector_load %arg31[%swap3A_418] {strides = array<i32>} : memref<2752xf32, #tpu.memory_space<vmem>>, vector<16xf32>,
      %swap3A_420 = vector.shape_cast %swap3A_419 : vector<16xf32> to vector<16xf32>
      %swap3A_421 = vector.shape_cast %select_n3A_417 : vector<16xf32> to vector<16xf32>
      tpu.vector_store %arg31[%swap3A_418], %swap3A_421 {strides = array<i32>} : memref<2752xf32, #tpu.memory_space<vmem>>, vector<16xf32>,
      %mul3A_422 = arith.constant 22016 : i32
      %mul3A_423 = arith.muli %select_n3A, %mul3A_422 : i32
      %mul3A_424 = arith.constant 32 : i32
      %mul3A_425 = arith.muli %sub3A_254, %mul3A_424 : i32
      %add3A_426 = arith.addi %mul3A_425, %add3A : i32
      %mul3A_427 = arith.constant 16 : i32
      %mul3A_428 = arith.muli %add3A_426, %mul3A_427 : i32
      %add3A_429 = arith.addi %mul3A_423, %mul3A_428 : i32
      %dma_start3A_430 = tpu.memref_slice %arg30[%add3A_322] : memref<2752xi32, #tpu.memory_space<vmem>> -> memref<16xi32, #tpu.memory_space<vmem>>
      %dma_start3A_431 = tpu.memref_slice %arg9[%add3A_429] : memref<88064xi32, #tpu.memory_space<hbm>> -> memref<16xi32, #tpu.memory_space<hbm>>
      %dma_start3A_432 = tpu.memref_slice %arg9[%add3A_429] : memref<88064xi32, #tpu.memory_space<hbm>> -> memref<16xi32, #tpu.memory_space<hbm>>
      %dma_start3A_433 = tpu.memref_slice %arg30[%add3A_322] : memref<2752xi32, #tpu.memory_space<vmem>> -> memref<16xi32, #tpu.memory_space<vmem>>
      tpu.enqueue_dma source(%dma_start3A_433 : memref<16xi32, #tpu.memory_space<vmem>>) target(%dma_start3A_432 : memref<16xi32, #tpu.memory_space<hbm>>) target_semaphore(%arg39 : memref<!tpu.dma_semaphore, #tpu.memory_space<semaphore_mem>>)
      %dma_start3A_434 = tpu.memref_slice %arg31[%add3A_322] : memref<2752xf32, #tpu.memory_space<vmem>> -> memref<16xf32, #tpu.memory_space<vmem>>
      %dma_start3A_435 = tpu.memref_slice %arg10[%add3A_429] : memref<88064xf32, #tpu.memory_space<hbm>> -> memref<16xf32, #tpu.memory_space<hbm>>
      %dma_start3A_436 = tpu.memref_slice %arg10[%add3A_429] : memref<88064xf32, #tpu.memory_space<hbm>> -> memref<16xf32, #tpu.memory_space<hbm>>
      %dma_start3A_437 = tpu.memref_slice %arg31[%add3A_322] : memref<2752xf32, #tpu.memory_space<vmem>> -> memref<16xf32, #tpu.memory_space<vmem>>
      tpu.enqueue_dma source(%dma_start3A_437 : memref<16xf32, #tpu.memory_space<vmem>>) target(%dma_start3A_436 : memref<16xf32, #tpu.memory_space<hbm>>) target_semaphore(%arg39 : memref<!tpu.dma_semaphore, #tpu.memory_space<semaphore_mem>>)
      %dma_start3A_438 = tpu.memref_slice %arg32[%add3A_322] : memref<2752xf32, #tpu.memory_space<vmem>> -> memref<16xf32, #tpu.memory_space<vmem>>
      %dma_start3A_439 = tpu.memref_slice %arg11[%add3A_429] : memref<88064xf32, #tpu.memory_space<hbm>> -> memref<16xf32, #tpu.memory_space<hbm>>
      %dma_start3A_440 = tpu.memref_slice %arg11[%add3A_429] : memref<88064xf32, #tpu.memory_space<hbm>> -> memref<16xf32, #tpu.memory_space<hbm>>
      %dma_start3A_441 = tpu.memref_slice %arg32[%add3A_322] : memref<2752xf32, #tpu.memory_space<vmem>> -> memref<16xf32, #tpu.memory_space<vmem>>
      tpu.enqueue_dma source(%dma_start3A_441 : memref<16xf32, #tpu.memory_space<vmem>>) target(%dma_start3A_440 : memref<16xf32, #tpu.memory_space<hbm>>) target_semaphore(%arg39 : memref<!tpu.dma_semaphore, #tpu.memory_space<semaphore_mem>>)
      %dma_start3A_442 = tpu.memref_slice %arg33[%add3A_322] : memref<2752xf32, #tpu.memory_space<vmem>> -> memref<16xf32, #tpu.memory_space<vmem>>
      %dma_start3A_443 = tpu.memref_slice %arg12[%add3A_429] : memref<88064xf32, #tpu.memory_space<hbm>> -> memref<16xf32, #tpu.memory_space<hbm>>
      %dma_start3A_444 = tpu.memref_slice %arg12[%add3A_429] : memref<88064xf32, #tpu.memory_space<hbm>> -> memref<16xf32, #tpu.memory_space<hbm>>
      %dma_start3A_445 = tpu.memref_slice %arg33[%add3A_322] : memref<2752xf32, #tpu.memory_space<vmem>> -> memref<16xf32, #tpu.memory_space<vmem>>
      tpu.enqueue_dma source(%dma_start3A_445 : memref<16xf32, #tpu.memory_space<vmem>>) target(%dma_start3A_444 : memref<16xf32, #tpu.memory_space<hbm>>) target_semaphore(%arg39 : memref<!tpu.dma_semaphore, #tpu.memory_space<semaphore_mem>>)
      %dma_start3A_446 = tpu.memref_slice %arg34[%add3A_322] : memref<2752xf32, #tpu.memory_space<vmem>> -> memref<16xf32, #tpu.memory_space<vmem>>
      %dma_start3A_447 = tpu.memref_slice %arg13[%add3A_429] : memref<88064xf32, #tpu.memory_space<hbm>> -> memref<16xf32, #tpu.memory_space<hbm>>
      %dma_start3A_448 = tpu.memref_slice %arg13[%add3A_429] : memref<88064xf32, #tpu.memory_space<hbm>> -> memref<16xf32, #tpu.memory_space<hbm>>
      %dma_start3A_449 = tpu.memref_slice %arg34[%add3A_322] : memref<2752xf32, #tpu.memory_space<vmem>> -> memref<16xf32, #tpu.memory_space<vmem>>
      tpu.enqueue_dma source(%dma_start3A_449 : memref<16xf32, #tpu.memory_space<vmem>>) target(%dma_start3A_448 : memref<16xf32, #tpu.memory_space<hbm>>) target_semaphore(%arg39 : memref<!tpu.dma_semaphore, #tpu.memory_space<semaphore_mem>>)
      %dma_start3A_450 = tpu.memref_slice %arg35[%add3A_322] : memref<2752xf32, #tpu.memory_space<vmem>> -> memref<16xf32, #tpu.memory_space<vmem>>
      %dma_start3A_451 = tpu.memref_slice %arg14[%add3A_429] : memref<88064xf32, #tpu.memory_space<hbm>> -> memref<16xf32, #tpu.memory_space<hbm>>
      %dma_start3A_452 = tpu.memref_slice %arg14[%add3A_429] : memref<88064xf32, #tpu.memory_space<hbm>> -> memref<16xf32, #tpu.memory_space<hbm>>
      %dma_start3A_453 = tpu.memref_slice %arg35[%add3A_322] : memref<2752xf32, #tpu.memory_space<vmem>> -> memref<16xf32, #tpu.memory_space<vmem>>
      tpu.enqueue_dma source(%dma_start3A_453 : memref<16xf32, #tpu.memory_space<vmem>>) target(%dma_start3A_452 : memref<16xf32, #tpu.memory_space<hbm>>) target_semaphore(%arg39 : memref<!tpu.dma_semaphore, #tpu.memory_space<semaphore_mem>>)
    }
    %scan3A_227 = arith.constant 172 : i32
    %scan3A_228 = arith.constant 0 : i32
    %scan3A_229 = arith.constant 0 : i32
    %scan3A_230 = arith.constant 172 : i32
    %scan3A_231 = arith.addi %scan3A_229, %scan3A_230 : i32
    %scan3A_232 = arith.constant 1 : i32
    scf.for %scan3A_234 = %scan3A_229 to %scan3A_231 step %scan3A_232  : i32 {
      %jit3A = arith.constant 43 : i32
      %div3A = arith.divsi %scan3A_234, %jit3A : i32
      %sign3A = arith.constant 0 : i32
      %sign3A_235 = arith.cmpi sgt, %scan3A_234, %sign3A : i32
      %sign3A_236 = arith.extui %sign3A_235 : i1 to i32
      %sign3A_237 = arith.constant 0 : i32
      %sign3A_238 = arith.cmpi slt, %scan3A_234, %sign3A_237 : i32
      %sign3A_239 = arith.extui %sign3A_238 : i1 to i32
      %sign3A_240 = arith.subi %sign3A_236, %sign3A_239 : i32
      %sign3A_241 = arith.constant 0 : i32
      %sign3A_242 = arith.cmpi sgt, %jit3A, %sign3A_241 : i32
      %sign3A_243 = arith.extui %sign3A_242 : i1 to i32
      %sign3A_244 = arith.constant 0 : i32
      %sign3A_245 = arith.cmpi slt, %jit3A, %sign3A_244 : i32
      %sign3A_246 = arith.extui %sign3A_245 : i1 to i32
      %sign3A_247 = arith.subi %sign3A_243, %sign3A_246 : i32
      %ne3A = arith.cmpi ne, %sign3A_240, %sign3A_247 : i32
      %rem3A = arith.remsi %scan3A_234, %jit3A : i32
      %ne3A_248 = arith.constant 0 : i32
      %ne3A_249 = arith.cmpi ne, %rem3A, %ne3A_248 : i32
      %and3A_250 = arith.andi %ne3A, %ne3A_249 : i1
      %sub3A = arith.constant 1 : i32
      %sub3A_251 = arith.subi %div3A, %sub3A : i32
      %select_n3A = arith.select %and3A_250, %sub3A_251, %div3A : i32
      %mul3A_252 = arith.constant 43 : i32
      %mul3A_253 = arith.muli %select_n3A, %mul3A_252 : i32
      %sub3A_254 = arith.subi %scan3A_234, %mul3A_253 : i32
      %mul3A_255 = arith.constant 688 : i32
      %mul3A_256 = arith.muli %select_n3A, %mul3A_255 : i32
      %mul3A_257 = arith.constant 16 : i32
      %mul3A_258 = arith.muli %sub3A_254, %mul3A_257 : i32
      %add3A_259 = arith.addi %mul3A_256, %mul3A_258 : i32
      %mul3A_260 = arith.constant 22016 : i32
      %mul3A_261 = arith.muli %select_n3A, %mul3A_260 : i32
      %mul3A_262 = arith.constant 32 : i32
      %mul3A_263 = arith.muli %sub3A_254, %mul3A_262 : i32
      %add3A_264 = arith.addi %mul3A_263, %add3A : i32
      %mul3A_265 = arith.constant 16 : i32
      %mul3A_266 = arith.muli %add3A_264, %mul3A_265 : i32
      %add3A_267 = arith.addi %mul3A_261, %mul3A_266 : i32
      %dma_wait3A_268 = tpu.memref_slice %arg30[%add3A_259] : memref<2752xi32, #tpu.memory_space<vmem>> -> memref<16xi32, #tpu.memory_space<vmem>>
      %dma_wait3A_269 = tpu.memref_slice %arg9[%add3A_267] : memref<88064xi32, #tpu.memory_space<hbm>> -> memref<16xi32, #tpu.memory_space<hbm>>
      %dma_wait3A_270 = tpu.memref_slice %arg9[%add3A_267] : memref<88064xi32, #tpu.memory_space<hbm>> -> memref<16xi32, #tpu.memory_space<hbm>>
      %dma_wait3A_271 = tpu.memref_slice %arg30[%add3A_259] : memref<2752xi32, #tpu.memory_space<vmem>> -> memref<16xi32, #tpu.memory_space<vmem>>
      tpu.wait_dma2 semaphore(%arg39 : memref<!tpu.dma_semaphore, #tpu.memory_space<semaphore_mem>>) src(%dma_wait3A_271 : memref<16xi32, #tpu.memory_space<vmem>>) dst(%dma_wait3A_270 : memref<16xi32, #tpu.memory_space<hbm>>)
      %dma_wait3A_272 = tpu.memref_slice %arg31[%add3A_259] : memref<2752xf32, #tpu.memory_space<vmem>> -> memref<16xf32, #tpu.memory_space<vmem>>
      %dma_wait3A_273 = tpu.memref_slice %arg10[%add3A_267] : memref<88064xf32, #tpu.memory_space<hbm>> -> memref<16xf32, #tpu.memory_space<hbm>>
      %dma_wait3A_274 = tpu.memref_slice %arg10[%add3A_267] : memref<88064xf32, #tpu.memory_space<hbm>> -> memref<16xf32, #tpu.memory_space<hbm>>
      %dma_wait3A_275 = tpu.memref_slice %arg31[%add3A_259] : memref<2752xf32, #tpu.memory_space<vmem>> -> memref<16xf32, #tpu.memory_space<vmem>>
      tpu.wait_dma2 semaphore(%arg39 : memref<!tpu.dma_semaphore, #tpu.memory_space<semaphore_mem>>) src(%dma_wait3A_275 : memref<16xf32, #tpu.memory_space<vmem>>) dst(%dma_wait3A_274 : memref<16xf32, #tpu.memory_space<hbm>>)
      %dma_wait3A_276 = tpu.memref_slice %arg32[%add3A_259] : memref<2752xf32, #tpu.memory_space<vmem>> -> memref<16xf32, #tpu.memory_space<vmem>>
      %dma_wait3A_277 = tpu.memref_slice %arg11[%add3A_267] : memref<88064xf32, #tpu.memory_space<hbm>> -> memref<16xf32, #tpu.memory_space<hbm>>
      %dma_wait3A_278 = tpu.memref_slice %arg11[%add3A_267] : memref<88064xf32, #tpu.memory_space<hbm>> -> memref<16xf32, #tpu.memory_space<hbm>>
      %dma_wait3A_279 = tpu.memref_slice %arg32[%add3A_259] : memref<2752xf32, #tpu.memory_space<vmem>> -> memref<16xf32, #tpu.memory_space<vmem>>
      tpu.wait_dma2 semaphore(%arg39 : memref<!tpu.dma_semaphore, #tpu.memory_space<semaphore_mem>>) src(%dma_wait3A_279 : memref<16xf32, #tpu.memory_space<vmem>>) dst(%dma_wait3A_278 : memref<16xf32, #tpu.memory_space<hbm>>)
      %dma_wait3A_280 = tpu.memref_slice %arg33[%add3A_259] : memref<2752xf32, #tpu.memory_space<vmem>> -> memref<16xf32, #tpu.memory_space<vmem>>
      %dma_wait3A_281 = tpu.memref_slice %arg12[%add3A_267] : memref<88064xf32, #tpu.memory_space<hbm>> -> memref<16xf32, #tpu.memory_space<hbm>>
      %dma_wait3A_282 = tpu.memref_slice %arg12[%add3A_267] : memref<88064xf32, #tpu.memory_space<hbm>> -> memref<16xf32, #tpu.memory_space<hbm>>
      %dma_wait3A_283 = tpu.memref_slice %arg33[%add3A_259] : memref<2752xf32, #tpu.memory_space<vmem>> -> memref<16xf32, #tpu.memory_space<vmem>>
      tpu.wait_dma2 semaphore(%arg39 : memref<!tpu.dma_semaphore, #tpu.memory_space<semaphore_mem>>) src(%dma_wait3A_283 : memref<16xf32, #tpu.memory_space<vmem>>) dst(%dma_wait3A_282 : memref<16xf32, #tpu.memory_space<hbm>>)
      %dma_wait3A_284 = tpu.memref_slice %arg34[%add3A_259] : memref<2752xf32, #tpu.memory_space<vmem>> -> memref<16xf32, #tpu.memory_space<vmem>>
      %dma_wait3A_285 = tpu.memref_slice %arg13[%add3A_267] : memref<88064xf32, #tpu.memory_space<hbm>> -> memref<16xf32, #tpu.memory_space<hbm>>
      %dma_wait3A_286 = tpu.memref_slice %arg13[%add3A_267] : memref<88064xf32, #tpu.memory_space<hbm>> -> memref<16xf32, #tpu.memory_space<hbm>>
      %dma_wait3A_287 = tpu.memref_slice %arg34[%add3A_259] : memref<2752xf32, #tpu.memory_space<vmem>> -> memref<16xf32, #tpu.memory_space<vmem>>
      tpu.wait_dma2 semaphore(%arg39 : memref<!tpu.dma_semaphore, #tpu.memory_space<semaphore_mem>>) src(%dma_wait3A_287 : memref<16xf32, #tpu.memory_space<vmem>>) dst(%dma_wait3A_286 : memref<16xf32, #tpu.memory_space<hbm>>)
      %dma_wait3A_288 = tpu.memref_slice %arg35[%add3A_259] : memref<2752xf32, #tpu.memory_space<vmem>> -> memref<16xf32, #tpu.memory_space<vmem>>
      %dma_wait3A_289 = tpu.memref_slice %arg14[%add3A_267] : memref<88064xf32, #tpu.memory_space<hbm>> -> memref<16xf32, #tpu.memory_space<hbm>>
      %dma_wait3A_290 = tpu.memref_slice %arg14[%add3A_267] : memref<88064xf32, #tpu.memory_space<hbm>> -> memref<16xf32, #tpu.memory_space<hbm>>
      %dma_wait3A_291 = tpu.memref_slice %arg35[%add3A_259] : memref<2752xf32, #tpu.memory_space<vmem>> -> memref<16xf32, #tpu.memory_space<vmem>>
      tpu.wait_dma2 semaphore(%arg39 : memref<!tpu.dma_semaphore, #tpu.memory_space<semaphore_mem>>) src(%dma_wait3A_291 : memref<16xf32, #tpu.memory_space<vmem>>) dst(%dma_wait3A_290 : memref<16xf32, #tpu.memory_space<hbm>>)
    }
    %scan3A_233 = arith.constant 172 : i32
    return
  }
}

</mosaic_0001>

<sc_bundles>
// kernel: kernel.3.cloned.1.call-start
scs
__scs_entry_jumppad:
0x0: {  	(pc) =	sbr.rel $0x88, $3  }
0x1: {  	(tag) =	ssettag $0x0;
	lr =	simm.s32 $0x1  }
0x2: {  	[smem:$0x3F9F] =	sst lr;
	_ =	strace $0xD0000000  }
0x3: {  	_ = 	snop  }
0x4: {  	_ = 	snop  }
0x5: {  	_ = 	snop  }
0x6: {  	_ = 	snop  }
0x7: {  	_ = 	snop  }
__scs_overlays_trampoline_lowered:
0x8: {  	[smem:$0x3FAE] =	sst s0  }
0x9: {  	[smem:$0x3FAF] =	sst s1  }
0xa: {  	[smem:$0x3FB0] =	sst s2  }
0xb: {  	[smem:$0x3FB1] =	sst s3  }
0xc: {  	[smem:$0x3FB2] =	sst s4  }
0xd: {  	[smem:$0x3FB3] =	sst s5  }
0xe: {  	[smem:$0x3FB4] =	sst s6  }
0xf: {  	[smem:$0x3FB5] =	sst s7  }
0x10: {  	[smem:$0x3FB6] =	sst s8  }
0x11: {  	[smem:$0x3FB7] =	sst s9;
	s0 =	simm.s32 @!p0 $0x0  }
0x12: {  	s1 =	sld [smem:$0x3F9D];
	s0 =	simm.s32 @p0 $0x1  }
0x13: {  	[smem:$0x3FB8] =	sst s0;
	s0 =	simm.s32 @!p1 $0x0  }
0x14: {  	s2 =	sld [smem:$0x3F9C];
	s0 =	simm.s32 @p1 $0x1  }
0x15: {  	[smem:$0x3FB9] =	sst s0;
	s0 =	simm.s32 @!p2 $0x0  }
0x16: {  	s3 =	sld [smem:$0x3FDB];
	s0 =	simm.s32 @p2 $0x1  }
0x17: {  	s4 =	simm.s32 $0x1BF5;
	[smem:$0x3FBB] =	sst s0  }
0x18: {  	s0 =	sld [smem:$0x3F9E];
	_ =	swait.ge [sflag:s4], $0x0  }
0x19: {  	s7 =	sld [smem:$0x3F9F]  }
0x1a: {  	s8 =	sadd.s32 $0xFFFFE003, lr  }
0x1b: {  	s9 =	sadd.s32 $0xFFFFFEF7, lr;
	s5 =	simm.s32 $0xFFFFFFFF;
	p2 =	slt.u32 s8, $0xFFFFF086  }
0x1c: {  	p1 =	slt.u32 s9, $0xF7A;
	s5 =	simm.s32 @!p2 $0x0  }
0x1d: {  	s5 =	simm.s32 @p1 $0x1;
	p0 =	seq.s32 s7, s2  }
0x1e: {  	s7 =	smul.u32 @!p0 $0xF7A, s2;
	p2 =	seq.s32 @!p0 s5, $0x0  }
0x1f: {  	s9 =	smul.u32 $0xF7A, s1;
	s8 =	simm.s32 @!p0 $0x1BF5;
	p2 =	por !p2, p0  }
0x20: {  	[sflag:s8] =	ssyncset.s32 @!p0 $0xFFFFF086;
	s6 =	sadd.s32 @!p0 s3, s7;
	s7 =	simm.s32 @!p0 $0x108  }
0x21: {  	s3 =	sadd.s32 s3, s9;
	s6 =	sadd.s32 @!p0 $0x88, s6;
	s7 =	simm.s32 @p2 $0x1082  }
0x22: {  	[simem:s7], [sflag:s8] =	dma.local @!p0 [hbm:s6], $0xF7A  }
0x23: {  	s9 =	sor.u32 $0xD0000000, s2;
	s6 =	simm.s32 $0x108;
	_ =	swait.ge @!p0 [sflag:s8], $0x0  }
0x24: {  	s3 =	sadd.s32 $0x88, s3;
	s6 =	simm.s32 @!p1 $0x1082;
	[sflag:s4] =	ssyncset.s32 $0xFFFFF086  }
0x25: {  	[simem:s6], [sflag:s4] =	dma.local [hbm:s3], $0xF7A  }
0x26: {  	[smem:$0x3F9F] =	sst s1;
	(tag) =	ssettag s2;
	_ =	strace s9  }
0x27: {  	s1 =	sld [smem:$0x3FAF]  }
0x28: {  	s2 =	sld [smem:$0x3FB0]  }
0x29: {  	s4 =	sld [smem:$0x3FB2]  }
0x2a: {  	p0 =	seq.s32 s5, $0x0;
	s5 =	sld [smem:$0x3FB3]  }
0x2b: {  	s6 =	sld [smem:$0x3FB4]  }
0x2c: {  	s7 =	sld [smem:$0x3FB5]  }
0x2d: {  	s3 =	simm.s32 $0x108;
	s8 =	sld [smem:$0x3FB6]  }
0x2e: {  	s3 =	simm.s32 @!p0 $0x1082;
	s9 =	sld [smem:$0x3FB7]  }
0x2f: {  	lr =	sadd.s32 s0, s3;
	s0 =	sld [smem:$0x3FAE]  }
0x30: {  	s3 =	sld [smem:$0x3FB1]  }
0x31: {  	[smem:$0x3FBA] =	sst s10  }
0x32: {  	s10 =	sld [smem:$0x3FB8];
	_ =	sdelay $0x3  }
0x33: {  	p0 =	seq.s32 s10, $0x1;
	s10 =	sld [smem:$0x3FBA];
	_ =	sdelay $0x3  }
0x34: {  	[smem:$0x3FBA] =	sst s10  }
0x35: {  	s10 =	sld [smem:$0x3FB9];
	_ =	sdelay $0x3  }
0x36: {  	p1 =	seq.s32 s10, $0x1;
	s10 =	sld [smem:$0x3FBA];
	_ =	sdelay $0x3  }
0x37: {  	[smem:$0x3FBA] =	sst s10  }
0x38: {  	s10 =	sld [smem:$0x3FBB]  }
0x39: {  	_ = 	snop;
	(pc) =	sbr.ind lr, $3  }
0x3a: {  	_ = 	snop  }
0x3b: {  	_ = 	snop  }
0x3c: {  	p2 =	seq.s32 s10, $0x1;
	s10 =	sld [smem:$0x3FBA]  }
0x3d: {  	_ =	shalt  }
0x3e: {  	_ =	shalt  }
0x3f: {  	_ =	shalt  }
0x40: {  	_ =	shalt  }
0x41: {  	_ =	shalt  }
0x42: {  	_ =	shalt  }
0x43: {  	_ =	shalt  }
0x44: {  	_ =	shalt  }
0x45: {  	_ =	shalt  }
0x46: {  	_ =	shalt  }
0x47: {  	_ =	shalt  }
0x48: {  	_ =	shalt  }
0x49: {  	_ =	shalt  }
0x4a: {  	_ =	shalt  }
0x4b: {  	_ =	shalt  }
0x4c: {  	_ =	shalt  }
0x4d: {  	_ =	shalt  }
0x4e: {  	_ =	shalt  }
0x4f: {  	_ =	shalt  }
0x50: {  	_ =	shalt  }
0x51: {  	_ =	shalt  }
0x52: {  	_ =	shalt  }
0x53: {  	_ =	shalt  }
0x54: {  	_ =	shalt  }
0x55: {  	_ =	shalt  }
0x56: {  	_ =	shalt  }
0x57: {  	_ =	shalt  }
0x58: {  	_ =	shalt  }
0x59: {  	_ =	shalt  }
0x5a: {  	_ =	shalt  }
0x5b: {  	_ =	shalt  }
0x5c: {  	_ =	shalt  }
0x5d: {  	_ =	shalt  }
0x5e: {  	_ =	shalt  }
0x5f: {  	_ =	shalt  }
0x60: {  	_ =	shalt  }
0x61: {  	_ =	shalt  }
0x62: {  	_ =	shalt  }
0x63: {  	_ =	shalt  }
0x64: {  	_ =	shalt  }
0x65: {  	_ =	shalt  }
0x66: {  	_ =	shalt  }
0x67: {  	_ =	shalt  }
0x68: {  	_ =	shalt  }
0x69: {  	_ =	shalt  }
0x6a: {  	_ =	shalt  }
0x6b: {  	_ =	shalt  }
0x6c: {  	_ =	shalt  }
0x6d: {  	_ =	shalt  }
0x6e: {  	_ =	shalt  }
0x6f: {  	_ =	shalt  }
0x70: {  	_ =	shalt  }
0x71: {  	_ =	shalt  }
0x72: {  	_ =	shalt  }
0x73: {  	_ =	shalt  }
0x74: {  	_ =	shalt  }
0x75: {  	_ =	shalt  }
0x76: {  	_ =	shalt  }
0x77: {  	_ =	shalt  }
0x78: {  	_ =	shalt  }
0x79: {  	_ =	shalt  }
0x7a: {  	_ =	shalt  }
0x7b: {  	_ =	shalt  }
0x7c: {  	_ =	shalt  }
0x7d: {  	_ =	shalt  }
0x7e: {  	_ =	shalt  }
0x7f: {  	_ =	shalt  }
0x80: {  	_ =	shalt  }
0x81: {  	_ =	shalt  }
0x82: {  	_ =	shalt  }
0x83: {  	_ =	shalt  }
0x84: {  	_ =	shalt  }
0x85: {  	_ =	shalt  }
0x86: {  	_ =	shalt  }
0x87: {  	_ =	shalt  }
.Lfunc_end0:
.L_simem_size_0:
called_computation_lowered:
.L_overlay_start_0:
0x88: {  	s2 =	sld [smem:$0x3FD9]  }
0x89: {  	s3 =	sld [smem:$0x3FFE];
	_ =	sdelay $0x1  }
0x8a: {  	s1 =	srdreg.scid  }
0x8b: {  	s0 =	sand.u32 $0x1, s1  }
0x8c: {  	s14 =	sshll.u32 s0, $0xA;
	s2 =	sadd.s32 s3, s2  }
0x8d: {  	s2 =	sadd.s32 s2, s14  }
0x8e: {  	[smem:$0x3FC6] =	sst s2  }
0x8f: {  	_ = 	snop  }
0x90: {  	s2 =	sld [smem:$0x3FD0];
	_ =	sdelay $0x2  }
0x91: {  	s15 =	simm.s32 $0xA;
	s4 =	simm.s32 $0x10  }
0x92: {  	[smem:s4], [sflag:s15] =	dma.local [hbm:s2], $0x1  }
0x93: {  	_ =	swait.eq [sflag:s15], $0x1  }
0x94: {  	s16 =	sld [smem:$0x10]  }
0x95: {  	s17 =	sld [smem:$0x11];
	[sflag:s15] =	ssyncset.done $0x0  }
0x96: {  	s5 =	sld [smem:$0x12];
	[sflag:s15] =	ssyncadd.s32 $0xFFFFFFFF  }
0x97: {  	s18 =	sld [smem:$0x13];
	(tm) =	ssettm $0x1  }
0x98: {  	s6 =	sld [smem:$0x3FFB];
	_ =	sdelay $0x3  }
0x99: {  	_ =	strace s6  }
0x9a: {  	s6 =	sld [smem:$0x3FFC];
	_ =	sdelay $0x3  }
0x9b: {  	_ =	strace s6  }
0x9c: {  	s6 =	sld [smem:$0x3FFD];
	_ =	sdelay $0x3  }
0x9d: {  	_ =	strace s6  }
0x9e: {  	_ =	strace $0x8FFFFFFF  }
0x9f: {  	s19 =	sld [smem:$0x3FDB];
	_ =	sdelay $0x1  }
0xa0: {  	s7 =	simm.s32 $_scs_section_size  }
0xa1: {  	s8 =	simm.s32 $_size__tile_overlayer_lowered;
	s9 =	simm.s32 $_tile_overlayer_lowered  }
0xa2: {  	s22 =	simm.s32 $0x1BFF;
	s21 =	sshll.u32 s9, $0x1;
	s6 =	sadd.s32 s7, s19  }
0xa3: {  	s10 =	simm.s32 $0x0;
	s20 =	sshll.u32 s8, $0x1;
	s8 =	sadd.s32 s21, s6  }
0xa4: {  	[timem:s10], [sflag:s22] =	dma.local [hbm:s8], s20  }
0xa5: {  	_ =	swait.ge [sflag:s22], s20  }
0xa6: {  	s7 =	ssub.s32 $0x0, s20;
	[sflag:s22] =	ssyncset.done $0x0  }
0xa7: {  	[sflag:s22] =	ssyncadd.s32 s7;
	_ =	sdelay $0x1  }
0xa8: {  	s23 =	simm.s32 $0x1B8B  }
0xa9: {  	_ =	swait.ge [sflag:s23], $0x1  }
0xaa: {  	[sflag:s23] =	ssyncset.done $0x0  }
0xab: {  	s25 =	simm.s32 $0x1B8E;
	s24 =	sld [smem:$0x3FFE];
	[sflag:s23] =	ssyncadd.s32 $0xFFFFFFFF  }
0xac: {  	s26 =	simm.s32 $execute0_lowered;
	[smem:$0x3FD2] =	sst s25  }
0xad: {  	s8 =	sshll.u32 s26, $0x1;
	_ =	strace $0x80000046;
	[dreg:$0x1] =	wrdreg $0xFFFFFFFF  }
0xae: {  	s28 =	simm.s32 $_size_execute0_lowered;
	s6 =	sadd.s32 s6, s8;
	[dreg:$0x0] =	wrdreg $0x0  }
0xaf: {  	s8 =	sshll.u32 s28, $0x1;
	[dreg:$0x2] =	wrdreg s6  }
0xb0: {  	[dreg:$0x3] =	wrdreg s8  }
0xb1: {  	[dreg:$0x4] =	wrdreg $0xC0  }
0xb2: {  	_ =	task [dreg:s10], $0x5FFFF  }
0xb3: {  	[dreg:$0x1] =	wrdreg $0xFFFFFFFF  }
0xb4: {  	[dreg:$0x0] =	wrdreg $0x60  }
0xb5: {  	[dreg:$0x2] =	wrdreg s24  }
0xb6: {  	[dreg:$0x3] =	wrdreg s18  }
0xb7: {  	[dreg:$0x4] =	wrdreg s17  }
0xb8: {  	[dreg:$0x5] =	wrdreg s16  }
0xb9: {  	[dreg:$0x6] =	wrdreg s5  }
0xba: {  	[dreg:$0x7] =	wrdreg $0x9  }
0xbb: {  	_ =	task.clear_ibuf [dreg:s10], $0x8FFFF;
	_ =	strace $0x90000046  }
0xbc: {  	s29 =	simm.s32 $0x9;
	_ =	strace $0x80000048  }
0xbd: {  	_ =	swait.ge [sflag:s29], $0x1  }
0xbe: {  	[sflag:s29] =	ssyncadd.s32 $0xFFFFFFFF  }
0xbf: {  	_ =	strace $0x90000048  }
0xc0: {  	_ =	sfence  }
0xc1: {  	s30 =	sld [smem:$0x0];
	_ =	sdelay $0x2  }
0xc2: {  	s31 =	sshll.u32 s1, $0xD;
	s1 =	sshrl.u32 s1, $0x2  }
0xc3: {  	s3 =	sand.u32 $0x4000, s31;
	s1 =	sadd.s32 s1, s30  }
0xc4: {  	s0 =	sor.u32 s3, s0;
	s1 =	sshll.u32 s1, $0x11  }
0xc5: {  	s0 =	sor.u32 s1, s0  }
0xc6: {  	s0 =	sadd.s32 $0x8F2B, s0  }
0xc7: {  	[sflag:s0] =	ssyncadd.remote.s32 $0x1  }
0xc8: {  	_ =	sfence.sel $0xFFFF  }
0xc9: {  	[dreg:$0x0] =	wrdreg $0xFFFFFFFF;
	(pc) =	sbr.abs _section_cstart, $3  }
0xca: {  	[dreg:$0x1] =	wrdreg $0xFFFFFFFF  }
0xcb: {  	_ =	task.clear_ibuf [dreg:s10], $0x2FFFF;
	_ =	strace $0x9FFFFFFF  }
0xcc: {  	(tm) =	ssettm $0x7FFFFFFF  }
0xcd: {  	_ =	shalt  }
tec
execute0_lowered:
.L_overlay_start_1:
0x0: {  	(tag) =	ssettag $0x1  }
0x1: {  	s1 =	rddreg [dreg:$0x0]  }
0x2: {  	s12 =	rddreg [dreg:$0x1]  }
0x3: {  	s13 =	rddreg [dreg:$0x2]  }
0x4: {  	s14 =	rddreg [dreg:$0x3];
	s3 =	srdreg.scid  }
0x5: {  	s0 =	stileid.u32;
	s2 =	rddreg [dreg:$0x4]  }
0x6: {  	s23 =	simm.s32 $0x1;
	s24 =	simm.s32 $0x2;
	s25 =	simm.s32 $0x0  }
0x7: {  	s10 =	sand.u32 $0x1, s3;
	s4 =	sshll.u32 s0, $0x1;
	s3 =	simm.s32 $0x0  }
0x8: {  	s5 =	sadd.s32 $0x1800, s1;
	s6 =	sadd.s32 $0x1A00, s1;
	s7 =	sadd.s32 $0x3400, s1  }
0x9: {  	s8 =	sadd.s32 $0xE400, s1;
	s9 =	sadd.s32 $0xB800, s1;
	s4 =	sor.u32 s10, s4  }
0xa: {  	s11 =	sadd.s32 $0x6000, s1;
	s17 =	ssub.s32 $0x2, s10;
	s15 =	smul.u32 $0x56, s4  }
0xb: {  	[smem:$0x7FF] =	sst s3;
	s10 =	sadd.s32 $0x8C00, s1;
	s31 =	sshrl.u32 s17, $0x1  }
0xc: {  	_ =	strace $0x80000047;
	s16 =	sadd.s32 s15, s1;
	s1 =	ssub.s32 s17, s31  }
0xd: {  	s12 =	sadd.s32 s12, s15;
	s13 =	sadd.s32 s13, s15;
	s14 =	sadd.s32 s14, s15  }
0xe: {  	vm0 =	vmxor vm0, vm0;
	s15 =	sadd.s32 $0x1C00, s16;
	s16 =	sadd.s32 $0x2800, s16;
	s17 =	smax.u32 s1, $0x1  }
.LBB2_1:
0xf: {  	[tilespmem:s3], [sflag:$0x1] =	stream.linear.gather [hbm4b:s5+s3], $0x320, $0x38;
	[tilespmem:$0xB980] =	vst v63  }
0x10: {  	s26 =	simm.s32 $0x380  }
0x11: {  	[tilespmem:s26], [sflag:$0x1] =	stream.linear.gather [hbm4b:s6+s3], $0xC8, $0x38;
	[tilespmem:$0xB980] =	vst v63  }
0x12: {  	s0 =	simm.s32 $0x6880  }
0x13: {  	[tilespmem:s0], [sflag:$0x1] =	stream.linear.gather [hbm4b:s12+s3], $0x2B0, $0x38;
	[tilespmem:$0xB980] =	vst v63  }
0x14: {  	s21 =	simm.s32 $0x6B80  }
0x15: {  	[tilespmem:s21], [sflag:$0x1] =	stream.linear.gather [hbm4b:s13+s3], $0x2B0, $0x38;
	[tilespmem:$0xB980] =	vst v63  }
0x16: {  	s22 =	simm.s32 $0x6E80  }
0x17: {  	[tilespmem:s22], [sflag:$0x1] =	stream.linear.gather [hbm4b:s14+s3], $0x2B0, $0x38;
	[tilespmem:$0xB980] =	vst v63  }
0x18: {  	s30 =	simm.s32 $0x7180  }
0x19: {  	[tilespmem:s30], [sflag:$0x1] =	stream.linear.gather [hbm4b:s15+s3], $0x2B0, $0x38;
	[tilespmem:$0xB980] =	vst v63  }
0x1a: {  	s31 =	simm.s32 $0x7480  }
0x1b: {  	[tilespmem:s31], [sflag:$0x1] =	stream.linear.gather [hbm4b:s16+s3], $0x2B0, $0x38;
	[tilespmem:$0xB980] =	vst v63  }
0x1c: {  	_ =	swait.ge [sflag:s23], $0x320  }
0x1d: {  	[sflag:s23] =	ssyncset.done $0x0  }
0x1e: {  	[sflag:s23] =	ssyncadd.s32 $0xFFFFFCE0  }
0x1f: {  	_ =	swait.ge [sflag:s23], $0xC8  }
0x20: {  	[sflag:s23] =	ssyncset.done $0x0  }
0x21: {  	[sflag:s23] =	ssyncadd.s32 $0xFFFFFF38  }
0x22: {  	_ =	swait.ge [sflag:s23], $0x2B0  }
0x23: {  	[sflag:s23] =	ssyncset.done $0x0  }
0x24: {  	[sflag:s23] =	ssyncadd.s32 $0xFFFFFD50  }
0x25: {  	_ =	swait.ge [sflag:s23], $0x2B0  }
0x26: {  	[sflag:s23] =	ssyncset.done $0x0  }
0x27: {  	[sflag:s23] =	ssyncadd.s32 $0xFFFFFD50  }
0x28: {  	_ =	swait.ge [sflag:s23], $0x2B0  }
0x29: {  	[sflag:s23] =	ssyncset.done $0x0  }
0x2a: {  	[sflag:s23] =	ssyncadd.s32 $0xFFFFFD50  }
0x2b: {  	_ =	swait.ge [sflag:s23], $0x2B0  }
0x2c: {  	[sflag:s23] =	ssyncset.done $0x0  }
0x2d: {  	[sflag:s23] =	ssyncadd.s32 $0xFFFFFD50  }
0x2e: {  	_ =	swait.ge [sflag:s23], $0x2B0  }
0x2f: {  	[sflag:s23] =	ssyncset.done $0x0  }
0x30: {  	[sflag:s23] =	ssyncadd.s32 $0xFFFFFD50  }
0x31: {  	v0 =	vld [tilespmem:s3+$0x0];
	_ =	sdelay $0x4  }
0x32: {  	(v2sf) =	vpush v0, $0x2  }
0x33: {  	(v2sf) =	vpush v0, $0x0  }
0x34: {  	(v2sf) =	vpush v0, $0x1  }
0x35: {  	(v2sf) =	vpush v0, $0x3;
	_ =	sdelay $0x7  }
0x36: {  	v2 =	vld.msk [tilespmem:s26+$0x0 ss:$0x0], $0xffff;
	_ =	sdelay $0x3  }
0x37: {  	s28 =	simm.s32 $0x0;
	v1 =	vbroadcast v0, $0x0;
	s1 =	spop (v2sf)  }
0x38: {  	v3 =	vbroadcast v0, $0x2;
	[tilespmem:s28+$0x4F80] =	vst v2;
	s18 =	spop (v2sf)  }
0x39: {  	v4 =	vbroadcast v0, $0x3;
	[tilespmem:s28+$0x480] =	vst v1;
	s19 =	sadd.f32 s1, s18;
	s21 =	spop (v2sf)  }
0x3a: {  	[tilespmem:s28+$0x1D80] =	vst v3;
	v0 =	vbroadcast v0, $0x1;
	s18 =	ssub.f32 s1, s18;
	s29 =	spop (v2sf)  }
0x3b: {  	[tilespmem:s28+$0x2A00] =	vst v4;
	s1 =	simm.s32 $0x40;
	s20 =	sadd.f32 s29, s21  }
0x3c: {  	[tilespmem:s28+$0x1100] =	vst v0;
	s19 =	smul.f32 $5.000000000e-01, s19;
	s21 =	ssub.f32 s29, s21;
	s29 =	simm.s32 $0x0  }
.LBB2_2:
0x3d: {  	p0 =	sne.s32 s1, $0x31C0  }
0x3e: {  	s26 =	sadd.s32 $0x1, s26;
	s29 =	sadd.s32 $0x4, s29;
	s30 =	smov.u32 s1  }
0x3f: {  	s1 =	sadd.s32 $0x40, s1;
	s20 =	smul.f32 $5.000000000e-01, s20;
	s18 =	smax.f32 s18, s21  }
0x40: {  	v0 =	vmov s19;
	s18 =	smul.f32 $5.000000000e-01, s18  }
0x41: {  	[tilespmem:s28+$0x3680] =	vst v0;
	v0 =	vmov s20  }
0x42: {  	[tilespmem:s28+$0x4300] =	vst v0;
	v0 =	vmov s18  }
0x43: {  	[tilespmem:s28+$0x5C00] =	vst v0  }
0x44: {  	v0 =	vld [tilespmem:s29+$0x0];
	_ =	sdelay $0x4  }
0x45: {  	v1 =	vbroadcast v0, $0x0;
	v2 =	vbroadcast v0, $0x1;
	(v2sf) =	vpush v0, $0x2  }
0x46: {  	s28 =	sshra.s32 s30, $0x2;
	v4 =	vbroadcast v0, $0x2;
	v5 =	vbroadcast v0, $0x3;
	v3 =	vld.msk [tilespmem:s26+$0x0 ss:$0x0], $0xffff;
	(v2sf) =	vpush v0, $0x0  }
0x47: {  	[tilespmem:s28+$0x480] =	vst v1;
	(v2sf) =	vpush v0, $0x1  }
0x48: {  	[tilespmem:s28+$0x1D80] =	vst v4;
	(v2sf) =	vpush v0, $0x3  }
0x49: {  	[tilespmem:s28+$0x2A00] =	vst v5  }
0x4a: {  	[tilespmem:s28+$0x1100] =	vst v2;
	_ =	sdelay $0x1  }
0x4b: {  	[tilespmem:s28+$0x4F80] =	vst v3;
	_ =	sdelay $0x7  }
0x4c: {  	s18 =	spop (v2sf)  }
.Ltmp0:
0x4d: {  	s19 =	spop (v2sf);
	(pc) =	sbr.rel @p0 .LBB2_2-.Ltmp0, $4  }
0x4e: {  	s20 =	sadd.f32 s18, s19;
	s21 =	spop (v2sf)  }
0x4f: {  	s18 =	ssub.f32 s18, s19;
	s30 =	spop (v2sf)  }
0x50: {  	s19 =	smul.f32 $5.000000000e-01, s20;
	s20 =	sadd.f32 s30, s21  }
0x51: {  	s21 =	ssub.f32 s30, s21  }
0x52: {  	_ = 	snop  }
0x53: {  	s1 =	smul.f32 $5.000000000e-01, s20;
	s18 =	smax.f32 s18, s21  }
0x54: {  	v0 =	vmov s19;
	s18 =	smul.f32 $5.000000000e-01, s18  }
0x55: {  	[tilespmem:s28+$0x3680] =	vst v0;
	v60 =	vmov s1  }
0x56: {  	[tilespmem:s28+$0x4300] =	vst v60;
	v61 =	vmov s18  }
0x57: {  	s22 =	simm.s32 $0x5C00;
	[tilespmem:s28+$0x5C00] =	vst v61  }
0x58: {  	s0 =	simm.s32 $0x5C10;
	v0 =	vld [tilespmem:s22+$0x0]  }
0x59: {  	s26 =	simm.s32 $0x0;
	v62 =	vld [tilespmem:s0+$0x0]  }
0x5a: {  	[smem:$0x500] =	sst s26  }
0x5b: {  	[smem:$0x501] =	sst s26  }
0x5c: {  	[smem:$0x502] =	sst s26  }
0x5d: {  	[smem:$0x503] =	sst s26;
	(v2sf) =	vpush v0, $0x0  }
0x5e: {  	[smem:$0x504] =	sst s26;
	(v2sf) =	vpush v62, $0x0  }
0x5f: {  	[smem:$0x505] =	sst s26  }
0x60: {  	[smem:$0x506] =	sst s26  }
0x61: {  	[smem:$0x507] =	sst s26  }
0x62: {  	[smem:$0x508] =	sst s26  }
0x63: {  	[smem:$0x509] =	sst s26  }
0x64: {  	[smem:$0x50A] =	sst s26  }
0x65: {  	[smem:$0x50B] =	sst s26  }
0x66: {  	s18 =	simm.s32 $0x5C20;
	[smem:$0x50C] =	sst s26  }
0x67: {  	s20 =	simm.s32 $0x5C30;
	v63 =	vld [tilespmem:s18+$0x0];
	[smem:$0x50D] =	sst s26  }
0x68: {  	v1 =	vld [tilespmem:s20+$0x0];
	[smem:$0x50E] =	sst s26  }
0x69: {  	[smem:$0x50F] =	sst s26  }
0x6a: {  	[smem:$0x510] =	sst s26  }
0x6b: {  	[smem:$0x511] =	sst s26  }
0x6c: {  	[smem:$0x512] =	sst s26;
	s19 =	spop (v2sf);
	(v2sf) =	vpush v63, $0x0  }
0x6d: {  	[smem:$0x513] =	sst s26;
	s20 =	spop (v2sf);
	(v2sf) =	vpush v1, $0x0  }
0x6e: {  	s21 =	sadd.f32 $-1.000000000e+00, s19  }
0x6f: {  	s22 =	sadd.f32 $1.300000000e+01, s19  }
0x70: {  	s29 =	simm.s32 $0x1;
	s31 =	simm.s32 $0x4;
	[smem:$0x514] =	sst s26  }
0x71: {  	s30 =	simm.s32 $0x0;
	p0 =	sle.f32 s21, $6.400000000e+01;
	p1 =	sgt.f32 s22, $-1.000000000e+00  }
0x72: {  	s1 =	simm.s32 $0x3;
	s28 =	simm.s32 $0x2;
	[smem:$0x515] =	sst s26  }
0x73: {  	s18 =	simm.s32 $0x0;
	[smem:$0x516] =	sst s26;
	p0 =	por !p0, !p1  }
0x74: {  	[smem:$0x517] =	sst s26;
	s19 =	simm.s32 $0x5C40;
	p0 =	por !p0, !p0  }
.LBB2_4:
0x75: {  	s21 =	sadd.f32 $-1.000000000e+00, s20;
	s22 =	simm.s32 $0x1  }
0x76: {  	v0 =	vld [tilespmem:s19+$0x0];
	s0 =	smov.u32 s31;
	s31 =	sadd.s32 $0x1, s31;
	s22 =	simm.s32 @!p0 $0x0  }
0x77: {  	s20 =	sadd.f32 $1.300000000e+01, s20;
	p1 =	sne.s32 s31, $0x32;
	s26 =	sadd.s32 s22, s26  }
.Ltmp1:
0x78: {  	[smem:s30] =	sst @p0 s18;
	(pc) =	sbr.rel @p1 .LBB2_4-.Ltmp1, $4  }
0x79: {  	p2 =	sgt.f32 s20, $-1.000000000e+00;
	p0 =	sle.f32 s21, $6.400000000e+01;
	s18 =	smov.u32 s29  }
0x7a: {  	s29 =	smov.u32 s28;
	s28 =	smov.u32 s1;
	s1 =	smov.u32 s0  }
0x7b: {  	s30 =	smov.u32 s26;
	p0 =	por !p0, !p2;
	(v2sf) =	vpush v0, $0x0  }
0x7c: {  	s19 =	sadd.s32 $0x10, s19;
	p0 =	por !p0, !p0;
	s20 =	spop (v2sf)  }
0x7d: {  	_ =	sdelay $0x2  }
0x7e: {  	s0 =	simm.s32 $0x5F20  }
0x7f: {  	v0 =	vld [tilespmem:s0+$0x0];
	_ =	sdelay $0x2  }
0x80: {  	s19 =	simm.s32 $0x5F30;
	s21 =	sadd.f32 $-1.000000000e+00, s20  }
0x81: {  	s22 =	spop (v2sf);
	v62 =	vld [tilespmem:s19+$0x0];
	s19 =	sadd.f32 $1.300000000e+01, s20  }
0x82: {  	s20 =	simm.s32 $0x1;
	p1 =	sle.f32 s21, $6.400000000e+01;
	s21 =	sadd.f32 $-1.000000000e+00, s22;
	(v2sf) =	vpush v0, $0x0  }
0x83: {  	s22 =	sadd.f32 $1.300000000e+01, s22;
	s20 =	simm.s32 @!p0 $0x0;
	p2 =	sgt.f32 s19, $-1.000000000e+00  }
0x84: {  	s20 =	sadd.s32 s20, s26  }
0x85: {  	p3 =	sle.f32 s21, $6.400000000e+01;
	p5 =	sgt.f32 s22, $-1.000000000e+00;
	p1 =	por !p1, !p2  }
0x86: {  	s21 =	simm.s32 $0x1;
	p1 =	por !p1, !p1;
	s19 =	spop (v2sf)  }
0x87: {  	p2 =	por !p3, !p5;
	s21 =	simm.s32 @!p1 $0x0;
	s0 =	sadd.f32 $1.300000000e+01, s19  }
0x88: {  	p2 =	por !p2, !p2;
	s22 =	sadd.f32 $-1.000000000e+00, s19;
	s19 =	simm.s32 $0x1  }
0x89: {  	(v2sf) =	vpush v62, $0x0;
	s19 =	simm.s32 @!p2 $0x0;
	p4 =	sgt.f32 s0, $-1.000000000e+00;
	s0 =	sadd.s32 s21, s20  }
0x8a: {  	[smem:s30] =	sst @p0 s18;
	s18 =	sadd.s32 s19, s0;
	s19 =	simm.s32 $0x5F40  }
0x8b: {  	s21 =	simm.s32 $0x5F50;
	v63 =	vld [tilespmem:s19+$0x0]  }
0x8c: {  	v1 =	vld [tilespmem:s21+$0x0];
	_ =	sdelay $0x3  }
0x8d: {  	[smem:s20] =	sst @p1 s29;
	p6 =	sle.f32 s22, $6.400000000e+01;
	(v2sf) =	vpush v63, $0x0  }
0x8e: {  	s31 =	simm.s32 $0x4;
	[smem:s0] =	sst @p2 s28;
	s20 =	spop (v2sf);
	(v2sf) =	vpush v1, $0x0  }
0x8f: {  	s30 =	simm.s32 $0x0;
	s29 =	simm.s32 $0x0;
	s22 =	sadd.f32 $-1.000000000e+00, s20  }
0x90: {  	s0 =	simm.s32 $0x1;
	p4 =	por !p6, !p4;
	s26 =	sadd.f32 $1.300000000e+01, s20  }
0x91: {  	s28 =	simm.s32 $0x1;
	s19 =	simm.s32 $0x5F60;
	p0 =	por !p4, !p4  }
0x92: {  	s0 =	simm.s32 @!p0 $0x0;
	p5 =	sle.f32 s22, $6.400000000e+01;
	p6 =	sgt.f32 s26, $-1.000000000e+00  }
0x93: {  	[smem:s18] =	sst @p0 s1;
	s1 =	simm.s32 $0x3;
	s0 =	sadd.s32 s0, s18  }
0x94: {  	s18 =	simm.s32 $0x0;
	[smem:$0x500] =	sst s0;
	p0 =	por !p5, !p6  }
0x95: {  	s20 =	spop (v2sf);
	s26 =	simm.s32 $0x2;
	p0 =	por !p0, !p0  }
.LBB2_6:
0x96: {  	s0 =	sadd.f32 $-1.000000000e+00, s20;
	s21 =	simm.s32 $0x1  }
0x97: {  	v0 =	vld [tilespmem:s19+$0x0];
	s22 =	smov.u32 s31;
	s31 =	sadd.s32 $0x1, s31;
	s21 =	simm.s32 @!p0 $0x0  }
0x98: {  	s20 =	sadd.f32 $1.300000000e+01, s20;
	p1 =	sne.s32 s31, $0x32;
	s29 =	sadd.s32 s21, s29  }
.Ltmp2:
0x99: {  	[smem:s30+$0x12C] =	sst @p0 s18;
	(pc) =	sbr.rel @p1 .LBB2_6-.Ltmp2, $4  }
0x9a: {  	p2 =	sgt.f32 s20, $-1.000000000e+00;
	p0 =	sle.f32 s0, $6.400000000e+01;
	s18 =	smov.u32 s28  }
0x9b: {  	s28 =	smov.u32 s26;
	s26 =	smov.u32 s1;
	s1 =	smov.u32 s22  }
0x9c: {  	s30 =	smov.u32 s29;
	p0 =	por !p0, !p2;
	(v2sf) =	vpush v0, $0x0  }
0x9d: {  	s19 =	sadd.s32 $0x10, s19;
	p0 =	por !p0, !p0;
	s20 =	spop (v2sf)  }
0x9e: {  	_ =	sdelay $0x2  }
0x9f: {  	s0 =	simm.s32 $0x6240  }
0xa0: {  	v0 =	vld [tilespmem:s0+$0x0];
	_ =	sdelay $0x2  }
0xa1: {  	s19 =	simm.s32 $0x6250;
	s21 =	sadd.f32 $-1.000000000e+00, s20  }
0xa2: {  	s22 =	spop (v2sf);
	v62 =	vld [tilespmem:s19+$0x0];
	s19 =	sadd.f32 $1.300000000e+01, s20  }
0xa3: {  	s20 =	simm.s32 $0x1;
	p1 =	sle.f32 s21, $6.400000000e+01;
	s21 =	sadd.f32 $-1.000000000e+00, s22;
	(v2sf) =	vpush v0, $0x0  }
0xa4: {  	s22 =	sadd.f32 $1.300000000e+01, s22;
	s20 =	simm.s32 @!p0 $0x0;
	p2 =	sgt.f32 s19, $-1.000000000e+00  }
0xa5: {  	s20 =	sadd.s32 s20, s29  }
0xa6: {  	p3 =	sle.f32 s21, $6.400000000e+01;
	p5 =	sgt.f32 s22, $-1.000000000e+00;
	p1 =	por !p1, !p2  }
0xa7: {  	s21 =	simm.s32 $0x1;
	p1 =	por !p1, !p1;
	s19 =	spop (v2sf)  }
0xa8: {  	p2 =	por !p3, !p5;
	s21 =	simm.s32 @!p1 $0x0;
	s0 =	sadd.f32 $1.300000000e+01, s19  }
0xa9: {  	p2 =	por !p2, !p2;
	s22 =	sadd.f32 $-1.000000000e+00, s19;
	s19 =	simm.s32 $0x1  }
0xaa: {  	(v2sf) =	vpush v62, $0x0;
	s19 =	simm.s32 @!p2 $0x0;
	p4 =	sgt.f32 s0, $-1.000000000e+00;
	s0 =	sadd.s32 s21, s20  }
0xab: {  	[smem:s30+$0x12C] =	sst @p0 s18;
	s18 =	sadd.s32 s19, s0;
	s19 =	simm.s32 $0x6260  }
0xac: {  	s21 =	simm.s32 $0x6270;
	v63 =	vld [tilespmem:s19+$0x0]  }
0xad: {  	v1 =	vld [tilespmem:s21+$0x0];
	_ =	sdelay $0x3  }
0xae: {  	[smem:s20+$0x12C] =	sst @p1 s28;
	p6 =	sle.f32 s22, $6.400000000e+01;
	(v2sf) =	vpush v63, $0x0  }
0xaf: {  	s31 =	simm.s32 $0x4;
	[smem:s0+$0x12C] =	sst @p2 s26;
	s20 =	spop (v2sf);
	(v2sf) =	vpush v1, $0x0  }
0xb0: {  	s30 =	simm.s32 $0x0;
	s29 =	simm.s32 $0x0;
	s22 =	sadd.f32 $-1.000000000e+00, s20  }
0xb1: {  	s28 =	simm.s32 $0x1;
	p4 =	por !p6, !p4;
	s26 =	sadd.f32 $1.300000000e+01, s20  }
0xb2: {  	s0 =	simm.s32 $0x1;
	s19 =	simm.s32 $0x6280;
	p0 =	por !p4, !p4  }
0xb3: {  	s0 =	simm.s32 @!p0 $0x0;
	p5 =	sle.f32 s22, $6.400000000e+01;
	p6 =	sgt.f32 s26, $-1.000000000e+00  }
0xb4: {  	[smem:s18+$0x12C] =	sst @p0 s1;
	s1 =	simm.s32 $0x3;
	s0 =	sadd.s32 s0, s18  }
0xb5: {  	s18 =	simm.s32 $0x0;
	[smem:$0x506] =	sst s0;
	p0 =	por !p5, !p6  }
0xb6: {  	s20 =	spop (v2sf);
	s26 =	simm.s32 $0x2;
	p0 =	por !p0, !p0  }
.LBB2_8:
0xb7: {  	s0 =	sadd.f32 $-1.000000000e+00, s20;
	s21 =	simm.s32 $0x1  }
0xb8: {  	v0 =	vld [tilespmem:s19+$0x0];
	s22 =	smov.u32 s31;
	s31 =	sadd.s32 $0x1, s31;
	s21 =	simm.s32 @!p0 $0x0  }
0xb9: {  	s20 =	sadd.f32 $1.300000000e+01, s20;
	p1 =	sne.s32 s31, $0x32;
	s29 =	sadd.s32 s21, s29  }
.Ltmp3:
0xba: {  	[smem:s30+$0x258] =	sst @p0 s18;
	(pc) =	sbr.rel @p1 .LBB2_8-.Ltmp3, $4  }
0xbb: {  	p2 =	sgt.f32 s20, $-1.000000000e+00;
	p0 =	sle.f32 s0, $6.400000000e+01;
	s18 =	smov.u32 s28  }
0xbc: {  	s28 =	smov.u32 s26;
	s26 =	smov.u32 s1;
	s1 =	smov.u32 s22  }
0xbd: {  	s30 =	smov.u32 s29;
	p0 =	por !p0, !p2;
	(v2sf) =	vpush v0, $0x0  }
0xbe: {  	s19 =	sadd.s32 $0x10, s19;
	p0 =	por !p0, !p0;
	s20 =	spop (v2sf)  }
0xbf: {  	_ =	sdelay $0x2  }
0xc0: {  	s0 =	simm.s32 $0x6560  }
0xc1: {  	v0 =	vld [tilespmem:s0+$0x0];
	_ =	sdelay $0x2  }
0xc2: {  	s19 =	simm.s32 $0x6570;
	s21 =	sadd.f32 $-1.000000000e+00, s20  }
0xc3: {  	s22 =	spop (v2sf);
	v62 =	vld [tilespmem:s19+$0x0];
	s19 =	sadd.f32 $1.300000000e+01, s20  }
0xc4: {  	s20 =	simm.s32 $0x1;
	p1 =	sle.f32 s21, $6.400000000e+01;
	s21 =	sadd.f32 $-1.000000000e+00, s22;
	(v2sf) =	vpush v0, $0x0  }
0xc5: {  	s22 =	sadd.f32 $1.300000000e+01, s22;
	s20 =	simm.s32 @!p0 $0x0;
	p2 =	sgt.f32 s19, $-1.000000000e+00  }
0xc6: {  	s20 =	sadd.s32 s20, s29  }
0xc7: {  	p3 =	sle.f32 s21, $6.400000000e+01;
	p5 =	sgt.f32 s22, $-1.000000000e+00;
	p1 =	por !p1, !p2  }
0xc8: {  	s21 =	simm.s32 $0x1;
	p1 =	por !p1, !p1;
	s19 =	spop (v2sf)  }
0xc9: {  	p2 =	por !p3, !p5;
	s21 =	simm.s32 @!p1 $0x0;
	s0 =	sadd.f32 $1.300000000e+01, s19  }
0xca: {  	p2 =	por !p2, !p2;
	s22 =	sadd.f32 $-1.000000000e+00, s19;
	s19 =	simm.s32 $0x1  }
0xcb: {  	(v2sf) =	vpush v62, $0x0;
	s19 =	simm.s32 @!p2 $0x0;
	p4 =	sgt.f32 s0, $-1.000000000e+00;
	s0 =	sadd.s32 s21, s20  }
0xcc: {  	[smem:s30+$0x258] =	sst @p0 s18;
	s18 =	sadd.s32 s19, s0;
	s19 =	simm.s32 $0x6580  }
0xcd: {  	s21 =	simm.s32 $0x6590;
	v63 =	vld [tilespmem:s19+$0x0]  }
0xce: {  	v1 =	vld [tilespmem:s21+$0x0];
	_ =	sdelay $0x3  }
0xcf: {  	[smem:s20+$0x258] =	sst @p1 s28;
	p6 =	sle.f32 s22, $6.400000000e+01;
	(v2sf) =	vpush v63, $0x0  }
0xd0: {  	s31 =	simm.s32 $0x4;
	[smem:s0+$0x258] =	sst @p2 s26;
	s20 =	spop (v2sf);
	(v2sf) =	vpush v1, $0x0  }
0xd1: {  	s30 =	simm.s32 $0x0;
	s29 =	simm.s32 $0x0;
	s22 =	sadd.f32 $-1.000000000e+00, s20  }
0xd2: {  	s28 =	simm.s32 $0x1;
	p4 =	por !p6, !p4;
	s26 =	sadd.f32 $1.300000000e+01, s20  }
0xd3: {  	s0 =	simm.s32 $0x1;
	s19 =	simm.s32 $0x65A0;
	p0 =	por !p4, !p4  }
0xd4: {  	s0 =	simm.s32 @!p0 $0x0;
	p5 =	sle.f32 s22, $6.400000000e+01;
	p6 =	sgt.f32 s26, $-1.000000000e+00  }
0xd5: {  	[smem:s18+$0x258] =	sst @p0 s1;
	s1 =	simm.s32 $0x3;
	s0 =	sadd.s32 s0, s18  }
0xd6: {  	s18 =	simm.s32 $0x0;
	[smem:$0x50C] =	sst s0;
	p0 =	por !p5, !p6  }
0xd7: {  	s20 =	spop (v2sf);
	s26 =	simm.s32 $0x2;
	p0 =	por !p0, !p0  }
.LBB2_10:
0xd8: {  	s0 =	sadd.f32 $-1.000000000e+00, s20;
	s21 =	simm.s32 $0x1  }
0xd9: {  	v0 =	vld [tilespmem:s19+$0x0];
	s22 =	smov.u32 s31;
	s31 =	sadd.s32 $0x1, s31;
	s21 =	simm.s32 @!p0 $0x0  }
0xda: {  	s20 =	sadd.f32 $1.300000000e+01, s20;
	p1 =	sne.s32 s31, $0x32;
	s29 =	sadd.s32 s21, s29  }
.Ltmp4:
0xdb: {  	[smem:s30+$0x384] =	sst @p0 s18;
	(pc) =	sbr.rel @p1 .LBB2_10-.Ltmp4, $4  }
0xdc: {  	p2 =	sgt.f32 s20, $-1.000000000e+00;
	p0 =	sle.f32 s0, $6.400000000e+01;
	s18 =	smov.u32 s28  }
0xdd: {  	s28 =	smov.u32 s26;
	s26 =	smov.u32 s1;
	s1 =	smov.u32 s22  }
0xde: {  	s30 =	smov.u32 s29;
	p0 =	por !p0, !p2;
	(v2sf) =	vpush v0, $0x0  }
0xdf: {  	s19 =	sadd.s32 $0x10, s19;
	p0 =	por !p0, !p0;
	s20 =	spop (v2sf)  }
0xe0: {  	_ =	sdelay $0x2  }
0xe1: {  	s0 =	simm.s32 $0x5C00  }
0xe2: {  	v0 =	vld [tilespmem:s0+$0x0];
	_ =	sdelay $0x2  }
0xe3: {  	s19 =	simm.s32 $0x5C10;
	s21 =	sadd.f32 $-1.000000000e+00, s20  }
0xe4: {  	s22 =	spop (v2sf);
	v62 =	vld [tilespmem:s19+$0x0];
	s19 =	sadd.f32 $1.300000000e+01, s20  }
0xe5: {  	s20 =	simm.s32 $0x1;
	p1 =	sle.f32 s21, $6.400000000e+01;
	s21 =	sadd.f32 $-1.000000000e+00, s22;
	(v2sf) =	vpush v0, $0x0  }
0xe6: {  	s22 =	sadd.f32 $1.300000000e+01, s22;
	s20 =	simm.s32 @!p0 $0x0;
	p2 =	sgt.f32 s19, $-1.000000000e+00  }
0xe7: {  	s20 =	sadd.s32 s20, s29  }
0xe8: {  	p3 =	sle.f32 s21, $6.400000000e+01;
	p5 =	sgt.f32 s22, $-1.000000000e+00;
	p1 =	por !p1, !p2  }
0xe9: {  	s21 =	simm.s32 $0x1;
	p1 =	por !p1, !p1;
	s19 =	spop (v2sf)  }
0xea: {  	p2 =	por !p3, !p5;
	s21 =	simm.s32 @!p1 $0x0;
	s0 =	sadd.f32 $1.300000000e+01, s19  }
0xeb: {  	p2 =	por !p2, !p2;
	s22 =	sadd.f32 $-1.000000000e+00, s19;
	s19 =	simm.s32 $0x1  }
0xec: {  	(v2sf) =	vpush v62, $0x0;
	s19 =	simm.s32 @!p2 $0x0;
	p4 =	sgt.f32 s0, $-1.000000000e+00;
	s0 =	sadd.s32 s21, s20  }
0xed: {  	[smem:s30+$0x384] =	sst @p0 s18;
	s18 =	sadd.s32 s19, s0;
	s19 =	simm.s32 $0x5C20  }
0xee: {  	s21 =	simm.s32 $0x5C30;
	v63 =	vld [tilespmem:s19+$0x0]  }
0xef: {  	v1 =	vld [tilespmem:s21+$0x0];
	_ =	sdelay $0x3  }
0xf0: {  	[smem:s20+$0x384] =	sst @p1 s28;
	p6 =	sle.f32 s22, $6.400000000e+01;
	(v2sf) =	vpush v63, $0x0  }
0xf1: {  	s31 =	simm.s32 $0x4;
	[smem:s0+$0x384] =	sst @p2 s26;
	s20 =	spop (v2sf);
	(v2sf) =	vpush v1, $0x0  }
0xf2: {  	s30 =	simm.s32 $0x0;
	s29 =	simm.s32 $0x0;
	s22 =	sadd.f32 $-1.000000000e+00, s20  }
0xf3: {  	s28 =	simm.s32 $0x1;
	p4 =	por !p6, !p4;
	s26 =	sadd.f32 $2.500000000e+01, s20  }
0xf4: {  	s0 =	simm.s32 $0x1;
	s19 =	simm.s32 $0x5C40;
	p0 =	por !p4, !p4  }
0xf5: {  	s0 =	simm.s32 @!p0 $0x0;
	p5 =	sle.f32 s22, $1.280000000e+02;
	p6 =	sgt.f32 s26, $6.400000000e+01  }
0xf6: {  	[smem:s18+$0x384] =	sst @p0 s1;
	s1 =	simm.s32 $0x3;
	s0 =	sadd.s32 s0, s18  }
0xf7: {  	s18 =	simm.s32 $0x0;
	[smem:$0x512] =	sst s0;
	p0 =	por !p5, !p6  }
0xf8: {  	s20 =	spop (v2sf);
	s26 =	simm.s32 $0x2;
	p0 =	por !p0, !p0  }
.LBB2_12:
0xf9: {  	s0 =	sadd.f32 $-1.000000000e+00, s20;
	s21 =	simm.s32 $0x1  }
0xfa: {  	v0 =	vld [tilespmem:s19+$0x0];
	s22 =	smov.u32 s31;
	s31 =	sadd.s32 $0x1, s31;
	s21 =	simm.s32 @!p0 $0x0  }
0xfb: {  	s20 =	sadd.f32 $2.500000000e+01, s20;
	p1 =	sne.s32 s31, $0x32;
	s29 =	sadd.s32 s21, s29  }
.Ltmp5:
0xfc: {  	[smem:s30+$0x32] =	sst @p0 s18;
	(pc) =	sbr.rel @p1 .LBB2_12-.Ltmp5, $4  }
0xfd: {  	p2 =	sgt.f32 s20, $6.400000000e+01;
	p0 =	sle.f32 s0, $1.280000000e+02;
	s18 =	smov.u32 s28  }
0xfe: {  	s28 =	smov.u32 s26;
	s26 =	smov.u32 s1;
	s1 =	smov.u32 s22  }
0xff: {  	s30 =	smov.u32 s29;
	p0 =	por !p0, !p2;
	(v2sf) =	vpush v0, $0x0  }
0x100: {  	s19 =	sadd.s32 $0x10, s19;
	p0 =	por !p0, !p0;
	s20 =	spop (v2sf)  }
0x101: {  	_ =	sdelay $0x2  }
0x102: {  	s0 =	simm.s32 $0x5F20  }
0x103: {  	v0 =	vld [tilespmem:s0+$0x0];
	_ =	sdelay $0x2  }
0x104: {  	s19 =	simm.s32 $0x5F30;
	s21 =	sadd.f32 $-1.000000000e+00, s20  }
0x105: {  	s22 =	spop (v2sf);
	v62 =	vld [tilespmem:s19+$0x0];
	s19 =	sadd.f32 $2.500000000e+01, s20  }
0x106: {  	s20 =	simm.s32 $0x1;
	p1 =	sle.f32 s21, $1.280000000e+02;
	s21 =	sadd.f32 $-1.000000000e+00, s22;
	(v2sf) =	vpush v0, $0x0  }
0x107: {  	s22 =	sadd.f32 $2.500000000e+01, s22;
	s20 =	simm.s32 @!p0 $0x0;
	p2 =	sgt.f32 s19, $6.400000000e+01  }
0x108: {  	s20 =	sadd.s32 s20, s29  }
0x109: {  	p3 =	sle.f32 s21, $1.280000000e+02;
	p5 =	sgt.f32 s22, $6.400000000e+01;
	p1 =	por !p1, !p2  }
0x10a: {  	s21 =	simm.s32 $0x1;
	p1 =	por !p1, !p1;
	s19 =	spop (v2sf)  }
0x10b: {  	p2 =	por !p3, !p5;
	s21 =	simm.s32 @!p1 $0x0;
	s0 =	sadd.f32 $2.500000000e+01, s19  }
0x10c: {  	p2 =	por !p2, !p2;
	s22 =	sadd.f32 $-1.000000000e+00, s19;
	s19 =	simm.s32 $0x1  }
0x10d: {  	(v2sf) =	vpush v62, $0x0;
	s19 =	simm.s32 @!p2 $0x0;
	p4 =	sgt.f32 s0, $6.400000000e+01;
	s0 =	sadd.s32 s21, s20  }
0x10e: {  	[smem:s30+$0x32] =	sst @p0 s18;
	s18 =	sadd.s32 s19, s0;
	s19 =	simm.s32 $0x5F40  }
0x10f: {  	s21 =	simm.s32 $0x5F50;
	v63 =	vld [tilespmem:s19+$0x0]  }
0x110: {  	v1 =	vld [tilespmem:s21+$0x0];
	_ =	sdelay $0x3  }
0x111: {  	[smem:s20+$0x32] =	sst @p1 s28;
	p6 =	sle.f32 s22, $1.280000000e+02;
	(v2sf) =	vpush v63, $0x0  }
0x112: {  	s31 =	simm.s32 $0x4;
	[smem:s0+$0x32] =	sst @p2 s26;
	s20 =	spop (v2sf);
	(v2sf) =	vpush v1, $0x0  }
0x113: {  	s30 =	simm.s32 $0x0;
	s29 =	simm.s32 $0x0;
	s22 =	sadd.f32 $-1.000000000e+00, s20  }
0x114: {  	s28 =	simm.s32 $0x1;
	p4 =	por !p6, !p4;
	s26 =	sadd.f32 $2.500000000e+01, s20  }
0x115: {  	s0 =	simm.s32 $0x1;
	s19 =	simm.s32 $0x5F60;
	p0 =	por !p4, !p4  }
0x116: {  	s0 =	simm.s32 @!p0 $0x0;
	p5 =	sle.f32 s22, $1.280000000e+02;
	p6 =	sgt.f32 s26, $6.400000000e+01  }
0x117: {  	[smem:s18+$0x32] =	sst @p0 s1;
	s1 =	simm.s32 $0x3;
	s0 =	sadd.s32 s0, s18  }
0x118: {  	s18 =	simm.s32 $0x0;
	[smem:$0x501] =	sst s0;
	p0 =	por !p5, !p6  }
0x119: {  	s20 =	spop (v2sf);
	s26 =	simm.s32 $0x2;
	p0 =	por !p0, !p0  }
.LBB2_14:
0x11a: {  	s0 =	sadd.f32 $-1.000000000e+00, s20;
	s21 =	simm.s32 $0x1  }
0x11b: {  	v0 =	vld [tilespmem:s19+$0x0];
	s22 =	smov.u32 s31;
	s31 =	sadd.s32 $0x1, s31;
	s21 =	simm.s32 @!p0 $0x0  }
0x11c: {  	s20 =	sadd.f32 $2.500000000e+01, s20;
	p1 =	sne.s32 s31, $0x32;
	s29 =	sadd.s32 s21, s29  }
.Ltmp6:
0x11d: {  	[smem:s30+$0x15E] =	sst @p0 s18;
	(pc) =	sbr.rel @p1 .LBB2_14-.Ltmp6, $4  }
0x11e: {  	p2 =	sgt.f32 s20, $6.400000000e+01;
	p0 =	sle.f32 s0, $1.280000000e+02;
	s18 =	smov.u32 s28  }
0x11f: {  	s28 =	smov.u32 s26;
	s26 =	smov.u32 s1;
	s1 =	smov.u32 s22  }
0x120: {  	s30 =	smov.u32 s29;
	p0 =	por !p0, !p2;
	(v2sf) =	vpush v0, $0x0  }
0x121: {  	s19 =	sadd.s32 $0x10, s19;
	p0 =	por !p0, !p0;
	s20 =	spop (v2sf)  }
0x122: {  	_ =	sdelay $0x2  }
0x123: {  	s0 =	simm.s32 $0x6240  }
0x124: {  	v0 =	vld [tilespmem:s0+$0x0];
	_ =	sdelay $0x2  }
0x125: {  	s19 =	simm.s32 $0x6250;
	s21 =	sadd.f32 $-1.000000000e+00, s20  }
0x126: {  	s22 =	spop (v2sf);
	v62 =	vld [tilespmem:s19+$0x0];
	s19 =	sadd.f32 $2.500000000e+01, s20  }
0x127: {  	s20 =	simm.s32 $0x1;
	p1 =	sle.f32 s21, $1.280000000e+02;
	s21 =	sadd.f32 $-1.000000000e+00, s22;
	(v2sf) =	vpush v0, $0x0  }
0x128: {  	s22 =	sadd.f32 $2.500000000e+01, s22;
	s20 =	simm.s32 @!p0 $0x0;
	p2 =	sgt.f32 s19, $6.400000000e+01  }
0x129: {  	s20 =	sadd.s32 s20, s29  }
0x12a: {  	p3 =	sle.f32 s21, $1.280000000e+02;
	p5 =	sgt.f32 s22, $6.400000000e+01;
	p1 =	por !p1, !p2  }
0x12b: {  	s21 =	simm.s32 $0x1;
	p1 =	por !p1, !p1;
	s19 =	spop (v2sf)  }
0x12c: {  	p2 =	por !p3, !p5;
	s21 =	simm.s32 @!p1 $0x0;
	s0 =	sadd.f32 $2.500000000e+01, s19  }
0x12d: {  	p2 =	por !p2, !p2;
	s22 =	sadd.f32 $-1.000000000e+00, s19;
	s19 =	simm.s32 $0x1  }
0x12e: {  	(v2sf) =	vpush v62, $0x0;
	s19 =	simm.s32 @!p2 $0x0;
	p4 =	sgt.f32 s0, $6.400000000e+01;
	s0 =	sadd.s32 s21, s20  }
0x12f: {  	[smem:s30+$0x15E] =	sst @p0 s18;
	s18 =	sadd.s32 s19, s0;
	s19 =	simm.s32 $0x6260  }
0x130: {  	s21 =	simm.s32 $0x6270;
	v63 =	vld [tilespmem:s19+$0x0]  }
0x131: {  	v1 =	vld [tilespmem:s21+$0x0];
	_ =	sdelay $0x3  }
0x132: {  	[smem:s20+$0x15E] =	sst @p1 s28;
	p6 =	sle.f32 s22, $1.280000000e+02;
	(v2sf) =	vpush v63, $0x0  }
0x133: {  	s31 =	simm.s32 $0x4;
	[smem:s0+$0x15E] =	sst @p2 s26;
	s20 =	spop (v2sf);
	(v2sf) =	vpush v1, $0x0  }
0x134: {  	s30 =	simm.s32 $0x0;
	s29 =	simm.s32 $0x0;
	s22 =	sadd.f32 $-1.000000000e+00, s20  }
0x135: {  	s28 =	simm.s32 $0x1;
	p4 =	por !p6, !p4;
	s26 =	sadd.f32 $2.500000000e+01, s20  }
0x136: {  	s0 =	simm.s32 $0x1;
	s19 =	simm.s32 $0x6280;
	p0 =	por !p4, !p4  }
0x137: {  	s0 =	simm.s32 @!p0 $0x0;
	p5 =	sle.f32 s22, $1.280000000e+02;
	p6 =	sgt.f32 s26, $6.400000000e+01  }
0x138: {  	[smem:s18+$0x15E] =	sst @p0 s1;
	s1 =	simm.s32 $0x3;
	s0 =	sadd.s32 s0, s18  }
0x139: {  	s18 =	simm.s32 $0x0;
	[smem:$0x507] =	sst s0;
	p0 =	por !p5, !p6  }
0x13a: {  	s20 =	spop (v2sf);
	s26 =	simm.s32 $0x2;
	p0 =	por !p0, !p0  }
.LBB2_16:
0x13b: {  	s0 =	sadd.f32 $-1.000000000e+00, s20;
	s21 =	simm.s32 $0x1  }
0x13c: {  	v0 =	vld [tilespmem:s19+$0x0];
	s22 =	smov.u32 s31;
	s31 =	sadd.s32 $0x1, s31;
	s21 =	simm.s32 @!p0 $0x0  }
0x13d: {  	s20 =	sadd.f32 $2.500000000e+01, s20;
	p1 =	sne.s32 s31, $0x32;
	s29 =	sadd.s32 s21, s29  }
.Ltmp7:
0x13e: {  	[smem:s30+$0x28A] =	sst @p0 s18;
	(pc) =	sbr.rel @p1 .LBB2_16-.Ltmp7, $4  }
0x13f: {  	p2 =	sgt.f32 s20, $6.400000000e+01;
	p0 =	sle.f32 s0, $1.280000000e+02;
	s18 =	smov.u32 s28  }
0x140: {  	s28 =	smov.u32 s26;
	s26 =	smov.u32 s1;
	s1 =	smov.u32 s22  }
0x141: {  	s30 =	smov.u32 s29;
	p0 =	por !p0, !p2;
	(v2sf) =	vpush v0, $0x0  }
0x142: {  	s19 =	sadd.s32 $0x10, s19;
	p0 =	por !p0, !p0;
	s20 =	spop (v2sf)  }
0x143: {  	_ =	sdelay $0x2  }
0x144: {  	s0 =	simm.s32 $0x6560  }
0x145: {  	v0 =	vld [tilespmem:s0+$0x0];
	_ =	sdelay $0x2  }
0x146: {  	s19 =	simm.s32 $0x6570;
	s21 =	sadd.f32 $-1.000000000e+00, s20  }
0x147: {  	s22 =	spop (v2sf);
	v62 =	vld [tilespmem:s19+$0x0];
	s19 =	sadd.f32 $2.500000000e+01, s20  }
0x148: {  	s20 =	simm.s32 $0x1;
	p1 =	sle.f32 s21, $1.280000000e+02;
	s21 =	sadd.f32 $-1.000000000e+00, s22;
	(v2sf) =	vpush v0, $0x0  }
0x149: {  	s22 =	sadd.f32 $2.500000000e+01, s22;
	s20 =	simm.s32 @!p0 $0x0;
	p2 =	sgt.f32 s19, $6.400000000e+01  }
0x14a: {  	s20 =	sadd.s32 s20, s29  }
0x14b: {  	p3 =	sle.f32 s21, $1.280000000e+02;
	p5 =	sgt.f32 s22, $6.400000000e+01;
	p1 =	por !p1, !p2  }
0x14c: {  	s21 =	simm.s32 $0x1;
	p1 =	por !p1, !p1;
	s19 =	spop (v2sf)  }
0x14d: {  	p2 =	por !p3, !p5;
	s21 =	simm.s32 @!p1 $0x0;
	s0 =	sadd.f32 $2.500000000e+01, s19  }
0x14e: {  	p2 =	por !p2, !p2;
	s22 =	sadd.f32 $-1.000000000e+00, s19;
	s19 =	simm.s32 $0x1  }
0x14f: {  	(v2sf) =	vpush v62, $0x0;
	s19 =	simm.s32 @!p2 $0x0;
	p4 =	sgt.f32 s0, $6.400000000e+01;
	s0 =	sadd.s32 s21, s20  }
0x150: {  	[smem:s30+$0x28A] =	sst @p0 s18;
	s18 =	sadd.s32 s19, s0;
	s19 =	simm.s32 $0x6580  }
0x151: {  	s21 =	simm.s32 $0x6590;
	v63 =	vld [tilespmem:s19+$0x0]  }
0x152: {  	v1 =	vld [tilespmem:s21+$0x0];
	_ =	sdelay $0x3  }
0x153: {  	[smem:s20+$0x28A] =	sst @p1 s28;
	p6 =	sle.f32 s22, $1.280000000e+02;
	(v2sf) =	vpush v63, $0x0  }
0x154: {  	s31 =	simm.s32 $0x4;
	[smem:s0+$0x28A] =	sst @p2 s26;
	s20 =	spop (v2sf);
	(v2sf) =	vpush v1, $0x0  }
0x155: {  	s30 =	simm.s32 $0x0;
	s29 =	simm.s32 $0x0;
	s22 =	sadd.f32 $-1.000000000e+00, s20  }
0x156: {  	s28 =	simm.s32 $0x1;
	p4 =	por !p6, !p4;
	s26 =	sadd.f32 $2.500000000e+01, s20  }
0x157: {  	s0 =	simm.s32 $0x1;
	s19 =	simm.s32 $0x65A0;
	p0 =	por !p4, !p4  }
0x158: {  	s0 =	simm.s32 @!p0 $0x0;
	p5 =	sle.f32 s22, $1.280000000e+02;
	p6 =	sgt.f32 s26, $6.400000000e+01  }
0x159: {  	[smem:s18+$0x28A] =	sst @p0 s1;
	s1 =	simm.s32 $0x3;
	s0 =	sadd.s32 s0, s18  }
0x15a: {  	s18 =	simm.s32 $0x0;
	[smem:$0x50D] =	sst s0;
	p0 =	por !p5, !p6  }
0x15b: {  	s20 =	spop (v2sf);
	s26 =	simm.s32 $0x2;
	p0 =	por !p0, !p0  }
.LBB2_18:
0x15c: {  	s0 =	sadd.f32 $-1.000000000e+00, s20;
	s21 =	simm.s32 $0x1  }
0x15d: {  	v0 =	vld [tilespmem:s19+$0x0];
	s22 =	smov.u32 s31;
	s31 =	sadd.s32 $0x1, s31;
	s21 =	simm.s32 @!p0 $0x0  }
0x15e: {  	s20 =	sadd.f32 $2.500000000e+01, s20;
	p1 =	sne.s32 s31, $0x32;
	s29 =	sadd.s32 s21, s29  }
.Ltmp8:
0x15f: {  	[smem:s30+$0x3B6] =	sst @p0 s18;
	(pc) =	sbr.rel @p1 .LBB2_18-.Ltmp8, $4  }
0x160: {  	p2 =	sgt.f32 s20, $6.400000000e+01;
	p0 =	sle.f32 s0, $1.280000000e+02;
	s18 =	smov.u32 s28  }
0x161: {  	s28 =	smov.u32 s26;
	s26 =	smov.u32 s1;
	s1 =	smov.u32 s22  }
0x162: {  	s30 =	smov.u32 s29;
	p0 =	por !p0, !p2;
	(v2sf) =	vpush v0, $0x0  }
0x163: {  	s19 =	sadd.s32 $0x10, s19;
	p0 =	por !p0, !p0;
	s20 =	spop (v2sf)  }
0x164: {  	_ =	sdelay $0x2  }
0x165: {  	s0 =	simm.s32 $0x5C00  }
0x166: {  	v0 =	vld [tilespmem:s0+$0x0];
	_ =	sdelay $0x2  }
0x167: {  	s19 =	simm.s32 $0x5C10;
	s21 =	sadd.f32 $-1.000000000e+00, s20  }
0x168: {  	s22 =	spop (v2sf);
	v62 =	vld [tilespmem:s19+$0x0];
	s19 =	sadd.f32 $2.500000000e+01, s20  }
0x169: {  	s20 =	simm.s32 $0x1;
	p1 =	sle.f32 s21, $1.280000000e+02;
	s21 =	sadd.f32 $-1.000000000e+00, s22;
	(v2sf) =	vpush v0, $0x0  }
0x16a: {  	s22 =	sadd.f32 $2.500000000e+01, s22;
	s20 =	simm.s32 @!p0 $0x0;
	p2 =	sgt.f32 s19, $6.400000000e+01  }
0x16b: {  	s20 =	sadd.s32 s20, s29  }
0x16c: {  	p3 =	sle.f32 s21, $1.280000000e+02;
	p5 =	sgt.f32 s22, $6.400000000e+01;
	p1 =	por !p1, !p2  }
0x16d: {  	s21 =	simm.s32 $0x1;
	p1 =	por !p1, !p1;
	s19 =	spop (v2sf)  }
0x16e: {  	p2 =	por !p3, !p5;
	s21 =	simm.s32 @!p1 $0x0;
	s0 =	sadd.f32 $2.500000000e+01, s19  }
0x16f: {  	p2 =	por !p2, !p2;
	s22 =	sadd.f32 $-1.000000000e+00, s19;
	s19 =	simm.s32 $0x1  }
0x170: {  	(v2sf) =	vpush v62, $0x0;
	s19 =	simm.s32 @!p2 $0x0;
	p4 =	sgt.f32 s0, $6.400000000e+01;
	s0 =	sadd.s32 s21, s20  }
0x171: {  	[smem:s30+$0x3B6] =	sst @p0 s18;
	s18 =	sadd.s32 s19, s0;
	s19 =	simm.s32 $0x5C20  }
0x172: {  	s21 =	simm.s32 $0x5C30;
	v63 =	vld [tilespmem:s19+$0x0]  }
0x173: {  	v1 =	vld [tilespmem:s21+$0x0];
	_ =	sdelay $0x3  }
0x174: {  	[smem:s20+$0x3B6] =	sst @p1 s28;
	p6 =	sle.f32 s22, $1.280000000e+02;
	(v2sf) =	vpush v63, $0x0  }
0x175: {  	s31 =	simm.s32 $0x4;
	[smem:s0+$0x3B6] =	sst @p2 s26;
	s20 =	spop (v2sf);
	(v2sf) =	vpush v1, $0x0  }
0x176: {  	s30 =	simm.s32 $0x0;
	s29 =	simm.s32 $0x0;
	s22 =	sadd.f32 $-1.000000000e+00, s20  }
0x177: {  	s28 =	simm.s32 $0x1;
	p4 =	por !p6, !p4;
	s26 =	sadd.f32 $4.900000000e+01, s20  }
0x178: {  	s0 =	simm.s32 $0x1;
	s19 =	simm.s32 $0x5C40;
	p0 =	por !p4, !p4  }
0x179: {  	s0 =	simm.s32 @!p0 $0x0;
	p5 =	sle.f32 s22, $2.560000000e+02;
	p6 =	sgt.f32 s26, $1.280000000e+02  }
0x17a: {  	[smem:s18+$0x3B6] =	sst @p0 s1;
	s1 =	simm.s32 $0x3;
	s0 =	sadd.s32 s0, s18  }
0x17b: {  	s18 =	simm.s32 $0x0;
	[smem:$0x513] =	sst s0;
	p0 =	por !p5, !p6  }
0x17c: {  	s20 =	spop (v2sf);
	s26 =	simm.s32 $0x2;
	p0 =	por !p0, !p0  }
.LBB2_20:
0x17d: {  	s0 =	sadd.f32 $-1.000000000e+00, s20;
	s21 =	simm.s32 $0x1  }
0x17e: {  	v0 =	vld [tilespmem:s19+$0x0];
	s22 =	smov.u32 s31;
	s31 =	sadd.s32 $0x1, s31;
	s21 =	simm.s32 @!p0 $0x0  }
0x17f: {  	s20 =	sadd.f32 $4.900000000e+01, s20;
	p1 =	sne.s32 s31, $0x32;
	s29 =	sadd.s32 s21, s29  }
.Ltmp9:
0x180: {  	[smem:s30+$0x64] =	sst @p0 s18;
	(pc) =	sbr.rel @p1 .LBB2_20-.Ltmp9, $4  }
0x181: {  	p2 =	sgt.f32 s20, $1.280000000e+02;
	p0 =	sle.f32 s0, $2.560000000e+02;
	s18 =	smov.u32 s28  }
0x182: {  	s28 =	smov.u32 s26;
	s26 =	smov.u32 s1;
	s1 =	smov.u32 s22  }
0x183: {  	s30 =	smov.u32 s29;
	p0 =	por !p0, !p2;
	(v2sf) =	vpush v0, $0x0  }
0x184: {  	s19 =	sadd.s32 $0x10, s19;
	p0 =	por !p0, !p0;
	s20 =	spop (v2sf)  }
0x185: {  	_ =	sdelay $0x2  }
0x186: {  	s0 =	simm.s32 $0x5F20  }
0x187: {  	v0 =	vld [tilespmem:s0+$0x0];
	_ =	sdelay $0x2  }
0x188: {  	s19 =	simm.s32 $0x5F30;
	s21 =	sadd.f32 $-1.000000000e+00, s20  }
0x189: {  	s22 =	spop (v2sf);
	v62 =	vld [tilespmem:s19+$0x0];
	s19 =	sadd.f32 $4.900000000e+01, s20  }
0x18a: {  	s20 =	simm.s32 $0x1;
	p1 =	sle.f32 s21, $2.560000000e+02;
	s21 =	sadd.f32 $-1.000000000e+00, s22;
	(v2sf) =	vpush v0, $0x0  }
0x18b: {  	s22 =	sadd.f32 $4.900000000e+01, s22;
	s20 =	simm.s32 @!p0 $0x0;
	p2 =	sgt.f32 s19, $1.280000000e+02  }
0x18c: {  	s20 =	sadd.s32 s20, s29  }
0x18d: {  	p3 =	sle.f32 s21, $2.560000000e+02;
	p5 =	sgt.f32 s22, $1.280000000e+02;
	p1 =	por !p1, !p2  }
0x18e: {  	s21 =	simm.s32 $0x1;
	p1 =	por !p1, !p1;
	s19 =	spop (v2sf)  }
0x18f: {  	p2 =	por !p3, !p5;
	s21 =	simm.s32 @!p1 $0x0;
	s0 =	sadd.f32 $4.900000000e+01, s19  }
0x190: {  	p2 =	por !p2, !p2;
	s22 =	sadd.f32 $-1.000000000e+00, s19;
	s19 =	simm.s32 $0x1  }
0x191: {  	(v2sf) =	vpush v62, $0x0;
	s19 =	simm.s32 @!p2 $0x0;
	p4 =	sgt.f32 s0, $1.280000000e+02;
	s0 =	sadd.s32 s21, s20  }
0x192: {  	[smem:s30+$0x64] =	sst @p0 s18;
	s18 =	sadd.s32 s19, s0;
	s19 =	simm.s32 $0x5F40  }
0x193: {  	s21 =	simm.s32 $0x5F50;
	v63 =	vld [tilespmem:s19+$0x0]  }
0x194: {  	v1 =	vld [tilespmem:s21+$0x0];
	_ =	sdelay $0x3  }
0x195: {  	[smem:s20+$0x64] =	sst @p1 s28;
	p6 =	sle.f32 s22, $2.560000000e+02;
	(v2sf) =	vpush v63, $0x0  }
0x196: {  	s31 =	simm.s32 $0x4;
	[smem:s0+$0x64] =	sst @p2 s26;
	s20 =	spop (v2sf);
	(v2sf) =	vpush v1, $0x0  }
0x197: {  	s30 =	simm.s32 $0x0;
	s29 =	simm.s32 $0x0;
	s22 =	sadd.f32 $-1.000000000e+00, s20  }
0x198: {  	s28 =	simm.s32 $0x1;
	p4 =	por !p6, !p4;
	s26 =	sadd.f32 $4.900000000e+01, s20  }
0x199: {  	s0 =	simm.s32 $0x1;
	s19 =	simm.s32 $0x5F60;
	p0 =	por !p4, !p4  }
0x19a: {  	s0 =	simm.s32 @!p0 $0x0;
	p5 =	sle.f32 s22, $2.560000000e+02;
	p6 =	sgt.f32 s26, $1.280000000e+02  }
0x19b: {  	[smem:s18+$0x64] =	sst @p0 s1;
	s1 =	simm.s32 $0x3;
	s0 =	sadd.s32 s0, s18  }
0x19c: {  	s18 =	simm.s32 $0x0;
	[smem:$0x502] =	sst s0;
	p0 =	por !p5, !p6  }
0x19d: {  	s20 =	spop (v2sf);
	s26 =	simm.s32 $0x2;
	p0 =	por !p0, !p0  }
.LBB2_22:
0x19e: {  	s0 =	sadd.f32 $-1.000000000e+00, s20;
	s21 =	simm.s32 $0x1  }
0x19f: {  	v0 =	vld [tilespmem:s19+$0x0];
	s22 =	smov.u32 s31;
	s31 =	sadd.s32 $0x1, s31;
	s21 =	simm.s32 @!p0 $0x0  }
0x1a0: {  	s20 =	sadd.f32 $4.900000000e+01, s20;
	p1 =	sne.s32 s31, $0x32;
	s29 =	sadd.s32 s21, s29  }
.Ltmp10:
0x1a1: {  	[smem:s30+$0x190] =	sst @p0 s18;
	(pc) =	sbr.rel @p1 .LBB2_22-.Ltmp10, $4  }
0x1a2: {  	p2 =	sgt.f32 s20, $1.280000000e+02;
	p0 =	sle.f32 s0, $2.560000000e+02;
	s18 =	smov.u32 s28  }
0x1a3: {  	s28 =	smov.u32 s26;
	s26 =	smov.u32 s1;
	s1 =	smov.u32 s22  }
0x1a4: {  	s30 =	smov.u32 s29;
	p0 =	por !p0, !p2;
	(v2sf) =	vpush v0, $0x0  }
0x1a5: {  	s19 =	sadd.s32 $0x10, s19;
	p0 =	por !p0, !p0;
	s20 =	spop (v2sf)  }
0x1a6: {  	_ =	sdelay $0x2  }
0x1a7: {  	s0 =	simm.s32 $0x6240  }
0x1a8: {  	v0 =	vld [tilespmem:s0+$0x0];
	_ =	sdelay $0x2  }
0x1a9: {  	s19 =	simm.s32 $0x6250;
	s21 =	sadd.f32 $-1.000000000e+00, s20  }
0x1aa: {  	s22 =	spop (v2sf);
	v62 =	vld [tilespmem:s19+$0x0];
	s19 =	sadd.f32 $4.900000000e+01, s20  }
0x1ab: {  	s20 =	simm.s32 $0x1;
	p1 =	sle.f32 s21, $2.560000000e+02;
	s21 =	sadd.f32 $-1.000000000e+00, s22;
	(v2sf) =	vpush v0, $0x0  }
0x1ac: {  	s22 =	sadd.f32 $4.900000000e+01, s22;
	s20 =	simm.s32 @!p0 $0x0;
	p2 =	sgt.f32 s19, $1.280000000e+02  }
0x1ad: {  	s20 =	sadd.s32 s20, s29  }
0x1ae: {  	p3 =	sle.f32 s21, $2.560000000e+02;
	p5 =	sgt.f32 s22, $1.280000000e+02;
	p1 =	por !p1, !p2  }
0x1af: {  	s21 =	simm.s32 $0x1;
	p1 =	por !p1, !p1;
	s19 =	spop (v2sf)  }
0x1b0: {  	p2 =	por !p3, !p5;
	s21 =	simm.s32 @!p1 $0x0;
	s0 =	sadd.f32 $4.900000000e+01, s19  }
0x1b1: {  	p2 =	por !p2, !p2;
	s22 =	sadd.f32 $-1.000000000e+00, s19;
	s19 =	simm.s32 $0x1  }
0x1b2: {  	(v2sf) =	vpush v62, $0x0;
	s19 =	simm.s32 @!p2 $0x0;
	p4 =	sgt.f32 s0, $1.280000000e+02;
	s0 =	sadd.s32 s21, s20  }
0x1b3: {  	[smem:s30+$0x190] =	sst @p0 s18;
	s18 =	sadd.s32 s19, s0;
	s19 =	simm.s32 $0x6260  }
0x1b4: {  	s21 =	simm.s32 $0x6270;
	v63 =	vld [tilespmem:s19+$0x0]  }
0x1b5: {  	v1 =	vld [tilespmem:s21+$0x0];
	_ =	sdelay $0x3  }
0x1b6: {  	[smem:s20+$0x190] =	sst @p1 s28;
	p6 =	sle.f32 s22, $2.560000000e+02;
	(v2sf) =	vpush v63, $0x0  }
0x1b7: {  	s31 =	simm.s32 $0x4;
	[smem:s0+$0x190] =	sst @p2 s26;
	s20 =	spop (v2sf);
	(v2sf) =	vpush v1, $0x0  }
0x1b8: {  	s30 =	simm.s32 $0x0;
	s29 =	simm.s32 $0x0;
	s22 =	sadd.f32 $-1.000000000e+00, s20  }
0x1b9: {  	s28 =	simm.s32 $0x1;
	p4 =	por !p6, !p4;
	s26 =	sadd.f32 $4.900000000e+01, s20  }
0x1ba: {  	s0 =	simm.s32 $0x1;
	s19 =	simm.s32 $0x6280;
	p0 =	por !p4, !p4  }
0x1bb: {  	s0 =	simm.s32 @!p0 $0x0;
	p5 =	sle.f32 s22, $2.560000000e+02;
	p6 =	sgt.f32 s26, $1.280000000e+02  }
0x1bc: {  	[smem:s18+$0x190] =	sst @p0 s1;
	s1 =	simm.s32 $0x3;
	s0 =	sadd.s32 s0, s18  }
0x1bd: {  	s18 =	simm.s32 $0x0;
	[smem:$0x508] =	sst s0;
	p0 =	por !p5, !p6  }
0x1be: {  	s20 =	spop (v2sf);
	s26 =	simm.s32 $0x2;
	p0 =	por !p0, !p0  }
.LBB2_24:
0x1bf: {  	s0 =	sadd.f32 $-1.000000000e+00, s20;
	s21 =	simm.s32 $0x1  }
0x1c0: {  	v0 =	vld [tilespmem:s19+$0x0];
	s22 =	smov.u32 s31;
	s31 =	sadd.s32 $0x1, s31;
	s21 =	simm.s32 @!p0 $0x0  }
0x1c1: {  	s20 =	sadd.f32 $4.900000000e+01, s20;
	p1 =	sne.s32 s31, $0x32;
	s29 =	sadd.s32 s21, s29  }
.Ltmp11:
0x1c2: {  	[smem:s30+$0x2BC] =	sst @p0 s18;
	(pc) =	sbr.rel @p1 .LBB2_24-.Ltmp11, $4  }
0x1c3: {  	p2 =	sgt.f32 s20, $1.280000000e+02;
	p0 =	sle.f32 s0, $2.560000000e+02;
	s18 =	smov.u32 s28  }
0x1c4: {  	s28 =	smov.u32 s26;
	s26 =	smov.u32 s1;
	s1 =	smov.u32 s22  }
0x1c5: {  	s30 =	smov.u32 s29;
	p0 =	por !p0, !p2;
	(v2sf) =	vpush v0, $0x0  }
0x1c6: {  	s19 =	sadd.s32 $0x10, s19;
	p0 =	por !p0, !p0;
	s20 =	spop (v2sf)  }
0x1c7: {  	_ =	sdelay $0x2  }
0x1c8: {  	s0 =	simm.s32 $0x6560  }
0x1c9: {  	v0 =	vld [tilespmem:s0+$0x0];
	_ =	sdelay $0x2  }
0x1ca: {  	s19 =	simm.s32 $0x6570;
	s21 =	sadd.f32 $-1.000000000e+00, s20  }
0x1cb: {  	s22 =	spop (v2sf);
	v62 =	vld [tilespmem:s19+$0x0];
	s19 =	sadd.f32 $4.900000000e+01, s20  }
0x1cc: {  	s20 =	simm.s32 $0x1;
	p1 =	sle.f32 s21, $2.560000000e+02;
	s21 =	sadd.f32 $-1.000000000e+00, s22;
	(v2sf) =	vpush v0, $0x0  }
0x1cd: {  	s22 =	sadd.f32 $4.900000000e+01, s22;
	s20 =	simm.s32 @!p0 $0x0;
	p2 =	sgt.f32 s19, $1.280000000e+02  }
0x1ce: {  	s20 =	sadd.s32 s20, s29  }
0x1cf: {  	p3 =	sle.f32 s21, $2.560000000e+02;
	p5 =	sgt.f32 s22, $1.280000000e+02;
	p1 =	por !p1, !p2  }
0x1d0: {  	s21 =	simm.s32 $0x1;
	p1 =	por !p1, !p1;
	s19 =	spop (v2sf)  }
0x1d1: {  	p2 =	por !p3, !p5;
	s21 =	simm.s32 @!p1 $0x0;
	s0 =	sadd.f32 $4.900000000e+01, s19  }
0x1d2: {  	p2 =	por !p2, !p2;
	s22 =	sadd.f32 $-1.000000000e+00, s19;
	s19 =	simm.s32 $0x1  }
0x1d3: {  	(v2sf) =	vpush v62, $0x0;
	s19 =	simm.s32 @!p2 $0x0;
	p4 =	sgt.f32 s0, $1.280000000e+02;
	s0 =	sadd.s32 s21, s20  }
0x1d4: {  	[smem:s30+$0x2BC] =	sst @p0 s18;
	s18 =	sadd.s32 s19, s0;
	s19 =	simm.s32 $0x6580  }
0x1d5: {  	s21 =	simm.s32 $0x6590;
	v63 =	vld [tilespmem:s19+$0x0]  }
0x1d6: {  	v1 =	vld [tilespmem:s21+$0x0];
	_ =	sdelay $0x3  }
0x1d7: {  	[smem:s20+$0x2BC] =	sst @p1 s28;
	p6 =	sle.f32 s22, $2.560000000e+02;
	(v2sf) =	vpush v63, $0x0  }
0x1d8: {  	s31 =	simm.s32 $0x4;
	[smem:s0+$0x2BC] =	sst @p2 s26;
	s20 =	spop (v2sf);
	(v2sf) =	vpush v1, $0x0  }
0x1d9: {  	s30 =	simm.s32 $0x0;
	s29 =	simm.s32 $0x0;
	s22 =	sadd.f32 $-1.000000000e+00, s20  }
0x1da: {  	s28 =	simm.s32 $0x1;
	p4 =	por !p6, !p4;
	s26 =	sadd.f32 $4.900000000e+01, s20  }
0x1db: {  	s0 =	simm.s32 $0x1;
	s19 =	simm.s32 $0x65A0;
	p0 =	por !p4, !p4  }
0x1dc: {  	s0 =	simm.s32 @!p0 $0x0;
	p5 =	sle.f32 s22, $2.560000000e+02;
	p6 =	sgt.f32 s26, $1.280000000e+02  }
0x1dd: {  	[smem:s18+$0x2BC] =	sst @p0 s1;
	s1 =	simm.s32 $0x3;
	s0 =	sadd.s32 s0, s18  }
0x1de: {  	s18 =	simm.s32 $0x0;
	[smem:$0x50E] =	sst s0;
	p0 =	por !p5, !p6  }
0x1df: {  	s20 =	spop (v2sf);
	s26 =	simm.s32 $0x2;
	p0 =	por !p0, !p0  }
.LBB2_26:
0x1e0: {  	s0 =	sadd.f32 $-1.000000000e+00, s20;
	s21 =	simm.s32 $0x1  }
0x1e1: {  	v0 =	vld [tilespmem:s19+$0x0];
	s22 =	smov.u32 s31;
	s31 =	sadd.s32 $0x1, s31;
	s21 =	simm.s32 @!p0 $0x0  }
0x1e2: {  	s20 =	sadd.f32 $4.900000000e+01, s20;
	p1 =	sne.s32 s31, $0x32;
	s29 =	sadd.s32 s21, s29  }
.Ltmp12:
0x1e3: {  	[smem:s30+$0x3E8] =	sst @p0 s18;
	(pc) =	sbr.rel @p1 .LBB2_26-.Ltmp12, $4  }
0x1e4: {  	p2 =	sgt.f32 s20, $1.280000000e+02;
	p0 =	sle.f32 s0, $2.560000000e+02;
	s18 =	smov.u32 s28  }
0x1e5: {  	s28 =	smov.u32 s26;
	s26 =	smov.u32 s1;
	s1 =	smov.u32 s22  }
0x1e6: {  	s30 =	smov.u32 s29;
	p0 =	por !p0, !p2;
	(v2sf) =	vpush v0, $0x0  }
0x1e7: {  	s19 =	sadd.s32 $0x10, s19;
	p0 =	por !p0, !p0;
	s20 =	spop (v2sf)  }
0x1e8: {  	_ =	sdelay $0x2  }
0x1e9: {  	s0 =	simm.s32 $0x5C00  }
0x1ea: {  	v0 =	vld [tilespmem:s0+$0x0];
	_ =	sdelay $0x2  }
0x1eb: {  	s19 =	simm.s32 $0x5C10;
	s21 =	sadd.f32 $-1.000000000e+00, s20  }
0x1ec: {  	s22 =	spop (v2sf);
	v62 =	vld [tilespmem:s19+$0x0];
	s19 =	sadd.f32 $4.900000000e+01, s20  }
0x1ed: {  	s20 =	simm.s32 $0x1;
	p1 =	sle.f32 s21, $2.560000000e+02;
	s21 =	sadd.f32 $-1.000000000e+00, s22;
	(v2sf) =	vpush v0, $0x0  }
0x1ee: {  	s22 =	sadd.f32 $4.900000000e+01, s22;
	s20 =	simm.s32 @!p0 $0x0;
	p2 =	sgt.f32 s19, $1.280000000e+02  }
0x1ef: {  	s20 =	sadd.s32 s20, s29  }
0x1f0: {  	p3 =	sle.f32 s21, $2.560000000e+02;
	p5 =	sgt.f32 s22, $1.280000000e+02;
	p1 =	por !p1, !p2  }
0x1f1: {  	s21 =	simm.s32 $0x1;
	p1 =	por !p1, !p1;
	s19 =	spop (v2sf)  }
0x1f2: {  	p2 =	por !p3, !p5;
	s21 =	simm.s32 @!p1 $0x0;
	s0 =	sadd.f32 $4.900000000e+01, s19  }
0x1f3: {  	p2 =	por !p2, !p2;
	s22 =	sadd.f32 $-1.000000000e+00, s19;
	s19 =	simm.s32 $0x1  }
0x1f4: {  	(v2sf) =	vpush v62, $0x0;
	s19 =	simm.s32 @!p2 $0x0;
	p4 =	sgt.f32 s0, $1.280000000e+02;
	s0 =	sadd.s32 s21, s20  }
0x1f5: {  	[smem:s30+$0x3E8] =	sst @p0 s18;
	s18 =	sadd.s32 s19, s0;
	s19 =	simm.s32 $0x5C20  }
0x1f6: {  	s21 =	simm.s32 $0x5C30;
	v63 =	vld [tilespmem:s19+$0x0]  }
0x1f7: {  	v1 =	vld [tilespmem:s21+$0x0];
	_ =	sdelay $0x3  }
0x1f8: {  	[smem:s20+$0x3E8] =	sst @p1 s28;
	p6 =	sle.f32 s22, $2.560000000e+02;
	(v2sf) =	vpush v63, $0x0  }
0x1f9: {  	s31 =	simm.s32 $0x4;
	[smem:s0+$0x3E8] =	sst @p2 s26;
	s20 =	spop (v2sf);
	(v2sf) =	vpush v1, $0x0  }
0x1fa: {  	s30 =	simm.s32 $0x0;
	s29 =	simm.s32 $0x0;
	s22 =	sadd.f32 $-1.000000000e+00, s20  }
0x1fb: {  	s28 =	simm.s32 $0x1;
	p4 =	por !p6, !p4;
	s26 =	sadd.f32 $9.700000000e+01, s20  }
0x1fc: {  	s0 =	simm.s32 $0x1;
	s19 =	simm.s32 $0x5C40;
	p0 =	por !p4, !p4  }
0x1fd: {  	s0 =	simm.s32 @!p0 $0x0;
	p5 =	sle.f32 s22, $5.120000000e+02;
	p6 =	sgt.f32 s26, $2.560000000e+02  }
0x1fe: {  	[smem:s18+$0x3E8] =	sst @p0 s1;
	s1 =	simm.s32 $0x3;
	s0 =	sadd.s32 s0, s18  }
0x1ff: {  	s18 =	simm.s32 $0x0;
	[smem:$0x514] =	sst s0;
	p0 =	por !p5, !p6  }
0x200: {  	s20 =	spop (v2sf);
	s26 =	simm.s32 $0x2;
	p0 =	por !p0, !p0  }
.LBB2_28:
0x201: {  	s0 =	sadd.f32 $-1.000000000e+00, s20;
	s21 =	simm.s32 $0x1  }
0x202: {  	v0 =	vld [tilespmem:s19+$0x0];
	s22 =	smov.u32 s31;
	s31 =	sadd.s32 $0x1, s31;
	s21 =	simm.s32 @!p0 $0x0  }
0x203: {  	s20 =	sadd.f32 $9.700000000e+01, s20;
	p1 =	sne.s32 s31, $0x32;
	s29 =	sadd.s32 s21, s29  }
.Ltmp13:
0x204: {  	[smem:s30+$0x96] =	sst @p0 s18;
	(pc) =	sbr.rel @p1 .LBB2_28-.Ltmp13, $4  }
0x205: {  	p2 =	sgt.f32 s20, $2.560000000e+02;
	p0 =	sle.f32 s0, $5.120000000e+02;
	s18 =	smov.u32 s28  }
0x206: {  	s28 =	smov.u32 s26;
	s26 =	smov.u32 s1;
	s1 =	smov.u32 s22  }
0x207: {  	s30 =	smov.u32 s29;
	p0 =	por !p0, !p2;
	(v2sf) =	vpush v0, $0x0  }
0x208: {  	s19 =	sadd.s32 $0x10, s19;
	p0 =	por !p0, !p0;
	s20 =	spop (v2sf)  }
0x209: {  	_ =	sdelay $0x2  }
0x20a: {  	s0 =	simm.s32 $0x5F20  }
0x20b: {  	v0 =	vld [tilespmem:s0+$0x0];
	_ =	sdelay $0x2  }
0x20c: {  	s19 =	simm.s32 $0x5F30;
	s21 =	sadd.f32 $-1.000000000e+00, s20  }
0x20d: {  	s22 =	spop (v2sf);
	v62 =	vld [tilespmem:s19+$0x0];
	s19 =	sadd.f32 $9.700000000e+01, s20  }
0x20e: {  	s20 =	simm.s32 $0x1;
	p1 =	sle.f32 s21, $5.120000000e+02;
	s21 =	sadd.f32 $-1.000000000e+00, s22;
	(v2sf) =	vpush v0, $0x0  }
0x20f: {  	s22 =	sadd.f32 $9.700000000e+01, s22;
	s20 =	simm.s32 @!p0 $0x0;
	p2 =	sgt.f32 s19, $2.560000000e+02  }
0x210: {  	s20 =	sadd.s32 s20, s29  }
0x211: {  	p3 =	sle.f32 s21, $5.120000000e+02;
	p5 =	sgt.f32 s22, $2.560000000e+02;
	p1 =	por !p1, !p2  }
0x212: {  	s21 =	simm.s32 $0x1;
	p1 =	por !p1, !p1;
	s19 =	spop (v2sf)  }
0x213: {  	p2 =	por !p3, !p5;
	s21 =	simm.s32 @!p1 $0x0;
	s0 =	sadd.f32 $9.700000000e+01, s19  }
0x214: {  	p2 =	por !p2, !p2;
	s22 =	sadd.f32 $-1.000000000e+00, s19;
	s19 =	simm.s32 $0x1  }
0x215: {  	(v2sf) =	vpush v62, $0x0;
	s19 =	simm.s32 @!p2 $0x0;
	p4 =	sgt.f32 s0, $2.560000000e+02;
	s0 =	sadd.s32 s21, s20  }
0x216: {  	[smem:s30+$0x96] =	sst @p0 s18;
	s18 =	sadd.s32 s19, s0;
	s19 =	simm.s32 $0x5F40  }
0x217: {  	s21 =	simm.s32 $0x5F50;
	v63 =	vld [tilespmem:s19+$0x0]  }
0x218: {  	v1 =	vld [tilespmem:s21+$0x0];
	_ =	sdelay $0x3  }
0x219: {  	[smem:s20+$0x96] =	sst @p1 s28;
	p6 =	sle.f32 s22, $5.120000000e+02;
	(v2sf) =	vpush v63, $0x0  }
0x21a: {  	s31 =	simm.s32 $0x4;
	[smem:s0+$0x96] =	sst @p2 s26;
	s20 =	spop (v2sf);
	(v2sf) =	vpush v1, $0x0  }
0x21b: {  	s30 =	simm.s32 $0x0;
	s29 =	simm.s32 $0x0;
	s22 =	sadd.f32 $-1.000000000e+00, s20  }
0x21c: {  	s28 =	simm.s32 $0x1;
	p4 =	por !p6, !p4;
	s26 =	sadd.f32 $9.700000000e+01, s20  }
0x21d: {  	s0 =	simm.s32 $0x1;
	s19 =	simm.s32 $0x5F60;
	p0 =	por !p4, !p4  }
0x21e: {  	s0 =	simm.s32 @!p0 $0x0;
	p5 =	sle.f32 s22, $5.120000000e+02;
	p6 =	sgt.f32 s26, $2.560000000e+02  }
0x21f: {  	[smem:s18+$0x96] =	sst @p0 s1;
	s1 =	simm.s32 $0x3;
	s0 =	sadd.s32 s0, s18  }
0x220: {  	s18 =	simm.s32 $0x0;
	[smem:$0x503] =	sst s0;
	p0 =	por !p5, !p6  }
0x221: {  	s20 =	spop (v2sf);
	s26 =	simm.s32 $0x2;
	p0 =	por !p0, !p0  }
.LBB2_30:
0x222: {  	s0 =	sadd.f32 $-1.000000000e+00, s20;
	s21 =	simm.s32 $0x1  }
0x223: {  	v0 =	vld [tilespmem:s19+$0x0];
	s22 =	smov.u32 s31;
	s31 =	sadd.s32 $0x1, s31;
	s21 =	simm.s32 @!p0 $0x0  }
0x224: {  	s20 =	sadd.f32 $9.700000000e+01, s20;
	p1 =	sne.s32 s31, $0x32;
	s29 =	sadd.s32 s21, s29  }
.Ltmp14:
0x225: {  	[smem:s30+$0x1C2] =	sst @p0 s18;
	(pc) =	sbr.rel @p1 .LBB2_30-.Ltmp14, $4  }
0x226: {  	p2 =	sgt.f32 s20, $2.560000000e+02;
	p0 =	sle.f32 s0, $5.120000000e+02;
	s18 =	smov.u32 s28  }
0x227: {  	s28 =	smov.u32 s26;
	s26 =	smov.u32 s1;
	s1 =	smov.u32 s22  }
0x228: {  	s30 =	smov.u32 s29;
	p0 =	por !p0, !p2;
	(v2sf) =	vpush v0, $0x0  }
0x229: {  	s19 =	sadd.s32 $0x10, s19;
	p0 =	por !p0, !p0;
	s20 =	spop (v2sf)  }
0x22a: {  	_ =	sdelay $0x2  }
0x22b: {  	s0 =	simm.s32 $0x6240  }
0x22c: {  	v0 =	vld [tilespmem:s0+$0x0];
	_ =	sdelay $0x2  }
0x22d: {  	s19 =	simm.s32 $0x6250;
	s21 =	sadd.f32 $-1.000000000e+00, s20  }
0x22e: {  	s22 =	spop (v2sf);
	v62 =	vld [tilespmem:s19+$0x0];
	s19 =	sadd.f32 $9.700000000e+01, s20  }
0x22f: {  	s20 =	simm.s32 $0x1;
	p1 =	sle.f32 s21, $5.120000000e+02;
	s21 =	sadd.f32 $-1.000000000e+00, s22;
	(v2sf) =	vpush v0, $0x0  }
0x230: {  	s22 =	sadd.f32 $9.700000000e+01, s22;
	s20 =	simm.s32 @!p0 $0x0;
	p2 =	sgt.f32 s19, $2.560000000e+02  }
0x231: {  	s20 =	sadd.s32 s20, s29  }
0x232: {  	p3 =	sle.f32 s21, $5.120000000e+02;
	p5 =	sgt.f32 s22, $2.560000000e+02;
	p1 =	por !p1, !p2  }
0x233: {  	s21 =	simm.s32 $0x1;
	p1 =	por !p1, !p1;
	s19 =	spop (v2sf)  }
0x234: {  	p2 =	por !p3, !p5;
	s21 =	simm.s32 @!p1 $0x0;
	s0 =	sadd.f32 $9.700000000e+01, s19  }
0x235: {  	p2 =	por !p2, !p2;
	s22 =	sadd.f32 $-1.000000000e+00, s19;
	s19 =	simm.s32 $0x1  }
0x236: {  	(v2sf) =	vpush v62, $0x0;
	s19 =	simm.s32 @!p2 $0x0;
	p4 =	sgt.f32 s0, $2.560000000e+02;
	s0 =	sadd.s32 s21, s20  }
0x237: {  	[smem:s30+$0x1C2] =	sst @p0 s18;
	s18 =	sadd.s32 s19, s0;
	s19 =	simm.s32 $0x6260  }
0x238: {  	s21 =	simm.s32 $0x6270;
	v63 =	vld [tilespmem:s19+$0x0]  }
0x239: {  	v1 =	vld [tilespmem:s21+$0x0];
	_ =	sdelay $0x3  }
0x23a: {  	[smem:s20+$0x1C2] =	sst @p1 s28;
	p6 =	sle.f32 s22, $5.120000000e+02;
	(v2sf) =	vpush v63, $0x0  }
0x23b: {  	s31 =	simm.s32 $0x4;
	[smem:s0+$0x1C2] =	sst @p2 s26;
	s20 =	spop (v2sf);
	(v2sf) =	vpush v1, $0x0  }
0x23c: {  	s30 =	simm.s32 $0x0;
	s29 =	simm.s32 $0x0;
	s22 =	sadd.f32 $-1.000000000e+00, s20  }
0x23d: {  	s28 =	simm.s32 $0x1;
	p4 =	por !p6, !p4;
	s26 =	sadd.f32 $9.700000000e+01, s20  }
0x23e: {  	s0 =	simm.s32 $0x1;
	s19 =	simm.s32 $0x6280;
	p0 =	por !p4, !p4  }
0x23f: {  	s0 =	simm.s32 @!p0 $0x0;
	p5 =	sle.f32 s22, $5.120000000e+02;
	p6 =	sgt.f32 s26, $2.560000000e+02  }
0x240: {  	[smem:s18+$0x1C2] =	sst @p0 s1;
	s1 =	simm.s32 $0x3;
	s0 =	sadd.s32 s0, s18  }
0x241: {  	s18 =	simm.s32 $0x0;
	[smem:$0x509] =	sst s0;
	p0 =	por !p5, !p6  }
0x242: {  	s20 =	spop (v2sf);
	s26 =	simm.s32 $0x2;
	p0 =	por !p0, !p0  }
.LBB2_32:
0x243: {  	s0 =	sadd.f32 $-1.000000000e+00, s20;
	s21 =	simm.s32 $0x1  }
0x244: {  	v0 =	vld [tilespmem:s19+$0x0];
	s22 =	smov.u32 s31;
	s31 =	sadd.s32 $0x1, s31;
	s21 =	simm.s32 @!p0 $0x0  }
0x245: {  	s20 =	sadd.f32 $9.700000000e+01, s20;
	p1 =	sne.s32 s31, $0x32;
	s29 =	sadd.s32 s21, s29  }
.Ltmp15:
0x246: {  	[smem:s30+$0x2EE] =	sst @p0 s18;
	(pc) =	sbr.rel @p1 .LBB2_32-.Ltmp15, $4  }
0x247: {  	p2 =	sgt.f32 s20, $2.560000000e+02;
	p0 =	sle.f32 s0, $5.120000000e+02;
	s18 =	smov.u32 s28  }
0x248: {  	s28 =	smov.u32 s26;
	s26 =	smov.u32 s1;
	s1 =	smov.u32 s22  }
0x249: {  	s30 =	smov.u32 s29;
	p0 =	por !p0, !p2;
	(v2sf) =	vpush v0, $0x0  }
0x24a: {  	s19 =	sadd.s32 $0x10, s19;
	p0 =	por !p0, !p0;
	s20 =	spop (v2sf)  }
0x24b: {  	_ =	sdelay $0x2  }
0x24c: {  	s0 =	simm.s32 $0x6560  }
0x24d: {  	v0 =	vld [tilespmem:s0+$0x0];
	_ =	sdelay $0x2  }
0x24e: {  	s19 =	simm.s32 $0x6570;
	s21 =	sadd.f32 $-1.000000000e+00, s20  }
0x24f: {  	s22 =	spop (v2sf);
	v62 =	vld [tilespmem:s19+$0x0];
	s19 =	sadd.f32 $9.700000000e+01, s20  }
0x250: {  	s20 =	simm.s32 $0x1;
	p1 =	sle.f32 s21, $5.120000000e+02;
	s21 =	sadd.f32 $-1.000000000e+00, s22;
	(v2sf) =	vpush v0, $0x0  }
0x251: {  	s22 =	sadd.f32 $9.700000000e+01, s22;
	s20 =	simm.s32 @!p0 $0x0;
	p2 =	sgt.f32 s19, $2.560000000e+02  }
0x252: {  	s20 =	sadd.s32 s20, s29  }
0x253: {  	p3 =	sle.f32 s21, $5.120000000e+02;
	p5 =	sgt.f32 s22, $2.560000000e+02;
	p1 =	por !p1, !p2  }
0x254: {  	s21 =	simm.s32 $0x1;
	p1 =	por !p1, !p1;
	s19 =	spop (v2sf)  }
0x255: {  	p2 =	por !p3, !p5;
	s21 =	simm.s32 @!p1 $0x0;
	s0 =	sadd.f32 $9.700000000e+01, s19  }
0x256: {  	p2 =	por !p2, !p2;
	s22 =	sadd.f32 $-1.000000000e+00, s19;
	s19 =	simm.s32 $0x1  }
0x257: {  	(v2sf) =	vpush v62, $0x0;
	s19 =	simm.s32 @!p2 $0x0;
	p4 =	sgt.f32 s0, $2.560000000e+02;
	s0 =	sadd.s32 s21, s20  }
0x258: {  	[smem:s30+$0x2EE] =	sst @p0 s18;
	s18 =	sadd.s32 s19, s0;
	s19 =	simm.s32 $0x6580  }
0x259: {  	s21 =	simm.s32 $0x6590;
	v63 =	vld [tilespmem:s19+$0x0]  }
0x25a: {  	v1 =	vld [tilespmem:s21+$0x0];
	_ =	sdelay $0x3  }
0x25b: {  	[smem:s20+$0x2EE] =	sst @p1 s28;
	p6 =	sle.f32 s22, $5.120000000e+02;
	(v2sf) =	vpush v63, $0x0  }
0x25c: {  	s31 =	simm.s32 $0x4;
	[smem:s0+$0x2EE] =	sst @p2 s26;
	s20 =	spop (v2sf);
	(v2sf) =	vpush v1, $0x0  }
0x25d: {  	s30 =	simm.s32 $0x0;
	s29 =	simm.s32 $0x0;
	s22 =	sadd.f32 $-1.000000000e+00, s20  }
0x25e: {  	s28 =	simm.s32 $0x0;
	p4 =	por !p6, !p4;
	s26 =	sadd.f32 $9.700000000e+01, s20  }
0x25f: {  	s0 =	simm.s32 $0x1;
	s19 =	simm.s32 $0x65A0;
	p0 =	por !p4, !p4  }
0x260: {  	s0 =	simm.s32 @!p0 $0x0;
	p5 =	sle.f32 s22, $5.120000000e+02;
	p6 =	sgt.f32 s26, $2.560000000e+02  }
0x261: {  	[smem:s18+$0x2EE] =	sst @p0 s1;
	s1 =	simm.s32 $0x3;
	s0 =	sadd.s32 s0, s18  }
0x262: {  	s18 =	simm.s32 $0x1;
	[smem:$0x50F] =	sst s0;
	p0 =	por !p5, !p6  }
0x263: {  	s20 =	spop (v2sf);
	s26 =	simm.s32 $0x2;
	p0 =	por !p0, !p0  }
.LBB2_34:
0x264: {  	s0 =	sadd.f32 $-1.000000000e+00, s20;
	s21 =	simm.s32 $0x1  }
0x265: {  	v0 =	vld [tilespmem:s19+$0x0];
	s22 =	smov.u32 s31;
	s31 =	sadd.s32 $0x1, s31;
	s21 =	simm.s32 @!p0 $0x0  }
0x266: {  	s20 =	sadd.f32 $9.700000000e+01, s20;
	p1 =	sne.s32 s31, $0x32;
	s28 =	sadd.s32 s21, s28  }
.Ltmp16:
0x267: {  	[smem:s30+$0x41A] =	sst @p0 s29;
	(pc) =	sbr.rel @p1 .LBB2_34-.Ltmp16, $4  }
0x268: {  	p2 =	sgt.f32 s20, $2.560000000e+02;
	p0 =	sle.f32 s0, $5.120000000e+02;
	s29 =	smov.u32 s18  }
0x269: {  	s18 =	smov.u32 s26;
	s26 =	smov.u32 s1;
	s1 =	smov.u32 s22  }
0x26a: {  	s30 =	smov.u32 s28;
	p0 =	por !p0, !p2;
	(v2sf) =	vpush v0, $0x0  }
0x26b: {  	s19 =	sadd.s32 $0x10, s19;
	p0 =	por !p0, !p0;
	s20 =	spop (v2sf)  }
0x26c: {  	_ =	sdelay $0x4  }
0x26d: {  	s0 =	sadd.f32 $-1.000000000e+00, s20  }
0x26e: {  	s19 =	sadd.f32 $9.700000000e+01, s20  }
0x26f: {  	s21 =	spop (v2sf);
	[smem:s30+$0x41A] =	sst @p0 s29  }
0x270: {  	s22 =	sadd.f32 $-1.000000000e+00, s21  }
0x271: {  	p2 =	sle.f32 s0, $5.120000000e+02;
	p3 =	sgt.f32 s19, $2.560000000e+02  }
0x272: {  	s0 =	sadd.f32 $9.700000000e+01, s21;
	s21 =	simm.s32 $0x1  }
0x273: {  	p1 =	sle.f32 s22, $5.120000000e+02;
	s21 =	simm.s32 @!p0 $0x0;
	p2 =	por !p2, !p3  }
0x274: {  	p6 =	sgt.f32 s0, $2.560000000e+02;
	s19 =	sadd.s32 s21, s28;
	p2 =	por !p2, !p2  }
0x275: {  	[smem:s19+$0x41A] =	sst @p2 s18;
	s31 =	spop (v2sf)  }
0x276: {  	s0 =	simm.s32 $0x1;
	s22 =	sadd.f32 $-1.000000000e+00, s31  }
0x277: {  	s0 =	simm.s32 @!p2 $0x0;
	p3 =	por !p1, !p6;
	s20 =	sadd.f32 $9.700000000e+01, s31  }
0x278: {  	s18 =	simm.s32 $0x1;
	s0 =	sadd.s32 s0, s19;
	s31 =	stileid.u32  }
0x279: {  	p0 =	por !p3, !p3;
	p4 =	sle.f32 s22, $5.120000000e+02;
	p5 =	sgt.f32 s20, $2.560000000e+02  }
0x27a: {  	s18 =	simm.s32 @!p0 $0x0;
	[smem:s0+$0x41A] =	sst @p0 s26;
	p0 =	slt.u32 s31, $0x8  }
.Ltmp17:
0x27b: {  	p6 =	por !p4, !p5;
	(pc) =	sbr.rel @p0 .LBB2_45-.Ltmp17, $4  }
0x27c: {  	s19 =	simm.s32 $0x1;
	p1 =	por !p6, !p6  }
0x27d: {  	s18 =	sadd.s32 s18, s0;
	s19 =	simm.s32 @!p1 $0x0  }
0x27e: {  	[smem:s18+$0x41A] =	sst @p1 s1;
	s30 =	sadd.s32 s19, s18  }
0x27f: {  	[smem:$0x515] =	sst s30  }
0x280: {  	s0 =	simm.s32 $0x5C00  }
0x281: {  	s20 =	simm.s32 $0x5C10;
	v0 =	vld [tilespmem:s0+$0x0]  }
0x282: {  	v62 =	vld [tilespmem:s20+$0x0];
	_ =	sdelay $0x3  }
0x283: {  	(v2sf) =	vpush v0, $0x0  }
0x284: {  	(v2sf) =	vpush v62, $0x0;
	_ =	sdelay $0x7  }
0x285: {  	s21 =	simm.s32 $0x5C20  }
0x286: {  	s22 =	simm.s32 $0x5C30;
	v63 =	vld [tilespmem:s21+$0x0]  }
0x287: {  	v1 =	vld [tilespmem:s22+$0x0];
	_ =	sdelay $0x3  }
0x288: {  	s1 =	spop (v2sf);
	(v2sf) =	vpush v63, $0x0  }
0x289: {  	s20 =	spop (v2sf);
	(v2sf) =	vpush v1, $0x0  }
0x28a: {  	s18 =	sadd.f32 $-1.000000000e+00, s1  }
0x28b: {  	s26 =	sadd.f32 $1.930000000e+02, s1;
	_ =	sdelay $0x1  }
0x28c: {  	s29 =	simm.s32 $0x0;
	p0 =	sle.f32 s18, $9.999990000e+05;
	p1 =	sgt.f32 s26, $5.120000000e+02  }
0x28d: {  	s28 =	simm.s32 $0x1;
	s31 =	simm.s32 $0x4;
	s19 =	simm.s32 $0x5C40  }
0x28e: {  	s30 =	simm.s32 $0x0;
	s1 =	simm.s32 $0x3;
	p0 =	por !p0, !p1  }
0x28f: {  	s26 =	simm.s32 $0x2;
	s18 =	simm.s32 $0x0;
	p0 =	por !p0, !p0  }
.LBB2_37:
0x290: {  	s0 =	sadd.f32 $-1.000000000e+00, s20;
	s21 =	simm.s32 $0x1  }
0x291: {  	v0 =	vld [tilespmem:s19+$0x0];
	s22 =	smov.u32 s31;
	s31 =	sadd.s32 $0x1, s31;
	s21 =	simm.s32 @!p0 $0x0  }
0x292: {  	s20 =	sadd.f32 $1.930000000e+02, s20;
	p1 =	sne.s32 s31, $0x32;
	s29 =	sadd.s32 s21, s29  }
.Ltmp18:
0x293: {  	[smem:s30+$0xC8] =	sst @p0 s18;
	(pc) =	sbr.rel @p1 .LBB2_37-.Ltmp18, $4  }
0x294: {  	p2 =	sgt.f32 s20, $5.120000000e+02;
	p0 =	sle.f32 s0, $9.999990000e+05;
	s18 =	smov.u32 s28  }
0x295: {  	s28 =	smov.u32 s26;
	s26 =	smov.u32 s1;
	s1 =	smov.u32 s22  }
0x296: {  	s30 =	smov.u32 s29;
	p0 =	por !p0, !p2;
	(v2sf) =	vpush v0, $0x0  }
0x297: {  	s19 =	sadd.s32 $0x10, s19;
	p0 =	por !p0, !p0;
	s20 =	spop (v2sf)  }
0x298: {  	_ =	sdelay $0x2  }
0x299: {  	s0 =	simm.s32 $0x5F20  }
0x29a: {  	v0 =	vld [tilespmem:s0+$0x0];
	_ =	sdelay $0x2  }
0x29b: {  	s19 =	simm.s32 $0x5F30;
	s21 =	sadd.f32 $-1.000000000e+00, s20  }
0x29c: {  	s22 =	spop (v2sf);
	v62 =	vld [tilespmem:s19+$0x0];
	s19 =	sadd.f32 $1.930000000e+02, s20  }
0x29d: {  	s20 =	simm.s32 $0x1;
	p1 =	sle.f32 s21, $9.999990000e+05;
	s21 =	sadd.f32 $-1.000000000e+00, s22;
	(v2sf) =	vpush v0, $0x0  }
0x29e: {  	s22 =	sadd.f32 $1.930000000e+02, s22;
	s20 =	simm.s32 @!p0 $0x0;
	p2 =	sgt.f32 s19, $5.120000000e+02  }
0x29f: {  	s20 =	sadd.s32 s20, s29  }
0x2a0: {  	p3 =	sle.f32 s21, $9.999990000e+05;
	p5 =	sgt.f32 s22, $5.120000000e+02;
	p1 =	por !p1, !p2  }
0x2a1: {  	s21 =	simm.s32 $0x1;
	p1 =	por !p1, !p1;
	s19 =	spop (v2sf)  }
0x2a2: {  	p2 =	por !p3, !p5;
	s21 =	simm.s32 @!p1 $0x0;
	s0 =	sadd.f32 $1.930000000e+02, s19  }
0x2a3: {  	p2 =	por !p2, !p2;
	s22 =	sadd.f32 $-1.000000000e+00, s19;
	s19 =	simm.s32 $0x1  }
0x2a4: {  	(v2sf) =	vpush v62, $0x0;
	s19 =	simm.s32 @!p2 $0x0;
	p4 =	sgt.f32 s0, $5.120000000e+02;
	s0 =	sadd.s32 s21, s20  }
0x2a5: {  	[smem:s30+$0xC8] =	sst @p0 s18;
	s18 =	sadd.s32 s19, s0;
	s19 =	simm.s32 $0x5F40  }
0x2a6: {  	s21 =	simm.s32 $0x5F50;
	v63 =	vld [tilespmem:s19+$0x0]  }
0x2a7: {  	v1 =	vld [tilespmem:s21+$0x0];
	_ =	sdelay $0x3  }
0x2a8: {  	[smem:s20+$0xC8] =	sst @p1 s28;
	p6 =	sle.f32 s22, $9.999990000e+05;
	(v2sf) =	vpush v63, $0x0  }
0x2a9: {  	s31 =	simm.s32 $0x4;
	[smem:s0+$0xC8] =	sst @p2 s26;
	s20 =	spop (v2sf);
	(v2sf) =	vpush v1, $0x0  }
0x2aa: {  	s30 =	simm.s32 $0x0;
	s29 =	simm.s32 $0x0;
	s22 =	sadd.f32 $-1.000000000e+00, s20  }
0x2ab: {  	s28 =	simm.s32 $0x1;
	p4 =	por !p6, !p4;
	s26 =	sadd.f32 $1.930000000e+02, s20  }
0x2ac: {  	s0 =	simm.s32 $0x1;
	s19 =	simm.s32 $0x5F60;
	p0 =	por !p4, !p4  }
0x2ad: {  	s0 =	simm.s32 @!p0 $0x0;
	p5 =	sle.f32 s22, $9.999990000e+05;
	p6 =	sgt.f32 s26, $5.120000000e+02  }
0x2ae: {  	[smem:s18+$0xC8] =	sst @p0 s1;
	s1 =	simm.s32 $0x3;
	s0 =	sadd.s32 s0, s18  }
0x2af: {  	s18 =	simm.s32 $0x0;
	[smem:$0x504] =	sst s0;
	p0 =	por !p5, !p6  }
0x2b0: {  	s20 =	spop (v2sf);
	s26 =	simm.s32 $0x2;
	p0 =	por !p0, !p0  }
.LBB2_39:
0x2b1: {  	s0 =	sadd.f32 $-1.000000000e+00, s20;
	s21 =	simm.s32 $0x1  }
0x2b2: {  	v0 =	vld [tilespmem:s19+$0x0];
	s22 =	smov.u32 s31;
	s31 =	sadd.s32 $0x1, s31;
	s21 =	simm.s32 @!p0 $0x0  }
0x2b3: {  	s20 =	sadd.f32 $1.930000000e+02, s20;
	p1 =	sne.s32 s31, $0x32;
	s29 =	sadd.s32 s21, s29  }
.Ltmp19:
0x2b4: {  	[smem:s30+$0x1F4] =	sst @p0 s18;
	(pc) =	sbr.rel @p1 .LBB2_39-.Ltmp19, $4  }
0x2b5: {  	p2 =	sgt.f32 s20, $5.120000000e+02;
	p0 =	sle.f32 s0, $9.999990000e+05;
	s18 =	smov.u32 s28  }
0x2b6: {  	s28 =	smov.u32 s26;
	s26 =	smov.u32 s1;
	s1 =	smov.u32 s22  }
0x2b7: {  	s30 =	smov.u32 s29;
	p0 =	por !p0, !p2;
	(v2sf) =	vpush v0, $0x0  }
0x2b8: {  	s19 =	sadd.s32 $0x10, s19;
	p0 =	por !p0, !p0;
	s20 =	spop (v2sf)  }
0x2b9: {  	_ =	sdelay $0x2  }
0x2ba: {  	s0 =	simm.s32 $0x6240  }
0x2bb: {  	v0 =	vld [tilespmem:s0+$0x0];
	_ =	sdelay $0x2  }
0x2bc: {  	s19 =	simm.s32 $0x6250;
	s21 =	sadd.f32 $-1.000000000e+00, s20  }
0x2bd: {  	s22 =	spop (v2sf);
	v62 =	vld [tilespmem:s19+$0x0];
	s19 =	sadd.f32 $1.930000000e+02, s20  }
0x2be: {  	s20 =	simm.s32 $0x1;
	p1 =	sle.f32 s21, $9.999990000e+05;
	s21 =	sadd.f32 $-1.000000000e+00, s22;
	(v2sf) =	vpush v0, $0x0  }
0x2bf: {  	s22 =	sadd.f32 $1.930000000e+02, s22;
	s20 =	simm.s32 @!p0 $0x0;
	p2 =	sgt.f32 s19, $5.120000000e+02  }
0x2c0: {  	s20 =	sadd.s32 s20, s29  }
0x2c1: {  	p3 =	sle.f32 s21, $9.999990000e+05;
	p5 =	sgt.f32 s22, $5.120000000e+02;
	p1 =	por !p1, !p2  }
0x2c2: {  	s21 =	simm.s32 $0x1;
	p1 =	por !p1, !p1;
	s19 =	spop (v2sf)  }
0x2c3: {  	p2 =	por !p3, !p5;
	s21 =	simm.s32 @!p1 $0x0;
	s0 =	sadd.f32 $1.930000000e+02, s19  }
0x2c4: {  	p2 =	por !p2, !p2;
	s22 =	sadd.f32 $-1.000000000e+00, s19;
	s19 =	simm.s32 $0x1  }
0x2c5: {  	(v2sf) =	vpush v62, $0x0;
	s19 =	simm.s32 @!p2 $0x0;
	p4 =	sgt.f32 s0, $5.120000000e+02;
	s0 =	sadd.s32 s21, s20  }
0x2c6: {  	[smem:s30+$0x1F4] =	sst @p0 s18;
	s18 =	sadd.s32 s19, s0;
	s19 =	simm.s32 $0x6260  }
0x2c7: {  	s21 =	simm.s32 $0x6270;
	v63 =	vld [tilespmem:s19+$0x0]  }
0x2c8: {  	v1 =	vld [tilespmem:s21+$0x0];
	_ =	sdelay $0x3  }
0x2c9: {  	[smem:s20+$0x1F4] =	sst @p1 s28;
	p6 =	sle.f32 s22, $9.999990000e+05;
	(v2sf) =	vpush v63, $0x0  }
0x2ca: {  	s31 =	simm.s32 $0x4;
	[smem:s0+$0x1F4] =	sst @p2 s26;
	s20 =	spop (v2sf);
	(v2sf) =	vpush v1, $0x0  }
0x2cb: {  	s30 =	simm.s32 $0x0;
	s29 =	simm.s32 $0x0;
	s22 =	sadd.f32 $-1.000000000e+00, s20  }
0x2cc: {  	s28 =	simm.s32 $0x1;
	p4 =	por !p6, !p4;
	s26 =	sadd.f32 $1.930000000e+02, s20  }
0x2cd: {  	s0 =	simm.s32 $0x1;
	s19 =	simm.s32 $0x6280;
	p0 =	por !p4, !p4  }
0x2ce: {  	s0 =	simm.s32 @!p0 $0x0;
	p5 =	sle.f32 s22, $9.999990000e+05;
	p6 =	sgt.f32 s26, $5.120000000e+02  }
0x2cf: {  	[smem:s18+$0x1F4] =	sst @p0 s1;
	s1 =	simm.s32 $0x3;
	s0 =	sadd.s32 s0, s18  }
0x2d0: {  	s18 =	simm.s32 $0x0;
	[smem:$0x50A] =	sst s0;
	p0 =	por !p5, !p6  }
0x2d1: {  	s20 =	spop (v2sf);
	s26 =	simm.s32 $0x2;
	p0 =	por !p0, !p0  }
.LBB2_41:
0x2d2: {  	s0 =	sadd.f32 $-1.000000000e+00, s20;
	s21 =	simm.s32 $0x1  }
0x2d3: {  	v0 =	vld [tilespmem:s19+$0x0];
	s22 =	smov.u32 s31;
	s31 =	sadd.s32 $0x1, s31;
	s21 =	simm.s32 @!p0 $0x0  }
0x2d4: {  	s20 =	sadd.f32 $1.930000000e+02, s20;
	p1 =	sne.s32 s31, $0x32;
	s29 =	sadd.s32 s21, s29  }
.Ltmp20:
0x2d5: {  	[smem:s30+$0x320] =	sst @p0 s18;
	(pc) =	sbr.rel @p1 .LBB2_41-.Ltmp20, $4  }
0x2d6: {  	p2 =	sgt.f32 s20, $5.120000000e+02;
	p0 =	sle.f32 s0, $9.999990000e+05;
	s18 =	smov.u32 s28  }
0x2d7: {  	s28 =	smov.u32 s26;
	s26 =	smov.u32 s1;
	s1 =	smov.u32 s22  }
0x2d8: {  	s30 =	smov.u32 s29;
	p0 =	por !p0, !p2;
	(v2sf) =	vpush v0, $0x0  }
0x2d9: {  	s19 =	sadd.s32 $0x10, s19;
	p0 =	por !p0, !p0;
	s20 =	spop (v2sf)  }
0x2da: {  	_ =	sdelay $0x2  }
0x2db: {  	s0 =	simm.s32 $0x6560  }
0x2dc: {  	v0 =	vld [tilespmem:s0+$0x0];
	_ =	sdelay $0x2  }
0x2dd: {  	s19 =	simm.s32 $0x6570;
	s21 =	sadd.f32 $-1.000000000e+00, s20  }
0x2de: {  	s22 =	spop (v2sf);
	v62 =	vld [tilespmem:s19+$0x0];
	s19 =	sadd.f32 $1.930000000e+02, s20  }
0x2df: {  	s20 =	simm.s32 $0x1;
	p1 =	sle.f32 s21, $9.999990000e+05;
	s21 =	sadd.f32 $-1.000000000e+00, s22;
	(v2sf) =	vpush v0, $0x0  }
0x2e0: {  	s22 =	sadd.f32 $1.930000000e+02, s22;
	s20 =	simm.s32 @!p0 $0x0;
	p2 =	sgt.f32 s19, $5.120000000e+02  }
0x2e1: {  	s20 =	sadd.s32 s20, s29  }
0x2e2: {  	p3 =	sle.f32 s21, $9.999990000e+05;
	p5 =	sgt.f32 s22, $5.120000000e+02;
	p1 =	por !p1, !p2  }
0x2e3: {  	s21 =	simm.s32 $0x1;
	p1 =	por !p1, !p1;
	s19 =	spop (v2sf)  }
0x2e4: {  	p2 =	por !p3, !p5;
	s21 =	simm.s32 @!p1 $0x0;
	s0 =	sadd.f32 $1.930000000e+02, s19  }
0x2e5: {  	p2 =	por !p2, !p2;
	s22 =	sadd.f32 $-1.000000000e+00, s19;
	s19 =	simm.s32 $0x1  }
0x2e6: {  	(v2sf) =	vpush v62, $0x0;
	s19 =	simm.s32 @!p2 $0x0;
	p4 =	sgt.f32 s0, $5.120000000e+02;
	s0 =	sadd.s32 s21, s20  }
0x2e7: {  	[smem:s30+$0x320] =	sst @p0 s18;
	s18 =	sadd.s32 s19, s0;
	s19 =	simm.s32 $0x6580  }
0x2e8: {  	s21 =	simm.s32 $0x6590;
	v63 =	vld [tilespmem:s19+$0x0]  }
0x2e9: {  	v1 =	vld [tilespmem:s21+$0x0];
	_ =	sdelay $0x3  }
0x2ea: {  	[smem:s20+$0x320] =	sst @p1 s28;
	p6 =	sle.f32 s22, $9.999990000e+05;
	(v2sf) =	vpush v63, $0x0  }
0x2eb: {  	s31 =	simm.s32 $0x4;
	[smem:s0+$0x320] =	sst @p2 s26;
	s20 =	spop (v2sf);
	(v2sf) =	vpush v1, $0x0  }
0x2ec: {  	s30 =	simm.s32 $0x0;
	s29 =	simm.s32 $0x0;
	s22 =	sadd.f32 $-1.000000000e+00, s20  }
0x2ed: {  	s28 =	simm.s32 $0x0;
	p4 =	por !p6, !p4;
	s26 =	sadd.f32 $1.930000000e+02, s20  }
0x2ee: {  	s0 =	simm.s32 $0x1;
	s19 =	simm.s32 $0x65A0;
	p0 =	por !p4, !p4  }
0x2ef: {  	s0 =	simm.s32 @!p0 $0x0;
	p5 =	sle.f32 s22, $9.999990000e+05;
	p6 =	sgt.f32 s26, $5.120000000e+02  }
0x2f0: {  	[smem:s18+$0x320] =	sst @p0 s1;
	s1 =	simm.s32 $0x3;
	s0 =	sadd.s32 s0, s18  }
0x2f1: {  	s18 =	simm.s32 $0x1;
	[smem:$0x510] =	sst s0;
	p0 =	por !p5, !p6  }
0x2f2: {  	s20 =	spop (v2sf);
	s26 =	simm.s32 $0x2;
	p0 =	por !p0, !p0  }
.LBB2_43:
0x2f3: {  	s0 =	sadd.f32 $-1.000000000e+00, s20;
	s21 =	simm.s32 $0x1  }
0x2f4: {  	v0 =	vld [tilespmem:s19+$0x0];
	s22 =	smov.u32 s31;
	s31 =	sadd.s32 $0x1, s31;
	s21 =	simm.s32 @!p0 $0x0  }
0x2f5: {  	s20 =	sadd.f32 $1.930000000e+02, s20;
	p1 =	sne.s32 s31, $0x32;
	s28 =	sadd.s32 s21, s28  }
.Ltmp21:
0x2f6: {  	[smem:s30+$0x44C] =	sst @p0 s29;
	(pc) =	sbr.rel @p1 .LBB2_43-.Ltmp21, $4  }
0x2f7: {  	p2 =	sgt.f32 s20, $5.120000000e+02;
	p0 =	sle.f32 s0, $9.999990000e+05;
	s29 =	smov.u32 s18  }
0x2f8: {  	s18 =	smov.u32 s26;
	s26 =	smov.u32 s1;
	s1 =	smov.u32 s22  }
0x2f9: {  	s30 =	smov.u32 s28;
	p0 =	por !p0, !p2;
	(v2sf) =	vpush v0, $0x0  }
0x2fa: {  	s19 =	sadd.s32 $0x10, s19;
	p0 =	por !p0, !p0;
	s20 =	spop (v2sf)  }
0x2fb: {  	_ =	sdelay $0x7  }
0x2fc: {  	s0 =	sadd.f32 $-1.000000000e+00, s20  }
0x2fd: {  	s19 =	sadd.f32 $1.930000000e+02, s20  }
0x2fe: {  	s21 =	spop (v2sf);
	[smem:s30+$0x44C] =	sst @p0 s29  }
0x2ff: {  	s22 =	sadd.f32 $-1.000000000e+00, s21  }
0x300: {  	p2 =	sle.f32 s0, $9.999990000e+05;
	p3 =	sgt.f32 s19, $5.120000000e+02  }
0x301: {  	s0 =	sadd.f32 $1.930000000e+02, s21;
	s21 =	simm.s32 $0x1;
	s31 =	spop (v2sf)  }
0x302: {  	p1 =	sle.f32 s22, $9.999990000e+05;
	s21 =	simm.s32 @!p0 $0x0;
	s22 =	sadd.f32 $-1.000000000e+00, s31  }
0x303: {  	p2 =	por !p2, !p3;
	p6 =	sgt.f32 s0, $5.120000000e+02;
	s20 =	sadd.f32 $1.930000000e+02, s31  }
0x304: {  	s0 =	simm.s32 $0x1;
	s19 =	sadd.s32 s21, s28;
	p2 =	por !p2, !p2  }
0x305: {  	s0 =	simm.s32 @!p2 $0x0;
	p4 =	sle.f32 s22, $9.999990000e+05;
	p5 =	sgt.f32 s20, $5.120000000e+02  }
0x306: {  	[smem:s19+$0x44C] =	sst @p2 s18;
	p3 =	por !p1, !p6;
	s18 =	simm.s32 $0x1  }
0x307: {  	s0 =	sadd.s32 s0, s19;
	p0 =	por !p3, !p3;
	p6 =	por !p4, !p5  }
0x308: {  	s19 =	simm.s32 $0x1;
	s18 =	simm.s32 @!p0 $0x0;
	p1 =	por !p6, !p6  }
0x309: {  	[smem:s0+$0x44C] =	sst @p0 s26;
	s18 =	sadd.s32 s18, s0;
	s19 =	simm.s32 @!p1 $0x0  }
0x30a: {  	[smem:s18+$0x44C] =	sst @p1 s1;
	s31 =	sadd.s32 s19, s18  }
0x30b: {  	[smem:$0x516] =	sst s31  }
.LBB2_45:
.Ltmp22:
0x30c: {  	(pc) =	sbr.rel .LBB2_46-.Ltmp22, $2  }
0x30d: {  	_ =	sdelay $0x2  }
0x30e: {  	s26 =	simm.s32 $0x0  }
.LBB2_47:
0x30f: {  	v0 =	vimm.s32 $0x0;
	v2 =	vimm.f32 $0.0e+00;
	vm1 =	vmmov vm0  }
0x310: {  	v3 =	vimm.f32 $0.0e+00;
	v4 =	vimm.f32 $0.0e+00;
	v1 =	vimm.f32 $0.0e+00  }
.LBB2_57:
0x311: {  	v5 =	vmax.f32 v2, $0.0e+00  }
0x312: {  	v6 =	vmax.f32 v3, $0.0e+00;
	v7 =	vmax.f32 v4, $0.0e+00;
	v8 =	vmax.f32 v1, $0.0e+00  }
0x313: {  	v9 =	vmax.f32 v5, v7;
	v10 =	vmax.f32 v6, v8  }
0x314: {  	v9 =	vmul.f32 v10, v9;
	_ =	sdelay $0x1  }
0x315: {  	v9 =	vadd.f32 $1.000000010e-10, v9;
	_ =	sdelay $0x1  }
0x316: {  	(erf) = vrcp.f32 v9;
	_ =	sdelay $0x6  }
0x317: {  	v5 =	vmin.f32 v5, v7;
	v6 =	vmin.f32 v6, v8  }
0x318: {  	v5 =	vmul.f32 v6, v5  }
0x319: {  	v55 =	vpop (erf)  }
0x31a: {  	v5 =	vmul.f32 v55, v5;
	_ =	sdelay $0x1  }
0x31b: {  	v6 =	vnsel vm1, $0x3F800000, v5  }
0x31c: {  	v56 =	vshra.s32 v6, $0x1;
	v6 =	vmul.f32 $5.000000000e-01, v6  }
0x31d: {  	v7 =	vsub.s32 $0x5F3759DF, v56  }
0x31e: {  	v57 =	vmul.f32 v7, v6;
	_ =	sdelay $0x1  }
0x31f: {  	v8 =	vmul.f32 v7, v57;
	_ =	sdelay $0x1  }
0x320: {  	v8 =	vsub.f32 $1.500000000e+00, v8;
	_ =	sdelay $0x1  }
0x321: {  	v7 =	vmul.f32 v7, v8;
	_ =	sdelay $0x1  }
0x322: {  	v8 =	vmul.f32 v7, v6;
	_ =	sdelay $0x1  }
0x323: {  	v8 =	vmul.f32 v8, v7;
	_ =	sdelay $0x1  }
0x324: {  	v8 =	vsub.f32 $1.500000000e+00, v8;
	_ =	sdelay $0x1  }
0x325: {  	v7 =	vmul.f32 v8, v7;
	_ =	sdelay $0x1  }
0x326: {  	v6 =	vmul.f32 v7, v6;
	_ =	sdelay $0x1  }
0x327: {  	v6 =	vmul.f32 v6, v7  }
0x328: {  	s0 =	smul.u32 $0x2B0, s28  }
0x329: {  	v6 =	vsub.f32 $1.500000000e+00, v6  }
0x32a: {  	v58 =	vnsel vm1, $0xBF800000, v2;
	s0 =	sadd.s32 s0, s30  }
0x32b: {  	v60 =	vnsel vm1, $0xBF800000, v3;
	[tilespmem:s0+$0x8D80] =	vst v58;
	v59 =	vmul.f32 v6, v7  }
0x32c: {  	v61 =	vnsel vm1, $0xBF800000, v4;
	s1 =	smul.u32 $0x5600, s28;
	[tilespmem:s0+$0x9880] =	vst v60  }
0x32d: {  	v62 =	vnsel vm1, $0xBF800000, v1;
	s18 =	sshll.u32 s29, $0x4;
	[tilespmem:s0+$0xA380] =	vst v61;
	v2 =	vmul.f32 v59, v5  }
0x32e: {  	v0 =	vnsel vm1, $0x0, v0;
	s1 =	sadd.s32 s1, s18;
	[tilespmem:s0+$0xAE80] =	vst v62  }
0x32f: {  	[tilespmem:s0+$0x7780] =	vst v0;
	s1 =	sshrl.u32 s1, $0x3;
	v63 =	vnsel vm1, $0xBF800000, v2  }
0x330: {  	s31 =	sadd.s32 $0x7780, s0;
	s19 =	sadd.s32 s2, s1;
	[tilespmem:s0+$0x8280] =	vst v63  }
0x331: {  	[hbm4b:s19+s3] =	stream.linear.scatter [tilespmem:s31], [sflag:$0x2], $0x10, $0x38;
	[tilespmem:$0xB980] =	vst v63  }
0x332: {  	s20 =	sadd.s32 s7, s1;
	s19 =	sadd.s32 $0x8280, s0  }
0x333: {  	[hbm4b:s20+s3] =	stream.linear.scatter [tilespmem:s19], [sflag:$0x2], $0x10, $0x38;
	[tilespmem:$0xB980] =	vst v63  }
0x334: {  	s26 =	sadd.s32 $0x1, s26;
	s21 =	sadd.s32 $0x8D80, s0;
	s22 =	sadd.s32 s8, s1  }
0x335: {  	[hbm4b:s22+s3] =	stream.linear.scatter [tilespmem:s21], [sflag:$0x2], $0x10, $0x38;
	[tilespmem:$0xB980] =	vst v63  }
0x336: {  	p0 =	sne.s32 s26, $0xAC;
	s28 =	sadd.s32 $0x9880, s0;
	s29 =	sadd.s32 s9, s1  }
0x337: {  	[hbm4b:s29+s3] =	stream.linear.scatter [tilespmem:s28], [sflag:$0x2], $0x10, $0x38;
	[tilespmem:$0xB980] =	vst v63  }
.Ltmp23:
0x338: {  	_ = 	snop;
	(pc) =	sbr.rel @!p0 .LBB2_58-.Ltmp23, $4  }
0x339: {  	s30 =	sadd.s32 $0xA380, s0;
	s31 =	sadd.s32 s10, s1  }
0x33a: {  	[hbm4b:s31+s3] =	stream.linear.scatter [tilespmem:s30], [sflag:$0x2], $0x10, $0x38;
	[tilespmem:$0xB980] =	vst v63  }
0x33b: {  	s0 =	sadd.s32 $0xAE80, s0;
	s1 =	sadd.s32 s11, s1  }
0x33c: {  	[hbm4b:s1+s3] =	stream.linear.scatter [tilespmem:s0], [sflag:$0x2], $0x10, $0x38;
	[tilespmem:$0xB980] =	vst v63  }
.LBB2_46:
0x33d: {  	s0 =	smul.u32 $0xBF, s26;
	_ =	sdelay $0x1  }
0x33e: {  	s0 =	sshrl.u32 s0, $0xD  }
0x33f: {  	s28 =	sand.u32 $0x7, s0  }
0x340: {  	s0 =	smul.u32 $0xFFFFFFD5, s28;
	_ =	sdelay $0x1  }
0x341: {  	s0 =	sadd.s32 s26, s0  }
0x342: {  	s1 =	sshll.u32 s0, $0x5  }
0x343: {  	s29 =	sor.u32 s4, s1  }
0x344: {  	s18 =	simm.s32 $0x1;
	s19 =	simm.s32 $0x1;
	p0 =	sgt.s32 s29, $0x3FF  }
0x345: {  	s22 =	smul.u32 $0x6, s28;
	s18 =	simm.s32 @!p0 $0x0;
	p0 =	sgt.s32 s29, $0x4FF  }
0x346: {  	s20 =	simm.s32 $0x1;
	s31 =	simm.s32 $0x1;
	s19 =	simm.s32 @!p0 $0x0  }
0x347: {  	s21 =	simm.s32 $0x1;
	p0 =	sgt.s32 s29, $0x53F;
	s1 =	sor.u32 s19, s22  }
0x348: {  	p1 =	sgt.s32 s29, $0x54F;
	s20 =	simm.s32 @!p0 $0x0;
	s1 =	sadd.s32 s18, s1  }
0x349: {  	s31 =	simm.s32 @!p1 $0x0;
	p0 =	sgt.s32 s29, $0x553;
	s1 =	sadd.s32 s20, s1  }
0x34a: {  	s21 =	simm.s32 @!p0 $0x0;
	s1 =	sadd.s32 s31, s1  }
0x34b: {  	s1 =	sadd.s32 s21, s1  }
0x34c: {  	s1 =	sld [smem:s1+$0x500];
	_ =	sdelay $0x2  }
0x34d: {  	p0 =	slt.s32 s1, $0x1  }
.Ltmp24:
0x34e: {  	_ = 	snop;
	(pc) =	sbr.rel @p0 .LBB2_47-.Ltmp24, $2  }
0x34f: {  	_ =	sdelay $0x2  }
0x350: {  	s30 =	sshll.u32 s0, $0x4  }
0x351: {  	s0 =	smulhi.u32 $0x2FA0BE83, s26;
	_ =	sdelay $0x1  }
0x352: {  	s0 =	sshrl.u32 s0, $0x3  }
0x353: {  	s0 =	smul.u32 $0x6, s0;
	_ =	sdelay $0x1  }
0x354: {  	s0 =	sadd.s32 s19, s0  }
0x355: {  	s0 =	sadd.s32 s18, s0  }
0x356: {  	s0 =	sadd.s32 s20, s0  }
0x357: {  	s0 =	sadd.s32 s31, s0  }
0x358: {  	s22 =	smul.u32 $0x320, s28;
	s0 =	sadd.s32 s21, s0  }
0x359: {  	s0 =	smul.u32 $0xC8, s0;
	_ =	sdelay $0x1  }
0x35a: {  	v7 =	vld [tilespmem:s30+$0x6880];
	v2 =	vmov s22;
	s18 =	sshra.s32 s0, $0x2  }
0x35b: {  	v8 =	vld [tilespmem:s30+$0x6B80];
	p2 =	sne.s32 s1, $0x1;
	s0 =	sld [smem:s18+$0x0]  }
.Ltmp25:
0x35c: {  	v6 =	vld [tilespmem:s30+$0x6E80];
	(pc) =	sbr.rel @!p2 .LBB2_49-.Ltmp25, $4  }
0x35d: {  	v4 =	vld [tilespmem:s30+$0x7180]  }
0x35e: {  	v3 =	vld [tilespmem:s30+$0x7480];
	s31 =	sshll.u32 s0, $0x4  }
0x35f: {  	v14 =	vld.idx.msk [tilespmem:v2+s31+$0x3680 ss:$0x1], $0xffff  }
0x360: {  	v5 =	vimm.f32 $1.000000000e+08;
	v1 =	vimm.f32 $0.0e+00;
	v0 =	vimm.s32 $0x0;
	p0 =	por $0x0, $0x0;
	p1 =	por $0x0, $0x0;
	s19 =	sadd.s32 $0xFFFFFFFF, s1;
	v9 =	vld.idx.msk [tilespmem:v2+s31+$0x480 ss:$0x1], $0xffff  }
0x361: {  	_ =	sdelay $0x3  }
0x362: {  	v11 =	vld.idx.msk [tilespmem:v2+s31+$0x1100 ss:$0x1], $0xffff  }
0x363: {  	v12 =	vld.idx.msk [tilespmem:v2+s31+$0x1D80 ss:$0x1], $0xffff  }
0x364: {  	v13 =	vld.idx.msk [tilespmem:v2+s31+$0x2A00 ss:$0x1], $0xffff  }
0x365: {  	v15 =	vld.idx.msk [tilespmem:v2+s31+$0x4300 ss:$0x1], $0xffff;
	s1 =	sadd.s32 $0x1, s18  }
0x366: {  	p2 =	sne.s32 s19, $0x1;
	s0 =	sld [smem:s1+$0x0]  }
.Ltmp26:
0x367: {  	_ = 	snop;
	(pc) =	sbr.rel @!p2 .LBB2_51-.Ltmp26, $4  }
0x368: {  	v24 =	vsub.f32 v7, v9;
	v11 =	vsub.f32 v8, v11  }
0x369: {  	v10 =	vld.idx.msk [tilespmem:v2+s31+$0x4F80 ss:$0x1], $0xffff;
	s31 =	sshll.u32 s0, $0x4;
	v12 =	vsub.f32 v12, v7;
	v13 =	vsub.f32 v13, v8  }
0x36a: {  	v29 =	vsub.f32 v7, v14;
	v22 =	vld.idx.msk [tilespmem:v2+s31+$0x3680 ss:$0x1], $0xffff;
	v27 =	vsub.f32 v8, v15  }
0x36b: {  	s18 =	sadd.s32 $0xFFFFFFFF, s19;
	p0 =	por $0x1, $0x1;
	v9 =	vld.idx.msk [tilespmem:v2+s31+$0x480 ss:$0x1], $0xffff;
	v25 =	vadd.f32 v12, v24;
	v26 =	vadd.f32 v13, v11;
	v30 =	vmin.f32 v24, v11  }
0x36c: {  	_ =	sdelay $0x3  }
0x36d: {  	v14 =	vmin.f32 v12, v13;
	v15 =	vmax.f32 v24, v11;
	v16 =	vmax.f32 v12, v13;
	v17 =	vld.idx.msk [tilespmem:v2+s31+$0x1100 ss:$0x1], $0xffff  }
0x36e: {  	v18 =	vld.idx.msk [tilespmem:v2+s31+$0x1D80 ss:$0x1], $0xffff;
	v19 =	vand.u32 $0x7FFFFFFF, v27;
	v23 =	vimm.f32 $0.0e+00;
	v28 =	vimm.s32 $0x0  }
0x36f: {  	v21 =	vld.idx.msk [tilespmem:v2+s31+$0x4300 ss:$0x1], $0xffff;
	v14 =	vmin.f32 v30, v14;
	v15 =	vmax.f32 v15, v16;
	v16 =	vand.u32 $0x7FFFFFFF, v29  }
0x370: {  	vm1 =	vgt.f32 v14, $0.0e+00;
	vm2 =	vgt.f32 v15, v6;
	v14 =	vld.idx.msk [tilespmem:v2+s31+$0x2A00 ss:$0x1], $0xffff;
	v16 =	vmax.f32 v16, v19  }
0x371: {  	s1 =	sadd.s32 $0x1, s1;
	vm1 =	vmand vm1, vm2;
	vm2 =	vle.f32 v15, v4;
	v15 =	vmul.f32 v26, v25  }
0x372: {  	p2 =	sne.s32 s18, $0x1;
	s0 =	sld [smem:s1+$0x0];
	v29 =	vsub.f32 v7, v22;
	vm1 =	vmand vm2, vm1;
	vm2 =	vlt.f32 v16, v3  }
.Ltmp27:
0x373: {  	v31 =	vsub.f32 v7, v9;
	vm1 =	vmand vm1, vm2;
	v17 =	vsub.f32 v8, v17;
	(pc) =	sbr.rel @!p2 .LBB2_53-.Ltmp27, $4  }
0x374: {  	v19 =	vld.idx.msk [tilespmem:v2+s31+$0x4F80 ss:$0x1], $0xffff;
	v16 =	vsub.f32 v18, v7;
	v27 =	vsub.f32 v8, v21;
	v18 =	vimm.f32 $0.0e+00  }
0x375: {  	s31 =	sshll.u32 s0, $0x4;
	v21 =	vimm.f32 $0.0e+00;
	v20 =	vnsel vm1, $0x4CBEBC20, v15;
	v15 =	vsub.f32 v14, v8  }
0x376: {  	v9 =	vld.idx.msk [tilespmem:v2+s31+$0x480 ss:$0x1], $0xffff;
	vm1 =	vlt.f32 v20, v5;
	v25 =	vadd.f32 v16, v31;
	v30 =	vmin.f32 v31, v17  }
0x377: {  	s18 =	sadd.s32 $0xFFFFFFFF, s18;
	p1 =	por $0x1, $0x1;
	v14 =	vld.idx.msk [tilespmem:v2+s31+$0x3680 ss:$0x1], $0xffff;
	v20 =	vsel vm1, v20, v5;
	v22 =	vsel vm1, v24, v1;
	v26 =	vadd.f32 v15, v17  }
.LBB2_54:
0x378: {  	p2 =	sne.s32 s18, $0x1;
	v24 =	vld.idx.msk [tilespmem:v2+s31+$0x1100 ss:$0x1], $0xffff;
	v32 =	vmin.f32 v16, v15;
	v36 =	vmax.f32 v31, v17;
	v34 =	vmax.f32 v16, v15  }
0x379: {  	v29 =	vand.u32 $0x7FFFFFFF, v29;
	v33 =	vmovc v19;
	v35 =	vld.idx.msk [tilespmem:v2+s31+$0x1D80 ss:$0x1], $0xffff;
	v37 =	vmin.f32 v30, v32;
	v32 =	vmax.f32 v36, v34  }
0x37a: {  	v19 =	vand.u32 $0x7FFFFFFF, v27;
	v30 =	vmovc v31;
	v34 =	vld.idx.msk [tilespmem:v2+s31+$0x2A00 ss:$0x1], $0xffff;
	vm2 =	vgt.f32 v37, $0.0e+00;
	vm3 =	vgt.f32 v32, v6  }
0x37b: {  	v29 =	vmax.f32 v29, v19;
	v27 =	vld.idx.msk [tilespmem:v2+s31+$0x4300 ss:$0x1], $0xffff;
	vm2 =	vmand vm2, vm3;
	vm3 =	vle.f32 v32, v4  }
0x37c: {  	s1 =	sadd.s32 $0x1, s1;
	v25 =	vmul.f32 v26, v25;
	v19 =	vld.idx.msk [tilespmem:v2+s31+$0x4F80 ss:$0x1], $0xffff;
	vm2 =	vmand vm3, vm2;
	vm3 =	vlt.f32 v29, v3  }
0x37d: {  	v18 =	vsel vm1, v11, v18;
	v21 =	vsel vm1, v12, v21;
	v11 =	vmovc v17;
	v12 =	vmovc v16;
	s0 =	sld [smem:s1+$0x0];
	vm2 =	vmand vm2, vm3  }
.Ltmp28:
0x37e: {  	v23 =	vsel vm1, v13, v23;
	v28 =	vsel vm1, v10, v28;
	v13 =	vmovc v15;
	v10 =	vmovc v33;
	v25 =	vnsel vm2, $0x4CBEBC20, v25;
	(pc) =	sbr.rel @p2 .LBB2_54-.Ltmp28, $4  }
0x37f: {  	v31 =	vsub.f32 v7, v9;
	v17 =	vsub.f32 v8, v24;
	vm1 =	vlt.f32 v25, v20  }
0x380: {  	v16 =	vsub.f32 v35, v7;
	v15 =	vsub.f32 v34, v8;
	s31 =	sshll.u32 s0, $0x4;
	v20 =	vsel vm1, v25, v20  }
0x381: {  	v29 =	vsub.f32 v7, v14;
	v27 =	vsub.f32 v8, v27;
	v22 =	vsel vm1, v30, v22;
	v14 =	vld.idx.msk [tilespmem:v2+s31+$0x3680 ss:$0x1], $0xffff  }
0x382: {  	s18 =	sadd.s32 $0xFFFFFFFF, s18;
	v25 =	vadd.f32 v16, v31;
	v30 =	vmin.f32 v31, v17;
	v26 =	vadd.f32 v15, v17;
	v9 =	vld.idx.msk [tilespmem:v2+s31+$0x480 ss:$0x1], $0xffff  }
0x383: {  	v24 =	vmov v31  }
.LBB2_56:
0x384: {  	_ = 	snop  }
0x385: {  	v31 =	vmin.f32 @p0 v16, v15;
	v32 =	vmax.f32 @p0 v24, v17  }
0x386: {  	v33 =	vmax.f32 @p0 v16, v15;
	v29 =	vand.u32 @p0 $0x7FFFFFFF, v29;
	v27 =	vand.u32 @p0 $0x7FFFFFFF, v27  }
0x387: {  	v25 =	vmul.f32 @p0 v26, v25;
	v11 =	vsel @p1 vm1, v11, v18;
	v12 =	vsel @p1 vm1, v12, v21  }
0x388: {  	v34 =	vld.idx.msk [tilespmem:v2+s31+$0x1100 ss:$0x1], $0xffff;
	v13 =	vsel @p1 vm1, v13, v23;
	v10 =	vsel @p1 vm1, v10, v28;
	v16 =	vpsel p0, v16, v0  }
0x389: {  	v50 =	vld.idx.msk [tilespmem:v2+s31+$0x1D80 ss:$0x1], $0xffff;
	v15 =	vpsel p0, v15, v0;
	v19 =	vpsel p0, v19, v0;
	v30 =	vmin.f32 @p0 v30, v31  }
0x38a: {  	v51 =	vld.idx.msk [tilespmem:v2+s31+$0x2A00 ss:$0x1], $0xffff;
	v31 =	vmax.f32 @p0 v32, v33;
	v27 =	vmax.f32 @p0 v29, v27;
	v11 =	vpsel p1, v11, v1  }
0x38b: {  	v52 =	vld.idx.msk [tilespmem:v2+s31+$0x4300 ss:$0x1], $0xffff;
	v12 =	vpsel p1, v12, v1;
	vm2 =	vgt.f32 @p0 v30, $0.0e+00;
	vm3 =	vgt.f32 @p0 v31, v6  }
0x38c: {  	v13 =	vpsel p1, v13, v1;
	vm2 =	vmand @p0 vm2, vm3;
	vm3 =	vle.f32 @p0 v31, v4  }
0x38d: {  	v9 =	vsub.f32 v7, v9;
	vm2 =	vmand @p0 vm3, vm2;
	vm3 =	vlt.f32 @p0 v27, v3  }
0x38e: {  	vm2 =	vmand @p0 vm2, vm3;
	v53 =	vsub.f32 v8, v34;
	v54 =	vsub.f32 v50, v7  }
0x38f: {  	v55 =	vsub.f32 v51, v8;
	v7 =	vsub.f32 v7, v14;
	v14 =	vmovc @p0 v17;
	v18 =	vnsel @p0 vm2, $0x4CBEBC20, v25  }
0x390: {  	v56 =	vsub.f32 v8, v52;
	v14 =	vpsel p0, v14, v0;
	vm1 =	vlt.f32 @p0 v18, v20  }
0x391: {  	v57 =	vadd.f32 v54, v9;
	v58 =	vadd.f32 v55, v53;
	v59 =	vmin.f32 v9, v53  }
0x392: {  	v60 =	vmin.f32 v54, v55;
	v61 =	vmax.f32 v9, v53;
	v62 =	vmax.f32 v54, v55  }
0x393: {  	v7 =	vand.u32 $0x7FFFFFFF, v7;
	v8 =	vand.u32 $0x7FFFFFFF, v56;
	v18 =	vsel @p0 vm1, v18, v20  }
0x394: {  	v17 =	vsel @p0 vm1, v24, v22;
	v24 =	vmin.f32 v59, v60;
	v63 =	vmax.f32 v61, v62  }
0x395: {  	vm1 =	vmmov @p0 vm1;
	vm2 =	vgt.f32 v24, $0.0e+00;
	vm3 =	vgt.f32 v63, v6  }
0x396: {  	v6 =	vmax.f32 v7, v8;
	vm2 =	vmand vm2, vm3;
	vm3 =	vle.f32 v63, v4  }
0x397: {  	v4 =	vmul.f32 v58, v57;
	vm2 =	vmand vm3, vm2;
	vm3 =	vlt.f32 v6, v3  }
0x398: {  	v5 =	vpsel p0, v18, v5;
	v7 =	vsel @p0 vm1, v14, v11;
	vm2 =	vmand vm2, vm3  }
0x399: {  	v8 =	vsel @p0 vm1, v16, v12;
	v3 =	vpsel p1, v10, v0;
	v6 =	vld.idx.msk [tilespmem:v2+s31+$0x4F80 ss:$0x1], $0xffff;
	v4 =	vnsel vm2, $0x4CBEBC20, v4  }
.Ltmp29:
0x39a: {  	v2 =	vpsel p0, v17, v1;
	v3 =	vsel @p0 vm1, v19, v3;
	vm2 =	vlt.f32 v4, v5;
	(pc) =	sbr.rel .LBB2_57-.Ltmp29, $4  }
0x39b: {  	v10 =	vsel @p0 vm1, v15, v13;
	v0 =	vpsel p0, v3, v0;
	v5 =	vsel vm2, v4, v5  }
0x39c: {  	v2 =	vsel vm2, v9, v2;
	v4 =	vpsel p0, v7, v1;
	v7 =	vpsel p0, v8, v1  }
0x39d: {  	v1 =	vpsel p0, v10, v1;
	v3 =	vsel vm2, v53, v4;
	v4 =	vsel vm2, v54, v7  }
0x39e: {  	v1 =	vsel vm2, v55, v1;
	v0 =	vsel vm2, v6, v0;
	vm1 =	vlt.f32 v5, $1.000000000e+08  }
.LBB2_49:
.Ltmp30:
0x39f: {  	(pc) =	sbr.rel .LBB2_56-.Ltmp30, $3  }
0x3a0: {  	_ =	sdelay $0x1  }
0x3a1: {  	v18 =	vimm.f32 $0.0e+00;
	v21 =	vimm.f32 $0.0e+00;
	v23 =	vimm.f32 $0.0e+00  }
0x3a2: {  	v28 =	vimm.s32 $0x0;
	v20 =	vimm.f32 $1.000000000e+08;
	v22 =	vimm.f32 $0.0e+00  }
.LBB2_51:
.Ltmp31:
0x3a3: {  	(pc) =	sbr.rel .LBB2_56-.Ltmp31, $4  }
0x3a4: {  	_ = 	snop  }
0x3a5: {  	v16 =	vmov v12  }
0x3a6: {  	v15 =	vmovc v13;
	v17 =	vmovc v11;
	v18 =	vimm.f32 $0.0e+00;
	v21 =	vimm.f32 $0.0e+00;
	v23 =	vimm.f32 $0.0e+00  }
0x3a7: {  	v28 =	vimm.s32 $0x0;
	v20 =	vimm.f32 $1.000000000e+08;
	v19 =	vmovc v10;
	v14 =	vmovc v22;
	v22 =	vimm.f32 $0.0e+00  }
.LBB2_53:
.Ltmp32:
0x3a8: {  	(pc) =	sbr.rel .LBB2_56-.Ltmp32, $3  }
0x3a9: {  	_ =	sdelay $0x1  }
0x3aa: {  	v18 =	vimm.f32 $0.0e+00  }
0x3ab: {  	v24 =	vmovc v31;
	v21 =	vimm.f32 $0.0e+00;
	v23 =	vimm.f32 $0.0e+00;
	v28 =	vimm.s32 $0x0  }
.LBB2_58:
0x3ac: {  	_ =	swait.ge [sflag:s24], $0x10  }
0x3ad: {  	[sflag:s24] =	ssyncset.done $0x0  }
0x3ae: {  	[sflag:s24] =	ssyncadd.s32 $0xFFFFFFF0  }
0x3af: {  	_ =	swait.ge [sflag:s24], $0x10  }
0x3b0: {  	[sflag:s24] =	ssyncset.done $0x0  }
0x3b1: {  	[sflag:s24] =	ssyncadd.s32 $0xFFFFFFF0  }
0x3b2: {  	_ =	swait.ge [sflag:s24], $0x10  }
0x3b3: {  	[sflag:s24] =	ssyncset.done $0x0  }
0x3b4: {  	[sflag:s24] =	ssyncadd.s32 $0xFFFFFFF0  }
0x3b5: {  	_ =	swait.ge [sflag:s24], $0x10  }
0x3b6: {  	[sflag:s24] =	ssyncset.done $0x0  }
0x3b7: {  	[sflag:s24] =	ssyncadd.s32 $0xFFFFFFF0  }
0x3b8: {  	_ =	swait.ge [sflag:s24], $0x10  }
0x3b9: {  	[sflag:s24] =	ssyncset.done $0x0  }
0x3ba: {  	[sflag:s24] =	ssyncadd.s32 $0xFFFFFFF0  }
0x3bb: {  	_ =	swait.ge [sflag:s24], $0x10  }
0x3bc: {  	s1 =	simm.s32 $0xAB;
	[sflag:s24] =	ssyncset.done $0x0  }
.LBB2_59:
0x3bd: {  	p0 =	sne.s32 s1, $0x1;
	s1 =	sadd.s32 $0xFFFFFFFF, s1;
	[sflag:s24] =	ssyncadd.s32 $0xFFFFFFF0  }
0x3be: {  	_ =	swait.ge [sflag:s24], $0x10  }
0x3bf: {  	[sflag:s24] =	ssyncset.done $0x0  }
0x3c0: {  	[sflag:s24] =	ssyncadd.s32 $0xFFFFFFF0  }
0x3c1: {  	_ =	swait.ge [sflag:s24], $0x10  }
0x3c2: {  	[sflag:s24] =	ssyncset.done $0x0  }
0x3c3: {  	[sflag:s24] =	ssyncadd.s32 $0xFFFFFFF0  }
0x3c4: {  	_ =	swait.ge [sflag:s24], $0x10  }
0x3c5: {  	[sflag:s24] =	ssyncset.done $0x0  }
0x3c6: {  	[sflag:s24] =	ssyncadd.s32 $0xFFFFFFF0  }
0x3c7: {  	_ =	swait.ge [sflag:s24], $0x10  }
0x3c8: {  	[sflag:s24] =	ssyncset.done $0x0  }
0x3c9: {  	[sflag:s24] =	ssyncadd.s32 $0xFFFFFFF0  }
.Ltmp33:
0x3ca: {  	_ =	swait.ge [sflag:s24], $0x10;
	(pc) =	sbr.rel @p0 .LBB2_59-.Ltmp33, $4  }
0x3cb: {  	[sflag:s24] =	ssyncset.done $0x0  }
0x3cc: {  	[sflag:s24] =	ssyncadd.s32 $0xFFFFFFF0  }
0x3cd: {  	_ =	swait.ge [sflag:s24], $0x10  }
0x3ce: {  	[sflag:s24] =	ssyncset.done $0x0  }
0x3cf: {  	s25 =	sadd.s32 $0x1, s25  }
0x3d0: {  	p0 =	sne.s32 s25, s17  }
.Ltmp34:
0x3d1: {  	_ = 	snop;
	(pc) =	sbr.rel @p0 .LBB2_1-.Ltmp34, $2  }
0x3d2: {  	_ =	sdelay $0x2  }
0x3d3: {  	[sflag:s24] =	ssyncadd.s32 $0xFFFFFFF0  }
0x3d4: {  	_ =	sfence.sel $0x180000  }
0x3d5: {  	[bflag:$0x0] =	sbarrier.arrive $0xFFFF  }
0x3d6: {  	_ =	strace $0x90000047  }
0x3d7: {  	s0 =	stileid.u32;
	[bflag:$0x2] =	sbarrier.arrive $0xFFFF  }
0x3d8: {  	p0 =	sne.s32 s0, $0x0;
	s0 =	rddreg [dreg:$0x5]  }
0x3d9: {  	s0 =	sadd.s32 @!p0 $0x100000, s0  }
0x3da: {  	[sflag:s0] =	ssyncadd.tile.s32 @!p0 $0x1;
	_ =	shalt  }
.Lfunc_end2:
_tile_overlayer_lowered:
.L_overlay_start_2:
0x3db: {  	(tag) =	ssettag $0x2  }
0x3dc: {  	s0 =	rddreg [dreg:$0x0];
	s2 =	stileid.u32  }
0x3dd: {  	s1 =	rddreg [dreg:$0x1];
	p0 =	sne.s32 s2, $0x0  }
0x3de: {  	s3 =	rddreg [dreg:$0x2];
	[bflag:$0x3] =	sbarrier.arrive $0xFFFF;
	s2 =	simm.s32 @!p0 $0x1C03  }
0x3df: {  	[timem:s3], [sflag:s2] =	dma.local @!p0 [hbm:s0], s1  }
0x3e0: {  	s0 =	simm.s32 @!p0 $0x3  }
0x3e1: {  	_ =	swait.ge @!p0 [sflag:s0], s1  }
0x3e2: {  	s1 =	ssub.s32 @!p0 $0x0, s1;
	[sflag:s0] =	ssyncset.done @!p0 $0x0  }
0x3e3: {  	[sflag:s0] =	ssyncadd.s32 @!p0 s1  }
0x3e4: {  	[bflag:$0x3] =	sbarrier.arrive $0xFFFF  }
0x3e5: {  	_ =	shalt  }

</sc_bundles>
